<compile_context>
chip_gen: v7x
topology: tpu7x:2x2x1
jax: 0.10.2.dev20260603
libtpu: 0.0.44.dev20260713+nightly
codegen_flags: <defaults>
</compile_context>

<pallas_src>
import functools
import math

import jax
import jax.numpy as jnp
from jax import lax
from jax.experimental import pallas as pl
from jax.experimental.pallas import tpu as pltpu
from jax.experimental.pallas import tpu_sc as plsc

_N = 1024
_SIZE = 100000
_PAD = 0
_SMOOTH = 0.1
_CONF = 1.0 - _SMOOTH
_EPS = _SMOOTH / (_SIZE - 2)
_CCONST = (_SIZE - 2) * _EPS * math.log(_EPS) + _CONF * math.log(_CONF)

_NTILES = 32
_RPT = _N // _NTILES

_BR = 32


def _tc_body(x_ref, t_ref, out_ref):
    i = pl.program_id(0)
    xb = x_ref[...]
    rowsum = jnp.sum(xb, axis=1, keepdims=True)
    per_row = _CCONST + _EPS * (x_ref[:, 0:1] - rowsum)
    valid = t_ref[...] != _PAD
    part = jnp.sum(jnp.where(valid, per_row, 0.0))

    @pl.when(i == 0)
    def _():
        out_ref[...] = jnp.broadcast_to(part, (1, 1))

    @pl.when(i > 0)
    def _():
        out_ref[...] += part


_tc_call = pl.pallas_call(
    _tc_body,
    grid=(_N // _BR,),
    in_specs=[
        pl.BlockSpec((_BR, _SIZE), lambda i: (i, 0)),
        pl.BlockSpec((_BR, 1), lambda i: (i, 0)),
    ],
    out_specs=pl.BlockSpec((1, 1), lambda i: (0, 0)),
    out_shape=jax.ShapeDtypeStruct((1, 1), jnp.float32),
    compiler_params=pltpu.CompilerParams(
        dimension_semantics=("arbitrary",),
    ),
)


def _sc_gather_body(x_hbm, t_hbm, out_hbm, tv, rowbuf, accbuf):
    c = lax.axis_index("c")
    s = lax.axis_index("s")
    wid = s * 2 + c
    base = wid * _RPT
    pltpu.sync_copy(t_hbm.at[pl.ds(base, _RPT)], tv)
    iota = lax.broadcasted_iota(jnp.int32, (16,), 0)
    acc = jnp.zeros((16,), jnp.float32)
    for k in range(_RPT):
        t = tv[pl.ds((k // 16) * 16, 16)][k % 16]
        off = (t // 16) * 16
        pltpu.sync_copy(x_hbm.at[base + k, pl.ds(off, 16)], rowbuf)
        valid = jnp.minimum(jnp.abs(t), 1)
        ind = jnp.maximum(1 - jnp.abs(iota - (t - off)), 0) * valid
        acc = acc + rowbuf[...] * ind.astype(jnp.float32)
    accbuf[...] = acc * (_EPS - _CONF)
    pltpu.sync_copy(accbuf, out_hbm.at[pl.ds(wid * 16, 16)])


@functools.cache
def _get_sc_call():
    return functools.partial(
        pl.kernel,
        out_type=jax.ShapeDtypeStruct((_NTILES * 16,), jnp.float32),
        mesh=plsc.VectorSubcoreMesh(core_axis_name="c", subcore_axis_name="s"),
        scratch_types=[
            pltpu.VMEM((_RPT,), jnp.int32),
            pltpu.VMEM((16,), jnp.float32),
            pltpu.VMEM((16,), jnp.float32),
        ],
    )(_sc_gather_body)


def kernel(x, target):
    target = target.astype(jnp.int32)
    sc_out = _get_sc_call()(x, target)
    tc_out = _tc_call(x, target.reshape(_N, 1))
    return tc_out[0, 0] + jnp.sum(sc_out)

# --- scband reference (transcript-rebuilt; emitter-appended) ---
"""Pipeline reference for scband-label-smoothing-33011118637680 (READ-ONLY COPY).

The authoritative reference and input builder live on the scoring server;
editing this copy changes nothing except your own understanding.
"""

import jax, jax.numpy as jnp
import numpy as np

SIZE = 100000
PADDING_IDX = 0
SMOOTHING = 0.1
CONFIDENCE = 1.0 - SMOOTHING

def setup_inputs(seed: int = 0) -> dict:
    key = jax.random.key(seed)
    kx, kt = jax.random.split(key)
    x = jax.random.normal(kx, (1024, SIZE), dtype=jnp.float32)
    target = jax.random.randint(kt, (1024,), 0, SIZE, dtype=jnp.int64 if jax.config.jax_enable_x64 else jnp.int32)
    return {"x": x, "target": target}

def _build_true_dist(x, target):
    n = x.shape[0]
    true_dist = jnp.full(x.shape, SMOOTHING / (SIZE - 2), dtype=x.dtype)
    true_dist = true_dist.at[jnp.arange(n), target].set(CONFIDENCE)
    true_dist = true_dist.at[:, PADDING_IDX].set(0.0)
    pad_mask = (target == PADDING_IDX)
    true_dist = jnp.where(pad_mask[:, None], 0.0, true_dist)
    return true_dist

def reference(x, target):
    # KLDivLoss(reduction='sum'): sum over elements of t*(log(t) - input), with 0*log(0)=0
    true_dist = jax.lax.stop_gradient(_build_true_dist(x, target))
    summand = jnp.where(true_dist > 0, true_dist * (jnp.log(jnp.where(true_dist > 0, true_dist, 1.0)) - x), -true_dist * x)
    return jnp.sum(summand)

if __name__ == "__main__":
    import jax
    _d = setup_inputs()
    print(jax.jit(kernel)(*tuple(_d.values())))

</pallas_src>

<mosaic_0001>
#map = affine_map<(d0, d1) -> (0, 0)>
#map1 = affine_map<(d0, d1) -> (0)>
module attributes {stable_mosaic.version = 14 : i64} {
  func.func @_sc_gather_body(%arg0: i32, %arg1: i32, %arg2: memref<1024x100000xf32, #tpu.memory_space<hbm>>, %arg3: memref<1024xi32, #tpu.memory_space<hbm>>, %arg4: memref<512xf32, #tpu.memory_space<hbm>>, %arg5: memref<32xi32, #tpu.memory_space<vmem>>, %arg6: memref<16xf32, #tpu.memory_space<vmem>>, %arg7: memref<16xf32, #tpu.memory_space<vmem>>) attributes {dimension_semantics = [#tpu.dimension_semantics<core_parallel>, #tpu.dimension_semantics<subcore_parallel>], iteration_bounds = array<i64: 2, 16>, scalar_prefetch = 0 : i64, scratch_operands = 3 : i64, tpu.core_type = #tpu.core_type<sc_vector_subcore>, window_params = [{transform_indices = #map}, {transform_indices = #map1}, {transform_indices = #map1}]} {
    %mul3A = arith.constant 2 : i32
    %mul3A_0 = arith.muli %arg1, %mul3A : i32
    %add3A = arith.addi %mul3A_0, %arg0 : i32
    %mul3A_1 = arith.constant 32 : i32
    %mul3A_2 = arith.muli %add3A, %mul3A_1 : i32
    "tpu.region"() ({
      %run_scoped3A = tpu.sem_alloc : memref<!tpu.dma_semaphore, #tpu.memory_space<semaphore_mem>>
      %dma_start3A = tpu.memref_slice %arg3[%mul3A_2] : memref<1024xi32, #tpu.memory_space<hbm>> -> memref<32xi32, #tpu.memory_space<hbm>>
      %dma_start3A_1725 = tpu.memref_slice %arg3[%mul3A_2] : memref<1024xi32, #tpu.memory_space<hbm>> -> memref<32xi32, #tpu.memory_space<hbm>>
      tpu.enqueue_dma source(%dma_start3A_1725 : memref<32xi32, #tpu.memory_space<hbm>>) target(%arg5 : memref<32xi32, #tpu.memory_space<vmem>>) target_semaphore(%run_scoped3A : memref<!tpu.dma_semaphore, #tpu.memory_space<semaphore_mem>>)
      %dma_wait3A = tpu.memref_slice %arg3[%mul3A_2] : memref<1024xi32, #tpu.memory_space<hbm>> -> memref<32xi32, #tpu.memory_space<hbm>>
      %dma_wait3A_1726 = tpu.memref_slice %arg3[%mul3A_2] : memref<1024xi32, #tpu.memory_space<hbm>> -> memref<32xi32, #tpu.memory_space<hbm>>
      tpu.wait_dma2 semaphore(%run_scoped3A : memref<!tpu.dma_semaphore, #tpu.memory_space<semaphore_mem>>) src(%dma_wait3A_1726 : memref<32xi32, #tpu.memory_space<hbm>>) dst(%arg5 : memref<32xi32, #tpu.memory_space<vmem>>)
      tpu.yield
    }) : () -> ()
    %iota3A = tpu.iota {dimensions = array<i32: 0>} : vector<16xi32>
    %broadcast_in_dim3A = arith.constant 0.000000e+00 : f32
    %broadcast_in_dim3A_3 = vector.broadcast %broadcast_in_dim3A : f32 to vector<16xf32>
    %get3A = arith.constant 0 : index
    %get3A_4 = tpu.vector_load %arg5[%get3A] {strides = array<i32>} : memref<32xi32, #tpu.memory_space<vmem>>, vector<16xi32>,
    %get3A_5 = vector.shape_cast %get3A_4 : vector<16xi32> to vector<16xi32>
    %slice3A = vector.extract_strided_slice %get3A_5 {offsets = [0], sizes = [1], strides = [1]} : vector<16xi32> to vector<1xi32>
    %squeeze3A = vector.extract %slice3A[0] : i32 from vector<1xi32>
    %jit3A = arith.constant 16 : i32
    %div3A = arith.divsi %squeeze3A, %jit3A : i32
    %sign3A = arith.constant 0 : i32
    %sign3A_6 = arith.cmpi sgt, %squeeze3A, %sign3A : i32
    %sign3A_7 = arith.extui %sign3A_6 : i1 to i32
    %sign3A_8 = arith.constant 0 : i32
    %sign3A_9 = arith.cmpi slt, %squeeze3A, %sign3A_8 : i32
    %sign3A_10 = arith.extui %sign3A_9 : i1 to i32
    %sign3A_11 = arith.subi %sign3A_7, %sign3A_10 : i32
    %sign3A_12 = arith.constant 0 : i32
    %sign3A_13 = arith.cmpi sgt, %jit3A, %sign3A_12 : i32
    %sign3A_14 = arith.extui %sign3A_13 : i1 to i32
    %sign3A_15 = arith.constant 0 : i32
    %sign3A_16 = arith.cmpi slt, %jit3A, %sign3A_15 : i32
    %sign3A_17 = arith.extui %sign3A_16 : i1 to i32
    %sign3A_18 = arith.subi %sign3A_14, %sign3A_17 : i32
    %ne3A = arith.cmpi ne, %sign3A_11, %sign3A_18 : i32
    %rem3A = arith.remsi %squeeze3A, %jit3A : i32
    %ne3A_19 = arith.constant 0 : i32
    %ne3A_20 = arith.cmpi ne, %rem3A, %ne3A_19 : i32
    %and3A = arith.andi %ne3A, %ne3A_20 : i1
    %sub3A = arith.constant 1 : i32
    %sub3A_21 = arith.subi %div3A, %sub3A : i32
    %select_n3A = arith.select %and3A, %sub3A_21, %div3A : i32
    %mul3A_22 = arith.constant 16 : i32
    %mul3A_23 = arith.muli %select_n3A, %mul3A_22 : i32
    %add3A_24 = arith.constant 0 : i32
    %add3A_25 = arith.addi %mul3A_2, %add3A_24 : i32
    "tpu.region"() ({
      %run_scoped3A = tpu.sem_alloc : memref<!tpu.dma_semaphore, #tpu.memory_space<semaphore_mem>>
      %dma_start3A = tpu.memref_slice %arg2[%add3A_25, %mul3A_23] : memref<1024x100000xf32, #tpu.memory_space<hbm>> -> memref<1x16xf32, #tpu.memory_space<hbm>>
      %dma_start3A_1725 = tpu.memref_squeeze %dma_start3A : memref<1x16xf32, #tpu.memory_space<hbm>> -> memref<16xf32, #tpu.memory_space<hbm>>
      %dma_start3A_1726 = tpu.memref_slice %arg2[%add3A_25, %mul3A_23] : memref<1024x100000xf32, #tpu.memory_space<hbm>> -> memref<1x16xf32, #tpu.memory_space<hbm>>
      %dma_start3A_1727 = tpu.memref_squeeze %dma_start3A_1726 : memref<1x16xf32, #tpu.memory_space<hbm>> -> memref<16xf32, #tpu.memory_space<hbm>>
      tpu.enqueue_dma source(%dma_start3A_1727 : memref<16xf32, #tpu.memory_space<hbm>>) target(%arg6 : memref<16xf32, #tpu.memory_space<vmem>>) target_semaphore(%run_scoped3A : memref<!tpu.dma_semaphore, #tpu.memory_space<semaphore_mem>>)
      %dma_wait3A = tpu.memref_slice %arg2[%add3A_25, %mul3A_23] : memref<1024x100000xf32, #tpu.memory_space<hbm>> -> memref<1x16xf32, #tpu.memory_space<hbm>>
      %dma_wait3A_1728 = tpu.memref_squeeze %dma_wait3A : memref<1x16xf32, #tpu.memory_space<hbm>> -> memref<16xf32, #tpu.memory_space<hbm>>
      %dma_wait3A_1729 = tpu.memref_slice %arg2[%add3A_25, %mul3A_23] : memref<1024x100000xf32, #tpu.memory_space<hbm>> -> memref<1x16xf32, #tpu.memory_space<hbm>>
      %dma_wait3A_1730 = tpu.memref_squeeze %dma_wait3A_1729 : memref<1x16xf32, #tpu.memory_space<hbm>> -> memref<16xf32, #tpu.memory_space<hbm>>
      tpu.wait_dma2 semaphore(%run_scoped3A : memref<!tpu.dma_semaphore, #tpu.memory_space<semaphore_mem>>) src(%dma_wait3A_1730 : memref<16xf32, #tpu.memory_space<hbm>>) dst(%arg6 : memref<16xf32, #tpu.memory_space<vmem>>)
      tpu.yield
    }) : () -> ()
    %abs3A = math.absi %squeeze3A : i32
    %min3A = arith.constant 1 : i32
    %min3A_26 = arith.minsi %abs3A, %min3A : i32
    %sub3A_27 = arith.subi %squeeze3A, %mul3A_23 : i32
    %sub3A_28 = vector.broadcast %sub3A_27 : i32 to vector<16xi32>
    %sub3A_29 = arith.subi %iota3A, %sub3A_28 : vector<16xi32>
    %abs3A_30 = math.absi %sub3A_29 : vector<16xi32>
    %sub3A_31 = arith.constant 1 : i32
    %sub3A_32 = vector.broadcast %sub3A_31 : i32 to vector<16xi32>
    %sub3A_33 = arith.subi %sub3A_32, %abs3A_30 : vector<16xi32>
    %max3A = arith.constant 0 : i32
    %max3A_34 = vector.broadcast %max3A : i32 to vector<16xi32>
    %max3A_35 = arith.maxsi %sub3A_33, %max3A_34 : vector<16xi32>
    %mul3A_36 = vector.broadcast %min3A_26 : i32 to vector<16xi32>
    %mul3A_37 = arith.muli %max3A_35, %mul3A_36 : vector<16xi32>
    %get3A_38 = arith.constant 0 : index
    %get3A_39 = tpu.vector_load %arg6[%get3A_38] {strides = array<i32>} : memref<16xf32, #tpu.memory_space<vmem>>, vector<16xf32>,
    %get3A_40 = vector.shape_cast %get3A_39 : vector<16xf32> to vector<16xf32>
    %convert_element_type3A = arith.sitofp %mul3A_37 : vector<16xi32> to vector<16xf32>
    %mul3A_41 = arith.mulf %get3A_40, %convert_element_type3A : vector<16xf32>
    %add3A_42 = arith.addf %broadcast_in_dim3A_3, %mul3A_41 : vector<16xf32>
    %get3A_43 = arith.constant 0 : index
    %get3A_44 = tpu.vector_load %arg5[%get3A_43] {strides = array<i32>} : memref<32xi32, #tpu.memory_space<vmem>>, vector<16xi32>,
    %get3A_45 = vector.shape_cast %get3A_44 : vector<16xi32> to vector<16xi32>
    %slice3A_46 = vector.extract_strided_slice %get3A_45 {offsets = [1], sizes = [1], strides = [1]} : vector<16xi32> to vector<1xi32>
    %squeeze3A_47 = vector.extract %slice3A_46[0] : i32 from vector<1xi32>
    %jit3A_48 = arith.constant 16 : i32
    %div3A_49 = arith.divsi %squeeze3A_47, %jit3A_48 : i32
    %sign3A_50 = arith.constant 0 : i32
    %sign3A_51 = arith.cmpi sgt, %squeeze3A_47, %sign3A_50 : i32
    %sign3A_52 = arith.extui %sign3A_51 : i1 to i32
    %sign3A_53 = arith.constant 0 : i32
    %sign3A_54 = arith.cmpi slt, %squeeze3A_47, %sign3A_53 : i32
    %sign3A_55 = arith.extui %sign3A_54 : i1 to i32
    %sign3A_56 = arith.subi %sign3A_52, %sign3A_55 : i32
    %sign3A_57 = arith.constant 0 : i32
    %sign3A_58 = arith.cmpi sgt, %jit3A_48, %sign3A_57 : i32
    %sign3A_59 = arith.extui %sign3A_58 : i1 to i32
    %sign3A_60 = arith.constant 0 : i32
    %sign3A_61 = arith.cmpi slt, %jit3A_48, %sign3A_60 : i32
    %sign3A_62 = arith.extui %sign3A_61 : i1 to i32
    %sign3A_63 = arith.subi %sign3A_59, %sign3A_62 : i32
    %ne3A_64 = arith.cmpi ne, %sign3A_56, %sign3A_63 : i32
    %rem3A_65 = arith.remsi %squeeze3A_47, %jit3A_48 : i32
    %ne3A_66 = arith.constant 0 : i32
    %ne3A_67 = arith.cmpi ne, %rem3A_65, %ne3A_66 : i32
    %and3A_68 = arith.andi %ne3A_64, %ne3A_67 : i1
    %sub3A_69 = arith.constant 1 : i32
    %sub3A_70 = arith.subi %div3A_49, %sub3A_69 : i32
    %select_n3A_71 = arith.select %and3A_68, %sub3A_70, %div3A_49 : i32
    %mul3A_72 = arith.constant 16 : i32
    %mul3A_73 = arith.muli %select_n3A_71, %mul3A_72 : i32
    %add3A_74 = arith.constant 1 : i32
    %add3A_75 = arith.addi %mul3A_2, %add3A_74 : i32
    "tpu.region"() ({
      %run_scoped3A = tpu.sem_alloc : memref<!tpu.dma_semaphore, #tpu.memory_space<semaphore_mem>>
      %dma_start3A = tpu.memref_slice %arg2[%add3A_75, %mul3A_73] : memref<1024x100000xf32, #tpu.memory_space<hbm>> -> memref<1x16xf32, #tpu.memory_space<hbm>>
      %dma_start3A_1725 = tpu.memref_squeeze %dma_start3A : memref<1x16xf32, #tpu.memory_space<hbm>> -> memref<16xf32, #tpu.memory_space<hbm>>
      %dma_start3A_1726 = tpu.memref_slice %arg2[%add3A_75, %mul3A_73] : memref<1024x100000xf32, #tpu.memory_space<hbm>> -> memref<1x16xf32, #tpu.memory_space<hbm>>
      %dma_start3A_1727 = tpu.memref_squeeze %dma_start3A_1726 : memref<1x16xf32, #tpu.memory_space<hbm>> -> memref<16xf32, #tpu.memory_space<hbm>>
      tpu.enqueue_dma source(%dma_start3A_1727 : memref<16xf32, #tpu.memory_space<hbm>>) target(%arg6 : memref<16xf32, #tpu.memory_space<vmem>>) target_semaphore(%run_scoped3A : memref<!tpu.dma_semaphore, #tpu.memory_space<semaphore_mem>>)
      %dma_wait3A = tpu.memref_slice %arg2[%add3A_75, %mul3A_73] : memref<1024x100000xf32, #tpu.memory_space<hbm>> -> memref<1x16xf32, #tpu.memory_space<hbm>>
      %dma_wait3A_1728 = tpu.memref_squeeze %dma_wait3A : memref<1x16xf32, #tpu.memory_space<hbm>> -> memref<16xf32, #tpu.memory_space<hbm>>
      %dma_wait3A_1729 = tpu.memref_slice %arg2[%add3A_75, %mul3A_73] : memref<1024x100000xf32, #tpu.memory_space<hbm>> -> memref<1x16xf32, #tpu.memory_space<hbm>>
      %dma_wait3A_1730 = tpu.memref_squeeze %dma_wait3A_1729 : memref<1x16xf32, #tpu.memory_space<hbm>> -> memref<16xf32, #tpu.memory_space<hbm>>
      tpu.wait_dma2 semaphore(%run_scoped3A : memref<!tpu.dma_semaphore, #tpu.memory_space<semaphore_mem>>) src(%dma_wait3A_1730 : memref<16xf32, #tpu.memory_space<hbm>>) dst(%arg6 : memref<16xf32, #tpu.memory_space<vmem>>)
      tpu.yield
    }) : () -> ()
    %abs3A_76 = math.absi %squeeze3A_47 : i32
    %min3A_77 = arith.constant 1 : i32
    %min3A_78 = arith.minsi %abs3A_76, %min3A_77 : i32
    %sub3A_79 = arith.subi %squeeze3A_47, %mul3A_73 : i32
    %sub3A_80 = vector.broadcast %sub3A_79 : i32 to vector<16xi32>
    %sub3A_81 = arith.subi %iota3A, %sub3A_80 : vector<16xi32>
    %abs3A_82 = math.absi %sub3A_81 : vector<16xi32>
    %sub3A_83 = arith.constant 1 : i32
    %sub3A_84 = vector.broadcast %sub3A_83 : i32 to vector<16xi32>
    %sub3A_85 = arith.subi %sub3A_84, %abs3A_82 : vector<16xi32>
    %max3A_86 = arith.constant 0 : i32
    %max3A_87 = vector.broadcast %max3A_86 : i32 to vector<16xi32>
    %max3A_88 = arith.maxsi %sub3A_85, %max3A_87 : vector<16xi32>
    %mul3A_89 = vector.broadcast %min3A_78 : i32 to vector<16xi32>
    %mul3A_90 = arith.muli %max3A_88, %mul3A_89 : vector<16xi32>
    %get3A_91 = arith.constant 0 : index
    %get3A_92 = tpu.vector_load %arg6[%get3A_91] {strides = array<i32>} : memref<16xf32, #tpu.memory_space<vmem>>, vector<16xf32>,
    %get3A_93 = vector.shape_cast %get3A_92 : vector<16xf32> to vector<16xf32>
    %convert_element_type3A_94 = arith.sitofp %mul3A_90 : vector<16xi32> to vector<16xf32>
    %mul3A_95 = arith.mulf %get3A_93, %convert_element_type3A_94 : vector<16xf32>
    %add3A_96 = arith.addf %add3A_42, %mul3A_95 : vector<16xf32>
    %get3A_97 = arith.constant 0 : index
    %get3A_98 = tpu.vector_load %arg5[%get3A_97] {strides = array<i32>} : memref<32xi32, #tpu.memory_space<vmem>>, vector<16xi32>,
    %get3A_99 = vector.shape_cast %get3A_98 : vector<16xi32> to vector<16xi32>
    %slice3A_100 = vector.extract_strided_slice %get3A_99 {offsets = [2], sizes = [1], strides = [1]} : vector<16xi32> to vector<1xi32>
    %squeeze3A_101 = vector.extract %slice3A_100[0] : i32 from vector<1xi32>
    %jit3A_102 = arith.constant 16 : i32
    %div3A_103 = arith.divsi %squeeze3A_101, %jit3A_102 : i32
    %sign3A_104 = arith.constant 0 : i32
    %sign3A_105 = arith.cmpi sgt, %squeeze3A_101, %sign3A_104 : i32
    %sign3A_106 = arith.extui %sign3A_105 : i1 to i32
    %sign3A_107 = arith.constant 0 : i32
    %sign3A_108 = arith.cmpi slt, %squeeze3A_101, %sign3A_107 : i32
    %sign3A_109 = arith.extui %sign3A_108 : i1 to i32
    %sign3A_110 = arith.subi %sign3A_106, %sign3A_109 : i32
    %sign3A_111 = arith.constant 0 : i32
    %sign3A_112 = arith.cmpi sgt, %jit3A_102, %sign3A_111 : i32
    %sign3A_113 = arith.extui %sign3A_112 : i1 to i32
    %sign3A_114 = arith.constant 0 : i32
    %sign3A_115 = arith.cmpi slt, %jit3A_102, %sign3A_114 : i32
    %sign3A_116 = arith.extui %sign3A_115 : i1 to i32
    %sign3A_117 = arith.subi %sign3A_113, %sign3A_116 : i32
    %ne3A_118 = arith.cmpi ne, %sign3A_110, %sign3A_117 : i32
    %rem3A_119 = arith.remsi %squeeze3A_101, %jit3A_102 : i32
    %ne3A_120 = arith.constant 0 : i32
    %ne3A_121 = arith.cmpi ne, %rem3A_119, %ne3A_120 : i32
    %and3A_122 = arith.andi %ne3A_118, %ne3A_121 : i1
    %sub3A_123 = arith.constant 1 : i32
    %sub3A_124 = arith.subi %div3A_103, %sub3A_123 : i32
    %select_n3A_125 = arith.select %and3A_122, %sub3A_124, %div3A_103 : i32
    %mul3A_126 = arith.constant 16 : i32
    %mul3A_127 = arith.muli %select_n3A_125, %mul3A_126 : i32
    %add3A_128 = arith.constant 2 : i32
    %add3A_129 = arith.addi %mul3A_2, %add3A_128 : i32
    "tpu.region"() ({
      %run_scoped3A = tpu.sem_alloc : memref<!tpu.dma_semaphore, #tpu.memory_space<semaphore_mem>>
      %dma_start3A = tpu.memref_slice %arg2[%add3A_129, %mul3A_127] : memref<1024x100000xf32, #tpu.memory_space<hbm>> -> memref<1x16xf32, #tpu.memory_space<hbm>>
      %dma_start3A_1725 = tpu.memref_squeeze %dma_start3A : memref<1x16xf32, #tpu.memory_space<hbm>> -> memref<16xf32, #tpu.memory_space<hbm>>
      %dma_start3A_1726 = tpu.memref_slice %arg2[%add3A_129, %mul3A_127] : memref<1024x100000xf32, #tpu.memory_space<hbm>> -> memref<1x16xf32, #tpu.memory_space<hbm>>
      %dma_start3A_1727 = tpu.memref_squeeze %dma_start3A_1726 : memref<1x16xf32, #tpu.memory_space<hbm>> -> memref<16xf32, #tpu.memory_space<hbm>>
      tpu.enqueue_dma source(%dma_start3A_1727 : memref<16xf32, #tpu.memory_space<hbm>>) target(%arg6 : memref<16xf32, #tpu.memory_space<vmem>>) target_semaphore(%run_scoped3A : memref<!tpu.dma_semaphore, #tpu.memory_space<semaphore_mem>>)
      %dma_wait3A = tpu.memref_slice %arg2[%add3A_129, %mul3A_127] : memref<1024x100000xf32, #tpu.memory_space<hbm>> -> memref<1x16xf32, #tpu.memory_space<hbm>>
      %dma_wait3A_1728 = tpu.memref_squeeze %dma_wait3A : memref<1x16xf32, #tpu.memory_space<hbm>> -> memref<16xf32, #tpu.memory_space<hbm>>
      %dma_wait3A_1729 = tpu.memref_slice %arg2[%add3A_129, %mul3A_127] : memref<1024x100000xf32, #tpu.memory_space<hbm>> -> memref<1x16xf32, #tpu.memory_space<hbm>>
      %dma_wait3A_1730 = tpu.memref_squeeze %dma_wait3A_1729 : memref<1x16xf32, #tpu.memory_space<hbm>> -> memref<16xf32, #tpu.memory_space<hbm>>
      tpu.wait_dma2 semaphore(%run_scoped3A : memref<!tpu.dma_semaphore, #tpu.memory_space<semaphore_mem>>) src(%dma_wait3A_1730 : memref<16xf32, #tpu.memory_space<hbm>>) dst(%arg6 : memref<16xf32, #tpu.memory_space<vmem>>)
      tpu.yield
    }) : () -> ()
    %abs3A_130 = math.absi %squeeze3A_101 : i32
    %min3A_131 = arith.constant 1 : i32
    %min3A_132 = arith.minsi %abs3A_130, %min3A_131 : i32
    %sub3A_133 = arith.subi %squeeze3A_101, %mul3A_127 : i32
    %sub3A_134 = vector.broadcast %sub3A_133 : i32 to vector<16xi32>
    %sub3A_135 = arith.subi %iota3A, %sub3A_134 : vector<16xi32>
    %abs3A_136 = math.absi %sub3A_135 : vector<16xi32>
    %sub3A_137 = arith.constant 1 : i32
    %sub3A_138 = vector.broadcast %sub3A_137 : i32 to vector<16xi32>
    %sub3A_139 = arith.subi %sub3A_138, %abs3A_136 : vector<16xi32>
    %max3A_140 = arith.constant 0 : i32
    %max3A_141 = vector.broadcast %max3A_140 : i32 to vector<16xi32>
    %max3A_142 = arith.maxsi %sub3A_139, %max3A_141 : vector<16xi32>
    %mul3A_143 = vector.broadcast %min3A_132 : i32 to vector<16xi32>
    %mul3A_144 = arith.muli %max3A_142, %mul3A_143 : vector<16xi32>
    %get3A_145 = arith.constant 0 : index
    %get3A_146 = tpu.vector_load %arg6[%get3A_145] {strides = array<i32>} : memref<16xf32, #tpu.memory_space<vmem>>, vector<16xf32>,
    %get3A_147 = vector.shape_cast %get3A_146 : vector<16xf32> to vector<16xf32>
    %convert_element_type3A_148 = arith.sitofp %mul3A_144 : vector<16xi32> to vector<16xf32>
    %mul3A_149 = arith.mulf %get3A_147, %convert_element_type3A_148 : vector<16xf32>
    %add3A_150 = arith.addf %add3A_96, %mul3A_149 : vector<16xf32>
    %get3A_151 = arith.constant 0 : index
    %get3A_152 = tpu.vector_load %arg5[%get3A_151] {strides = array<i32>} : memref<32xi32, #tpu.memory_space<vmem>>, vector<16xi32>,
    %get3A_153 = vector.shape_cast %get3A_152 : vector<16xi32> to vector<16xi32>
    %slice3A_154 = vector.extract_strided_slice %get3A_153 {offsets = [3], sizes = [1], strides = [1]} : vector<16xi32> to vector<1xi32>
    %squeeze3A_155 = vector.extract %slice3A_154[0] : i32 from vector<1xi32>
    %jit3A_156 = arith.constant 16 : i32
    %div3A_157 = arith.divsi %squeeze3A_155, %jit3A_156 : i32
    %sign3A_158 = arith.constant 0 : i32
    %sign3A_159 = arith.cmpi sgt, %squeeze3A_155, %sign3A_158 : i32
    %sign3A_160 = arith.extui %sign3A_159 : i1 to i32
    %sign3A_161 = arith.constant 0 : i32
    %sign3A_162 = arith.cmpi slt, %squeeze3A_155, %sign3A_161 : i32
    %sign3A_163 = arith.extui %sign3A_162 : i1 to i32
    %sign3A_164 = arith.subi %sign3A_160, %sign3A_163 : i32
    %sign3A_165 = arith.constant 0 : i32
    %sign3A_166 = arith.cmpi sgt, %jit3A_156, %sign3A_165 : i32
    %sign3A_167 = arith.extui %sign3A_166 : i1 to i32
    %sign3A_168 = arith.constant 0 : i32
    %sign3A_169 = arith.cmpi slt, %jit3A_156, %sign3A_168 : i32
    %sign3A_170 = arith.extui %sign3A_169 : i1 to i32
    %sign3A_171 = arith.subi %sign3A_167, %sign3A_170 : i32
    %ne3A_172 = arith.cmpi ne, %sign3A_164, %sign3A_171 : i32
    %rem3A_173 = arith.remsi %squeeze3A_155, %jit3A_156 : i32
    %ne3A_174 = arith.constant 0 : i32
    %ne3A_175 = arith.cmpi ne, %rem3A_173, %ne3A_174 : i32
    %and3A_176 = arith.andi %ne3A_172, %ne3A_175 : i1
    %sub3A_177 = arith.constant 1 : i32
    %sub3A_178 = arith.subi %div3A_157, %sub3A_177 : i32
    %select_n3A_179 = arith.select %and3A_176, %sub3A_178, %div3A_157 : i32
    %mul3A_180 = arith.constant 16 : i32
    %mul3A_181 = arith.muli %select_n3A_179, %mul3A_180 : i32
    %add3A_182 = arith.constant 3 : i32
    %add3A_183 = arith.addi %mul3A_2, %add3A_182 : i32
    "tpu.region"() ({
      %run_scoped3A = tpu.sem_alloc : memref<!tpu.dma_semaphore, #tpu.memory_space<semaphore_mem>>
      %dma_start3A = tpu.memref_slice %arg2[%add3A_183, %mul3A_181] : memref<1024x100000xf32, #tpu.memory_space<hbm>> -> memref<1x16xf32, #tpu.memory_space<hbm>>
      %dma_start3A_1725 = tpu.memref_squeeze %dma_start3A : memref<1x16xf32, #tpu.memory_space<hbm>> -> memref<16xf32, #tpu.memory_space<hbm>>
      %dma_start3A_1726 = tpu.memref_slice %arg2[%add3A_183, %mul3A_181] : memref<1024x100000xf32, #tpu.memory_space<hbm>> -> memref<1x16xf32, #tpu.memory_space<hbm>>
      %dma_start3A_1727 = tpu.memref_squeeze %dma_start3A_1726 : memref<1x16xf32, #tpu.memory_space<hbm>> -> memref<16xf32, #tpu.memory_space<hbm>>
      tpu.enqueue_dma source(%dma_start3A_1727 : memref<16xf32, #tpu.memory_space<hbm>>) target(%arg6 : memref<16xf32, #tpu.memory_space<vmem>>) target_semaphore(%run_scoped3A : memref<!tpu.dma_semaphore, #tpu.memory_space<semaphore_mem>>)
      %dma_wait3A = tpu.memref_slice %arg2[%add3A_183, %mul3A_181] : memref<1024x100000xf32, #tpu.memory_space<hbm>> -> memref<1x16xf32, #tpu.memory_space<hbm>>
      %dma_wait3A_1728 = tpu.memref_squeeze %dma_wait3A : memref<1x16xf32, #tpu.memory_space<hbm>> -> memref<16xf32, #tpu.memory_space<hbm>>
      %dma_wait3A_1729 = tpu.memref_slice %arg2[%add3A_183, %mul3A_181] : memref<1024x100000xf32, #tpu.memory_space<hbm>> -> memref<1x16xf32, #tpu.memory_space<hbm>>
      %dma_wait3A_1730 = tpu.memref_squeeze %dma_wait3A_1729 : memref<1x16xf32, #tpu.memory_space<hbm>> -> memref<16xf32, #tpu.memory_space<hbm>>
      tpu.wait_dma2 semaphore(%run_scoped3A : memref<!tpu.dma_semaphore, #tpu.memory_space<semaphore_mem>>) src(%dma_wait3A_1730 : memref<16xf32, #tpu.memory_space<hbm>>) dst(%arg6 : memref<16xf32, #tpu.memory_space<vmem>>)
      tpu.yield
    }) : () -> ()
    %abs3A_184 = math.absi %squeeze3A_155 : i32
    %min3A_185 = arith.constant 1 : i32
    %min3A_186 = arith.minsi %abs3A_184, %min3A_185 : i32
    %sub3A_187 = arith.subi %squeeze3A_155, %mul3A_181 : i32
    %sub3A_188 = vector.broadcast %sub3A_187 : i32 to vector<16xi32>
    %sub3A_189 = arith.subi %iota3A, %sub3A_188 : vector<16xi32>
    %abs3A_190 = math.absi %sub3A_189 : vector<16xi32>
    %sub3A_191 = arith.constant 1 : i32
    %sub3A_192 = vector.broadcast %sub3A_191 : i32 to vector<16xi32>
    %sub3A_193 = arith.subi %sub3A_192, %abs3A_190 : vector<16xi32>
    %max3A_194 = arith.constant 0 : i32
    %max3A_195 = vector.broadcast %max3A_194 : i32 to vector<16xi32>
    %max3A_196 = arith.maxsi %sub3A_193, %max3A_195 : vector<16xi32>
    %mul3A_197 = vector.broadcast %min3A_186 : i32 to vector<16xi32>
    %mul3A_198 = arith.muli %max3A_196, %mul3A_197 : vector<16xi32>
    %get3A_199 = arith.constant 0 : index
    %get3A_200 = tpu.vector_load %arg6[%get3A_199] {strides = array<i32>} : memref<16xf32, #tpu.memory_space<vmem>>, vector<16xf32>,
    %get3A_201 = vector.shape_cast %get3A_200 : vector<16xf32> to vector<16xf32>
    %convert_element_type3A_202 = arith.sitofp %mul3A_198 : vector<16xi32> to vector<16xf32>
    %mul3A_203 = arith.mulf %get3A_201, %convert_element_type3A_202 : vector<16xf32>
    %add3A_204 = arith.addf %add3A_150, %mul3A_203 : vector<16xf32>
    %get3A_205 = arith.constant 0 : index
    %get3A_206 = tpu.vector_load %arg5[%get3A_205] {strides = array<i32>} : memref<32xi32, #tpu.memory_space<vmem>>, vector<16xi32>,
    %get3A_207 = vector.shape_cast %get3A_206 : vector<16xi32> to vector<16xi32>
    %slice3A_208 = vector.extract_strided_slice %get3A_207 {offsets = [4], sizes = [1], strides = [1]} : vector<16xi32> to vector<1xi32>
    %squeeze3A_209 = vector.extract %slice3A_208[0] : i32 from vector<1xi32>
    %jit3A_210 = arith.constant 16 : i32
    %div3A_211 = arith.divsi %squeeze3A_209, %jit3A_210 : i32
    %sign3A_212 = arith.constant 0 : i32
    %sign3A_213 = arith.cmpi sgt, %squeeze3A_209, %sign3A_212 : i32
    %sign3A_214 = arith.extui %sign3A_213 : i1 to i32
    %sign3A_215 = arith.constant 0 : i32
    %sign3A_216 = arith.cmpi slt, %squeeze3A_209, %sign3A_215 : i32
    %sign3A_217 = arith.extui %sign3A_216 : i1 to i32
    %sign3A_218 = arith.subi %sign3A_214, %sign3A_217 : i32
    %sign3A_219 = arith.constant 0 : i32
    %sign3A_220 = arith.cmpi sgt, %jit3A_210, %sign3A_219 : i32
    %sign3A_221 = arith.extui %sign3A_220 : i1 to i32
    %sign3A_222 = arith.constant 0 : i32
    %sign3A_223 = arith.cmpi slt, %jit3A_210, %sign3A_222 : i32
    %sign3A_224 = arith.extui %sign3A_223 : i1 to i32
    %sign3A_225 = arith.subi %sign3A_221, %sign3A_224 : i32
    %ne3A_226 = arith.cmpi ne, %sign3A_218, %sign3A_225 : i32
    %rem3A_227 = arith.remsi %squeeze3A_209, %jit3A_210 : i32
    %ne3A_228 = arith.constant 0 : i32
    %ne3A_229 = arith.cmpi ne, %rem3A_227, %ne3A_228 : i32
    %and3A_230 = arith.andi %ne3A_226, %ne3A_229 : i1
    %sub3A_231 = arith.constant 1 : i32
    %sub3A_232 = arith.subi %div3A_211, %sub3A_231 : i32
    %select_n3A_233 = arith.select %and3A_230, %sub3A_232, %div3A_211 : i32
    %mul3A_234 = arith.constant 16 : i32
    %mul3A_235 = arith.muli %select_n3A_233, %mul3A_234 : i32
    %add3A_236 = arith.constant 4 : i32
    %add3A_237 = arith.addi %mul3A_2, %add3A_236 : i32
    "tpu.region"() ({
      %run_scoped3A = tpu.sem_alloc : memref<!tpu.dma_semaphore, #tpu.memory_space<semaphore_mem>>
      %dma_start3A = tpu.memref_slice %arg2[%add3A_237, %mul3A_235] : memref<1024x100000xf32, #tpu.memory_space<hbm>> -> memref<1x16xf32, #tpu.memory_space<hbm>>
      %dma_start3A_1725 = tpu.memref_squeeze %dma_start3A : memref<1x16xf32, #tpu.memory_space<hbm>> -> memref<16xf32, #tpu.memory_space<hbm>>
      %dma_start3A_1726 = tpu.memref_slice %arg2[%add3A_237, %mul3A_235] : memref<1024x100000xf32, #tpu.memory_space<hbm>> -> memref<1x16xf32, #tpu.memory_space<hbm>>
      %dma_start3A_1727 = tpu.memref_squeeze %dma_start3A_1726 : memref<1x16xf32, #tpu.memory_space<hbm>> -> memref<16xf32, #tpu.memory_space<hbm>>
      tpu.enqueue_dma source(%dma_start3A_1727 : memref<16xf32, #tpu.memory_space<hbm>>) target(%arg6 : memref<16xf32, #tpu.memory_space<vmem>>) target_semaphore(%run_scoped3A : memref<!tpu.dma_semaphore, #tpu.memory_space<semaphore_mem>>)
      %dma_wait3A = tpu.memref_slice %arg2[%add3A_237, %mul3A_235] : memref<1024x100000xf32, #tpu.memory_space<hbm>> -> memref<1x16xf32, #tpu.memory_space<hbm>>
      %dma_wait3A_1728 = tpu.memref_squeeze %dma_wait3A : memref<1x16xf32, #tpu.memory_space<hbm>> -> memref<16xf32, #tpu.memory_space<hbm>>
      %dma_wait3A_1729 = tpu.memref_slice %arg2[%add3A_237, %mul3A_235] : memref<1024x100000xf32, #tpu.memory_space<hbm>> -> memref<1x16xf32, #tpu.memory_space<hbm>>
      %dma_wait3A_1730 = tpu.memref_squeeze %dma_wait3A_1729 : memref<1x16xf32, #tpu.memory_space<hbm>> -> memref<16xf32, #tpu.memory_space<hbm>>
      tpu.wait_dma2 semaphore(%run_scoped3A : memref<!tpu.dma_semaphore, #tpu.memory_space<semaphore_mem>>) src(%dma_wait3A_1730 : memref<16xf32, #tpu.memory_space<hbm>>) dst(%arg6 : memref<16xf32, #tpu.memory_space<vmem>>)
      tpu.yield
    }) : () -> ()
    %abs3A_238 = math.absi %squeeze3A_209 : i32
    %min3A_239 = arith.constant 1 : i32
    %min3A_240 = arith.minsi %abs3A_238, %min3A_239 : i32
    %sub3A_241 = arith.subi %squeeze3A_209, %mul3A_235 : i32
    %sub3A_242 = vector.broadcast %sub3A_241 : i32 to vector<16xi32>
    %sub3A_243 = arith.subi %iota3A, %sub3A_242 : vector<16xi32>
    %abs3A_244 = math.absi %sub3A_243 : vector<16xi32>
    %sub3A_245 = arith.constant 1 : i32
    %sub3A_246 = vector.broadcast %sub3A_245 : i32 to vector<16xi32>
    %sub3A_247 = arith.subi %sub3A_246, %abs3A_244 : vector<16xi32>
    %max3A_248 = arith.constant 0 : i32
    %max3A_249 = vector.broadcast %max3A_248 : i32 to vector<16xi32>
    %max3A_250 = arith.maxsi %sub3A_247, %max3A_249 : vector<16xi32>
    %mul3A_251 = vector.broadcast %min3A_240 : i32 to vector<16xi32>
    %mul3A_252 = arith.muli %max3A_250, %mul3A_251 : vector<16xi32>
    %get3A_253 = arith.constant 0 : index
    %get3A_254 = tpu.vector_load %arg6[%get3A_253] {strides = array<i32>} : memref<16xf32, #tpu.memory_space<vmem>>, vector<16xf32>,
    %get3A_255 = vector.shape_cast %get3A_254 : vector<16xf32> to vector<16xf32>
    %convert_element_type3A_256 = arith.sitofp %mul3A_252 : vector<16xi32> to vector<16xf32>
    %mul3A_257 = arith.mulf %get3A_255, %convert_element_type3A_256 : vector<16xf32>
    %add3A_258 = arith.addf %add3A_204, %mul3A_257 : vector<16xf32>
    %get3A_259 = arith.constant 0 : index
    %get3A_260 = tpu.vector_load %arg5[%get3A_259] {strides = array<i32>} : memref<32xi32, #tpu.memory_space<vmem>>, vector<16xi32>,
    %get3A_261 = vector.shape_cast %get3A_260 : vector<16xi32> to vector<16xi32>
    %slice3A_262 = vector.extract_strided_slice %get3A_261 {offsets = [5], sizes = [1], strides = [1]} : vector<16xi32> to vector<1xi32>
    %squeeze3A_263 = vector.extract %slice3A_262[0] : i32 from vector<1xi32>
    %jit3A_264 = arith.constant 16 : i32
    %div3A_265 = arith.divsi %squeeze3A_263, %jit3A_264 : i32
    %sign3A_266 = arith.constant 0 : i32
    %sign3A_267 = arith.cmpi sgt, %squeeze3A_263, %sign3A_266 : i32
    %sign3A_268 = arith.extui %sign3A_267 : i1 to i32
    %sign3A_269 = arith.constant 0 : i32
    %sign3A_270 = arith.cmpi slt, %squeeze3A_263, %sign3A_269 : i32
    %sign3A_271 = arith.extui %sign3A_270 : i1 to i32
    %sign3A_272 = arith.subi %sign3A_268, %sign3A_271 : i32
    %sign3A_273 = arith.constant 0 : i32
    %sign3A_274 = arith.cmpi sgt, %jit3A_264, %sign3A_273 : i32
    %sign3A_275 = arith.extui %sign3A_274 : i1 to i32
    %sign3A_276 = arith.constant 0 : i32
    %sign3A_277 = arith.cmpi slt, %jit3A_264, %sign3A_276 : i32
    %sign3A_278 = arith.extui %sign3A_277 : i1 to i32
    %sign3A_279 = arith.subi %sign3A_275, %sign3A_278 : i32
    %ne3A_280 = arith.cmpi ne, %sign3A_272, %sign3A_279 : i32
    %rem3A_281 = arith.remsi %squeeze3A_263, %jit3A_264 : i32
    %ne3A_282 = arith.constant 0 : i32
    %ne3A_283 = arith.cmpi ne, %rem3A_281, %ne3A_282 : i32
    %and3A_284 = arith.andi %ne3A_280, %ne3A_283 : i1
    %sub3A_285 = arith.constant 1 : i32
    %sub3A_286 = arith.subi %div3A_265, %sub3A_285 : i32
    %select_n3A_287 = arith.select %and3A_284, %sub3A_286, %div3A_265 : i32
    %mul3A_288 = arith.constant 16 : i32
    %mul3A_289 = arith.muli %select_n3A_287, %mul3A_288 : i32
    %add3A_290 = arith.constant 5 : i32
    %add3A_291 = arith.addi %mul3A_2, %add3A_290 : i32
    "tpu.region"() ({
      %run_scoped3A = tpu.sem_alloc : memref<!tpu.dma_semaphore, #tpu.memory_space<semaphore_mem>>
      %dma_start3A = tpu.memref_slice %arg2[%add3A_291, %mul3A_289] : memref<1024x100000xf32, #tpu.memory_space<hbm>> -> memref<1x16xf32, #tpu.memory_space<hbm>>
      %dma_start3A_1725 = tpu.memref_squeeze %dma_start3A : memref<1x16xf32, #tpu.memory_space<hbm>> -> memref<16xf32, #tpu.memory_space<hbm>>
      %dma_start3A_1726 = tpu.memref_slice %arg2[%add3A_291, %mul3A_289] : memref<1024x100000xf32, #tpu.memory_space<hbm>> -> memref<1x16xf32, #tpu.memory_space<hbm>>
      %dma_start3A_1727 = tpu.memref_squeeze %dma_start3A_1726 : memref<1x16xf32, #tpu.memory_space<hbm>> -> memref<16xf32, #tpu.memory_space<hbm>>
      tpu.enqueue_dma source(%dma_start3A_1727 : memref<16xf32, #tpu.memory_space<hbm>>) target(%arg6 : memref<16xf32, #tpu.memory_space<vmem>>) target_semaphore(%run_scoped3A : memref<!tpu.dma_semaphore, #tpu.memory_space<semaphore_mem>>)
      %dma_wait3A = tpu.memref_slice %arg2[%add3A_291, %mul3A_289] : memref<1024x100000xf32, #tpu.memory_space<hbm>> -> memref<1x16xf32, #tpu.memory_space<hbm>>
      %dma_wait3A_1728 = tpu.memref_squeeze %dma_wait3A : memref<1x16xf32, #tpu.memory_space<hbm>> -> memref<16xf32, #tpu.memory_space<hbm>>
      %dma_wait3A_1729 = tpu.memref_slice %arg2[%add3A_291, %mul3A_289] : memref<1024x100000xf32, #tpu.memory_space<hbm>> -> memref<1x16xf32, #tpu.memory_space<hbm>>
      %dma_wait3A_1730 = tpu.memref_squeeze %dma_wait3A_1729 : memref<1x16xf32, #tpu.memory_space<hbm>> -> memref<16xf32, #tpu.memory_space<hbm>>
      tpu.wait_dma2 semaphore(%run_scoped3A : memref<!tpu.dma_semaphore, #tpu.memory_space<semaphore_mem>>) src(%dma_wait3A_1730 : memref<16xf32, #tpu.memory_space<hbm>>) dst(%arg6 : memref<16xf32, #tpu.memory_space<vmem>>)
      tpu.yield
    }) : () -> ()
    %abs3A_292 = math.absi %squeeze3A_263 : i32
    %min3A_293 = arith.constant 1 : i32
    %min3A_294 = arith.minsi %abs3A_292, %min3A_293 : i32
    %sub3A_295 = arith.subi %squeeze3A_263, %mul3A_289 : i32
    %sub3A_296 = vector.broadcast %sub3A_295 : i32 to vector<16xi32>
    %sub3A_297 = arith.subi %iota3A, %sub3A_296 : vector<16xi32>
    %abs3A_298 = math.absi %sub3A_297 : vector<16xi32>
    %sub3A_299 = arith.constant 1 : i32
    %sub3A_300 = vector.broadcast %sub3A_299 : i32 to vector<16xi32>
    %sub3A_301 = arith.subi %sub3A_300, %abs3A_298 : vector<16xi32>
    %max3A_302 = arith.constant 0 : i32
    %max3A_303 = vector.broadcast %max3A_302 : i32 to vector<16xi32>
    %max3A_304 = arith.maxsi %sub3A_301, %max3A_303 : vector<16xi32>
    %mul3A_305 = vector.broadcast %min3A_294 : i32 to vector<16xi32>
    %mul3A_306 = arith.muli %max3A_304, %mul3A_305 : vector<16xi32>
    %get3A_307 = arith.constant 0 : index
    %get3A_308 = tpu.vector_load %arg6[%get3A_307] {strides = array<i32>} : memref<16xf32, #tpu.memory_space<vmem>>, vector<16xf32>,
    %get3A_309 = vector.shape_cast %get3A_308 : vector<16xf32> to vector<16xf32>
    %convert_element_type3A_310 = arith.sitofp %mul3A_306 : vector<16xi32> to vector<16xf32>
    %mul3A_311 = arith.mulf %get3A_309, %convert_element_type3A_310 : vector<16xf32>
    %add3A_312 = arith.addf %add3A_258, %mul3A_311 : vector<16xf32>
    %get3A_313 = arith.constant 0 : index
    %get3A_314 = tpu.vector_load %arg5[%get3A_313] {strides = array<i32>} : memref<32xi32, #tpu.memory_space<vmem>>, vector<16xi32>,
    %get3A_315 = vector.shape_cast %get3A_314 : vector<16xi32> to vector<16xi32>
    %slice3A_316 = vector.extract_strided_slice %get3A_315 {offsets = [6], sizes = [1], strides = [1]} : vector<16xi32> to vector<1xi32>
    %squeeze3A_317 = vector.extract %slice3A_316[0] : i32 from vector<1xi32>
    %jit3A_318 = arith.constant 16 : i32
    %div3A_319 = arith.divsi %squeeze3A_317, %jit3A_318 : i32
    %sign3A_320 = arith.constant 0 : i32
    %sign3A_321 = arith.cmpi sgt, %squeeze3A_317, %sign3A_320 : i32
    %sign3A_322 = arith.extui %sign3A_321 : i1 to i32
    %sign3A_323 = arith.constant 0 : i32
    %sign3A_324 = arith.cmpi slt, %squeeze3A_317, %sign3A_323 : i32
    %sign3A_325 = arith.extui %sign3A_324 : i1 to i32
    %sign3A_326 = arith.subi %sign3A_322, %sign3A_325 : i32
    %sign3A_327 = arith.constant 0 : i32
    %sign3A_328 = arith.cmpi sgt, %jit3A_318, %sign3A_327 : i32
    %sign3A_329 = arith.extui %sign3A_328 : i1 to i32
    %sign3A_330 = arith.constant 0 : i32
    %sign3A_331 = arith.cmpi slt, %jit3A_318, %sign3A_330 : i32
    %sign3A_332 = arith.extui %sign3A_331 : i1 to i32
    %sign3A_333 = arith.subi %sign3A_329, %sign3A_332 : i32
    %ne3A_334 = arith.cmpi ne, %sign3A_326, %sign3A_333 : i32
    %rem3A_335 = arith.remsi %squeeze3A_317, %jit3A_318 : i32
    %ne3A_336 = arith.constant 0 : i32
    %ne3A_337 = arith.cmpi ne, %rem3A_335, %ne3A_336 : i32
    %and3A_338 = arith.andi %ne3A_334, %ne3A_337 : i1
    %sub3A_339 = arith.constant 1 : i32
    %sub3A_340 = arith.subi %div3A_319, %sub3A_339 : i32
    %select_n3A_341 = arith.select %and3A_338, %sub3A_340, %div3A_319 : i32
    %mul3A_342 = arith.constant 16 : i32
    %mul3A_343 = arith.muli %select_n3A_341, %mul3A_342 : i32
    %add3A_344 = arith.constant 6 : i32
    %add3A_345 = arith.addi %mul3A_2, %add3A_344 : i32
    "tpu.region"() ({
      %run_scoped3A = tpu.sem_alloc : memref<!tpu.dma_semaphore, #tpu.memory_space<semaphore_mem>>
      %dma_start3A = tpu.memref_slice %arg2[%add3A_345, %mul3A_343] : memref<1024x100000xf32, #tpu.memory_space<hbm>> -> memref<1x16xf32, #tpu.memory_space<hbm>>
      %dma_start3A_1725 = tpu.memref_squeeze %dma_start3A : memref<1x16xf32, #tpu.memory_space<hbm>> -> memref<16xf32, #tpu.memory_space<hbm>>
      %dma_start3A_1726 = tpu.memref_slice %arg2[%add3A_345, %mul3A_343] : memref<1024x100000xf32, #tpu.memory_space<hbm>> -> memref<1x16xf32, #tpu.memory_space<hbm>>
      %dma_start3A_1727 = tpu.memref_squeeze %dma_start3A_1726 : memref<1x16xf32, #tpu.memory_space<hbm>> -> memref<16xf32, #tpu.memory_space<hbm>>
      tpu.enqueue_dma source(%dma_start3A_1727 : memref<16xf32, #tpu.memory_space<hbm>>) target(%arg6 : memref<16xf32, #tpu.memory_space<vmem>>) target_semaphore(%run_scoped3A : memref<!tpu.dma_semaphore, #tpu.memory_space<semaphore_mem>>)
      %dma_wait3A = tpu.memref_slice %arg2[%add3A_345, %mul3A_343] : memref<1024x100000xf32, #tpu.memory_space<hbm>> -> memref<1x16xf32, #tpu.memory_space<hbm>>
      %dma_wait3A_1728 = tpu.memref_squeeze %dma_wait3A : memref<1x16xf32, #tpu.memory_space<hbm>> -> memref<16xf32, #tpu.memory_space<hbm>>
      %dma_wait3A_1729 = tpu.memref_slice %arg2[%add3A_345, %mul3A_343] : memref<1024x100000xf32, #tpu.memory_space<hbm>> -> memref<1x16xf32, #tpu.memory_space<hbm>>
      %dma_wait3A_1730 = tpu.memref_squeeze %dma_wait3A_1729 : memref<1x16xf32, #tpu.memory_space<hbm>> -> memref<16xf32, #tpu.memory_space<hbm>>
      tpu.wait_dma2 semaphore(%run_scoped3A : memref<!tpu.dma_semaphore, #tpu.memory_space<semaphore_mem>>) src(%dma_wait3A_1730 : memref<16xf32, #tpu.memory_space<hbm>>) dst(%arg6 : memref<16xf32, #tpu.memory_space<vmem>>)
      tpu.yield
    }) : () -> ()
    %abs3A_346 = math.absi %squeeze3A_317 : i32
    %min3A_347 = arith.constant 1 : i32
    %min3A_348 = arith.minsi %abs3A_346, %min3A_347 : i32
    %sub3A_349 = arith.subi %squeeze3A_317, %mul3A_343 : i32
    %sub3A_350 = vector.broadcast %sub3A_349 : i32 to vector<16xi32>
    %sub3A_351 = arith.subi %iota3A, %sub3A_350 : vector<16xi32>
    %abs3A_352 = math.absi %sub3A_351 : vector<16xi32>
    %sub3A_353 = arith.constant 1 : i32
    %sub3A_354 = vector.broadcast %sub3A_353 : i32 to vector<16xi32>
    %sub3A_355 = arith.subi %sub3A_354, %abs3A_352 : vector<16xi32>
    %max3A_356 = arith.constant 0 : i32
    %max3A_357 = vector.broadcast %max3A_356 : i32 to vector<16xi32>
    %max3A_358 = arith.maxsi %sub3A_355, %max3A_357 : vector<16xi32>
    %mul3A_359 = vector.broadcast %min3A_348 : i32 to vector<16xi32>
    %mul3A_360 = arith.muli %max3A_358, %mul3A_359 : vector<16xi32>
    %get3A_361 = arith.constant 0 : index
    %get3A_362 = tpu.vector_load %arg6[%get3A_361] {strides = array<i32>} : memref<16xf32, #tpu.memory_space<vmem>>, vector<16xf32>,
    %get3A_363 = vector.shape_cast %get3A_362 : vector<16xf32> to vector<16xf32>
    %convert_element_type3A_364 = arith.sitofp %mul3A_360 : vector<16xi32> to vector<16xf32>
    %mul3A_365 = arith.mulf %get3A_363, %convert_element_type3A_364 : vector<16xf32>
    %add3A_366 = arith.addf %add3A_312, %mul3A_365 : vector<16xf32>
    %get3A_367 = arith.constant 0 : index
    %get3A_368 = tpu.vector_load %arg5[%get3A_367] {strides = array<i32>} : memref<32xi32, #tpu.memory_space<vmem>>, vector<16xi32>,
    %get3A_369 = vector.shape_cast %get3A_368 : vector<16xi32> to vector<16xi32>
    %slice3A_370 = vector.extract_strided_slice %get3A_369 {offsets = [7], sizes = [1], strides = [1]} : vector<16xi32> to vector<1xi32>
    %squeeze3A_371 = vector.extract %slice3A_370[0] : i32 from vector<1xi32>
    %jit3A_372 = arith.constant 16 : i32
    %div3A_373 = arith.divsi %squeeze3A_371, %jit3A_372 : i32
    %sign3A_374 = arith.constant 0 : i32
    %sign3A_375 = arith.cmpi sgt, %squeeze3A_371, %sign3A_374 : i32
    %sign3A_376 = arith.extui %sign3A_375 : i1 to i32
    %sign3A_377 = arith.constant 0 : i32
    %sign3A_378 = arith.cmpi slt, %squeeze3A_371, %sign3A_377 : i32
    %sign3A_379 = arith.extui %sign3A_378 : i1 to i32
    %sign3A_380 = arith.subi %sign3A_376, %sign3A_379 : i32
    %sign3A_381 = arith.constant 0 : i32
    %sign3A_382 = arith.cmpi sgt, %jit3A_372, %sign3A_381 : i32
    %sign3A_383 = arith.extui %sign3A_382 : i1 to i32
    %sign3A_384 = arith.constant 0 : i32
    %sign3A_385 = arith.cmpi slt, %jit3A_372, %sign3A_384 : i32
    %sign3A_386 = arith.extui %sign3A_385 : i1 to i32
    %sign3A_387 = arith.subi %sign3A_383, %sign3A_386 : i32
    %ne3A_388 = arith.cmpi ne, %sign3A_380, %sign3A_387 : i32
    %rem3A_389 = arith.remsi %squeeze3A_371, %jit3A_372 : i32
    %ne3A_390 = arith.constant 0 : i32
    %ne3A_391 = arith.cmpi ne, %rem3A_389, %ne3A_390 : i32
    %and3A_392 = arith.andi %ne3A_388, %ne3A_391 : i1
    %sub3A_393 = arith.constant 1 : i32
    %sub3A_394 = arith.subi %div3A_373, %sub3A_393 : i32
    %select_n3A_395 = arith.select %and3A_392, %sub3A_394, %div3A_373 : i32
    %mul3A_396 = arith.constant 16 : i32
    %mul3A_397 = arith.muli %select_n3A_395, %mul3A_396 : i32
    %add3A_398 = arith.constant 7 : i32
    %add3A_399 = arith.addi %mul3A_2, %add3A_398 : i32
    "tpu.region"() ({
      %run_scoped3A = tpu.sem_alloc : memref<!tpu.dma_semaphore, #tpu.memory_space<semaphore_mem>>
      %dma_start3A = tpu.memref_slice %arg2[%add3A_399, %mul3A_397] : memref<1024x100000xf32, #tpu.memory_space<hbm>> -> memref<1x16xf32, #tpu.memory_space<hbm>>
      %dma_start3A_1725 = tpu.memref_squeeze %dma_start3A : memref<1x16xf32, #tpu.memory_space<hbm>> -> memref<16xf32, #tpu.memory_space<hbm>>
      %dma_start3A_1726 = tpu.memref_slice %arg2[%add3A_399, %mul3A_397] : memref<1024x100000xf32, #tpu.memory_space<hbm>> -> memref<1x16xf32, #tpu.memory_space<hbm>>
      %dma_start3A_1727 = tpu.memref_squeeze %dma_start3A_1726 : memref<1x16xf32, #tpu.memory_space<hbm>> -> memref<16xf32, #tpu.memory_space<hbm>>
      tpu.enqueue_dma source(%dma_start3A_1727 : memref<16xf32, #tpu.memory_space<hbm>>) target(%arg6 : memref<16xf32, #tpu.memory_space<vmem>>) target_semaphore(%run_scoped3A : memref<!tpu.dma_semaphore, #tpu.memory_space<semaphore_mem>>)
      %dma_wait3A = tpu.memref_slice %arg2[%add3A_399, %mul3A_397] : memref<1024x100000xf32, #tpu.memory_space<hbm>> -> memref<1x16xf32, #tpu.memory_space<hbm>>
      %dma_wait3A_1728 = tpu.memref_squeeze %dma_wait3A : memref<1x16xf32, #tpu.memory_space<hbm>> -> memref<16xf32, #tpu.memory_space<hbm>>
      %dma_wait3A_1729 = tpu.memref_slice %arg2[%add3A_399, %mul3A_397] : memref<1024x100000xf32, #tpu.memory_space<hbm>> -> memref<1x16xf32, #tpu.memory_space<hbm>>
      %dma_wait3A_1730 = tpu.memref_squeeze %dma_wait3A_1729 : memref<1x16xf32, #tpu.memory_space<hbm>> -> memref<16xf32, #tpu.memory_space<hbm>>
      tpu.wait_dma2 semaphore(%run_scoped3A : memref<!tpu.dma_semaphore, #tpu.memory_space<semaphore_mem>>) src(%dma_wait3A_1730 : memref<16xf32, #tpu.memory_space<hbm>>) dst(%arg6 : memref<16xf32, #tpu.memory_space<vmem>>)
      tpu.yield
    }) : () -> ()
    %abs3A_400 = math.absi %squeeze3A_371 : i32
    %min3A_401 = arith.constant 1 : i32
    %min3A_402 = arith.minsi %abs3A_400, %min3A_401 : i32
    %sub3A_403 = arith.subi %squeeze3A_371, %mul3A_397 : i32
    %sub3A_404 = vector.broadcast %sub3A_403 : i32 to vector<16xi32>
    %sub3A_405 = arith.subi %iota3A, %sub3A_404 : vector<16xi32>
    %abs3A_406 = math.absi %sub3A_405 : vector<16xi32>
    %sub3A_407 = arith.constant 1 : i32
    %sub3A_408 = vector.broadcast %sub3A_407 : i32 to vector<16xi32>
    %sub3A_409 = arith.subi %sub3A_408, %abs3A_406 : vector<16xi32>
    %max3A_410 = arith.constant 0 : i32
    %max3A_411 = vector.broadcast %max3A_410 : i32 to vector<16xi32>
    %max3A_412 = arith.maxsi %sub3A_409, %max3A_411 : vector<16xi32>
    %mul3A_413 = vector.broadcast %min3A_402 : i32 to vector<16xi32>
    %mul3A_414 = arith.muli %max3A_412, %mul3A_413 : vector<16xi32>
    %get3A_415 = arith.constant 0 : index
    %get3A_416 = tpu.vector_load %arg6[%get3A_415] {strides = array<i32>} : memref<16xf32, #tpu.memory_space<vmem>>, vector<16xf32>,
    %get3A_417 = vector.shape_cast %get3A_416 : vector<16xf32> to vector<16xf32>
    %convert_element_type3A_418 = arith.sitofp %mul3A_414 : vector<16xi32> to vector<16xf32>
    %mul3A_419 = arith.mulf %get3A_417, %convert_element_type3A_418 : vector<16xf32>
    %add3A_420 = arith.addf %add3A_366, %mul3A_419 : vector<16xf32>
    %get3A_421 = arith.constant 0 : index
    %get3A_422 = tpu.vector_load %arg5[%get3A_421] {strides = array<i32>} : memref<32xi32, #tpu.memory_space<vmem>>, vector<16xi32>,
    %get3A_423 = vector.shape_cast %get3A_422 : vector<16xi32> to vector<16xi32>
    %slice3A_424 = vector.extract_strided_slice %get3A_423 {offsets = [8], sizes = [1], strides = [1]} : vector<16xi32> to vector<1xi32>
    %squeeze3A_425 = vector.extract %slice3A_424[0] : i32 from vector<1xi32>
    %jit3A_426 = arith.constant 16 : i32
    %div3A_427 = arith.divsi %squeeze3A_425, %jit3A_426 : i32
    %sign3A_428 = arith.constant 0 : i32
    %sign3A_429 = arith.cmpi sgt, %squeeze3A_425, %sign3A_428 : i32
    %sign3A_430 = arith.extui %sign3A_429 : i1 to i32
    %sign3A_431 = arith.constant 0 : i32
    %sign3A_432 = arith.cmpi slt, %squeeze3A_425, %sign3A_431 : i32
    %sign3A_433 = arith.extui %sign3A_432 : i1 to i32
    %sign3A_434 = arith.subi %sign3A_430, %sign3A_433 : i32
    %sign3A_435 = arith.constant 0 : i32
    %sign3A_436 = arith.cmpi sgt, %jit3A_426, %sign3A_435 : i32
    %sign3A_437 = arith.extui %sign3A_436 : i1 to i32
    %sign3A_438 = arith.constant 0 : i32
    %sign3A_439 = arith.cmpi slt, %jit3A_426, %sign3A_438 : i32
    %sign3A_440 = arith.extui %sign3A_439 : i1 to i32
    %sign3A_441 = arith.subi %sign3A_437, %sign3A_440 : i32
    %ne3A_442 = arith.cmpi ne, %sign3A_434, %sign3A_441 : i32
    %rem3A_443 = arith.remsi %squeeze3A_425, %jit3A_426 : i32
    %ne3A_444 = arith.constant 0 : i32
    %ne3A_445 = arith.cmpi ne, %rem3A_443, %ne3A_444 : i32
    %and3A_446 = arith.andi %ne3A_442, %ne3A_445 : i1
    %sub3A_447 = arith.constant 1 : i32
    %sub3A_448 = arith.subi %div3A_427, %sub3A_447 : i32
    %select_n3A_449 = arith.select %and3A_446, %sub3A_448, %div3A_427 : i32
    %mul3A_450 = arith.constant 16 : i32
    %mul3A_451 = arith.muli %select_n3A_449, %mul3A_450 : i32
    %add3A_452 = arith.constant 8 : i32
    %add3A_453 = arith.addi %mul3A_2, %add3A_452 : i32
    "tpu.region"() ({
      %run_scoped3A = tpu.sem_alloc : memref<!tpu.dma_semaphore, #tpu.memory_space<semaphore_mem>>
      %dma_start3A = tpu.memref_slice %arg2[%add3A_453, %mul3A_451] : memref<1024x100000xf32, #tpu.memory_space<hbm>> -> memref<1x16xf32, #tpu.memory_space<hbm>>
      %dma_start3A_1725 = tpu.memref_squeeze %dma_start3A : memref<1x16xf32, #tpu.memory_space<hbm>> -> memref<16xf32, #tpu.memory_space<hbm>>
      %dma_start3A_1726 = tpu.memref_slice %arg2[%add3A_453, %mul3A_451] : memref<1024x100000xf32, #tpu.memory_space<hbm>> -> memref<1x16xf32, #tpu.memory_space<hbm>>
      %dma_start3A_1727 = tpu.memref_squeeze %dma_start3A_1726 : memref<1x16xf32, #tpu.memory_space<hbm>> -> memref<16xf32, #tpu.memory_space<hbm>>
      tpu.enqueue_dma source(%dma_start3A_1727 : memref<16xf32, #tpu.memory_space<hbm>>) target(%arg6 : memref<16xf32, #tpu.memory_space<vmem>>) target_semaphore(%run_scoped3A : memref<!tpu.dma_semaphore, #tpu.memory_space<semaphore_mem>>)
      %dma_wait3A = tpu.memref_slice %arg2[%add3A_453, %mul3A_451] : memref<1024x100000xf32, #tpu.memory_space<hbm>> -> memref<1x16xf32, #tpu.memory_space<hbm>>
      %dma_wait3A_1728 = tpu.memref_squeeze %dma_wait3A : memref<1x16xf32, #tpu.memory_space<hbm>> -> memref<16xf32, #tpu.memory_space<hbm>>
      %dma_wait3A_1729 = tpu.memref_slice %arg2[%add3A_453, %mul3A_451] : memref<1024x100000xf32, #tpu.memory_space<hbm>> -> memref<1x16xf32, #tpu.memory_space<hbm>>
      %dma_wait3A_1730 = tpu.memref_squeeze %dma_wait3A_1729 : memref<1x16xf32, #tpu.memory_space<hbm>> -> memref<16xf32, #tpu.memory_space<hbm>>
      tpu.wait_dma2 semaphore(%run_scoped3A : memref<!tpu.dma_semaphore, #tpu.memory_space<semaphore_mem>>) src(%dma_wait3A_1730 : memref<16xf32, #tpu.memory_space<hbm>>) dst(%arg6 : memref<16xf32, #tpu.memory_space<vmem>>)
      tpu.yield
    }) : () -> ()
    %abs3A_454 = math.absi %squeeze3A_425 : i32
    %min3A_455 = arith.constant 1 : i32
    %min3A_456 = arith.minsi %abs3A_454, %min3A_455 : i32
    %sub3A_457 = arith.subi %squeeze3A_425, %mul3A_451 : i32
    %sub3A_458 = vector.broadcast %sub3A_457 : i32 to vector<16xi32>
    %sub3A_459 = arith.subi %iota3A, %sub3A_458 : vector<16xi32>
    %abs3A_460 = math.absi %sub3A_459 : vector<16xi32>
    %sub3A_461 = arith.constant 1 : i32
    %sub3A_462 = vector.broadcast %sub3A_461 : i32 to vector<16xi32>
    %sub3A_463 = arith.subi %sub3A_462, %abs3A_460 : vector<16xi32>
    %max3A_464 = arith.constant 0 : i32
    %max3A_465 = vector.broadcast %max3A_464 : i32 to vector<16xi32>
    %max3A_466 = arith.maxsi %sub3A_463, %max3A_465 : vector<16xi32>
    %mul3A_467 = vector.broadcast %min3A_456 : i32 to vector<16xi32>
    %mul3A_468 = arith.muli %max3A_466, %mul3A_467 : vector<16xi32>
    %get3A_469 = arith.constant 0 : index
    %get3A_470 = tpu.vector_load %arg6[%get3A_469] {strides = array<i32>} : memref<16xf32, #tpu.memory_space<vmem>>, vector<16xf32>,
    %get3A_471 = vector.shape_cast %get3A_470 : vector<16xf32> to vector<16xf32>
    %convert_element_type3A_472 = arith.sitofp %mul3A_468 : vector<16xi32> to vector<16xf32>
    %mul3A_473 = arith.mulf %get3A_471, %convert_element_type3A_472 : vector<16xf32>
    %add3A_474 = arith.addf %add3A_420, %mul3A_473 : vector<16xf32>
    %get3A_475 = arith.constant 0 : index
    %get3A_476 = tpu.vector_load %arg5[%get3A_475] {strides = array<i32>} : memref<32xi32, #tpu.memory_space<vmem>>, vector<16xi32>,
    %get3A_477 = vector.shape_cast %get3A_476 : vector<16xi32> to vector<16xi32>
    %slice3A_478 = vector.extract_strided_slice %get3A_477 {offsets = [9], sizes = [1], strides = [1]} : vector<16xi32> to vector<1xi32>
    %squeeze3A_479 = vector.extract %slice3A_478[0] : i32 from vector<1xi32>
    %jit3A_480 = arith.constant 16 : i32
    %div3A_481 = arith.divsi %squeeze3A_479, %jit3A_480 : i32
    %sign3A_482 = arith.constant 0 : i32
    %sign3A_483 = arith.cmpi sgt, %squeeze3A_479, %sign3A_482 : i32
    %sign3A_484 = arith.extui %sign3A_483 : i1 to i32
    %sign3A_485 = arith.constant 0 : i32
    %sign3A_486 = arith.cmpi slt, %squeeze3A_479, %sign3A_485 : i32
    %sign3A_487 = arith.extui %sign3A_486 : i1 to i32
    %sign3A_488 = arith.subi %sign3A_484, %sign3A_487 : i32
    %sign3A_489 = arith.constant 0 : i32
    %sign3A_490 = arith.cmpi sgt, %jit3A_480, %sign3A_489 : i32
    %sign3A_491 = arith.extui %sign3A_490 : i1 to i32
    %sign3A_492 = arith.constant 0 : i32
    %sign3A_493 = arith.cmpi slt, %jit3A_480, %sign3A_492 : i32
    %sign3A_494 = arith.extui %sign3A_493 : i1 to i32
    %sign3A_495 = arith.subi %sign3A_491, %sign3A_494 : i32
    %ne3A_496 = arith.cmpi ne, %sign3A_488, %sign3A_495 : i32
    %rem3A_497 = arith.remsi %squeeze3A_479, %jit3A_480 : i32
    %ne3A_498 = arith.constant 0 : i32
    %ne3A_499 = arith.cmpi ne, %rem3A_497, %ne3A_498 : i32
    %and3A_500 = arith.andi %ne3A_496, %ne3A_499 : i1
    %sub3A_501 = arith.constant 1 : i32
    %sub3A_502 = arith.subi %div3A_481, %sub3A_501 : i32
    %select_n3A_503 = arith.select %and3A_500, %sub3A_502, %div3A_481 : i32
    %mul3A_504 = arith.constant 16 : i32
    %mul3A_505 = arith.muli %select_n3A_503, %mul3A_504 : i32
    %add3A_506 = arith.constant 9 : i32
    %add3A_507 = arith.addi %mul3A_2, %add3A_506 : i32
    "tpu.region"() ({
      %run_scoped3A = tpu.sem_alloc : memref<!tpu.dma_semaphore, #tpu.memory_space<semaphore_mem>>
      %dma_start3A = tpu.memref_slice %arg2[%add3A_507, %mul3A_505] : memref<1024x100000xf32, #tpu.memory_space<hbm>> -> memref<1x16xf32, #tpu.memory_space<hbm>>
      %dma_start3A_1725 = tpu.memref_squeeze %dma_start3A : memref<1x16xf32, #tpu.memory_space<hbm>> -> memref<16xf32, #tpu.memory_space<hbm>>
      %dma_start3A_1726 = tpu.memref_slice %arg2[%add3A_507, %mul3A_505] : memref<1024x100000xf32, #tpu.memory_space<hbm>> -> memref<1x16xf32, #tpu.memory_space<hbm>>
      %dma_start3A_1727 = tpu.memref_squeeze %dma_start3A_1726 : memref<1x16xf32, #tpu.memory_space<hbm>> -> memref<16xf32, #tpu.memory_space<hbm>>
      tpu.enqueue_dma source(%dma_start3A_1727 : memref<16xf32, #tpu.memory_space<hbm>>) target(%arg6 : memref<16xf32, #tpu.memory_space<vmem>>) target_semaphore(%run_scoped3A : memref<!tpu.dma_semaphore, #tpu.memory_space<semaphore_mem>>)
      %dma_wait3A = tpu.memref_slice %arg2[%add3A_507, %mul3A_505] : memref<1024x100000xf32, #tpu.memory_space<hbm>> -> memref<1x16xf32, #tpu.memory_space<hbm>>
      %dma_wait3A_1728 = tpu.memref_squeeze %dma_wait3A : memref<1x16xf32, #tpu.memory_space<hbm>> -> memref<16xf32, #tpu.memory_space<hbm>>
      %dma_wait3A_1729 = tpu.memref_slice %arg2[%add3A_507, %mul3A_505] : memref<1024x100000xf32, #tpu.memory_space<hbm>> -> memref<1x16xf32, #tpu.memory_space<hbm>>
      %dma_wait3A_1730 = tpu.memref_squeeze %dma_wait3A_1729 : memref<1x16xf32, #tpu.memory_space<hbm>> -> memref<16xf32, #tpu.memory_space<hbm>>
      tpu.wait_dma2 semaphore(%run_scoped3A : memref<!tpu.dma_semaphore, #tpu.memory_space<semaphore_mem>>) src(%dma_wait3A_1730 : memref<16xf32, #tpu.memory_space<hbm>>) dst(%arg6 : memref<16xf32, #tpu.memory_space<vmem>>)
      tpu.yield
    }) : () -> ()
    %abs3A_508 = math.absi %squeeze3A_479 : i32
    %min3A_509 = arith.constant 1 : i32
    %min3A_510 = arith.minsi %abs3A_508, %min3A_509 : i32
    %sub3A_511 = arith.subi %squeeze3A_479, %mul3A_505 : i32
    %sub3A_512 = vector.broadcast %sub3A_511 : i32 to vector<16xi32>
    %sub3A_513 = arith.subi %iota3A, %sub3A_512 : vector<16xi32>
    %abs3A_514 = math.absi %sub3A_513 : vector<16xi32>
    %sub3A_515 = arith.constant 1 : i32
    %sub3A_516 = vector.broadcast %sub3A_515 : i32 to vector<16xi32>
    %sub3A_517 = arith.subi %sub3A_516, %abs3A_514 : vector<16xi32>
    %max3A_518 = arith.constant 0 : i32
    %max3A_519 = vector.broadcast %max3A_518 : i32 to vector<16xi32>
    %max3A_520 = arith.maxsi %sub3A_517, %max3A_519 : vector<16xi32>
    %mul3A_521 = vector.broadcast %min3A_510 : i32 to vector<16xi32>
    %mul3A_522 = arith.muli %max3A_520, %mul3A_521 : vector<16xi32>
    %get3A_523 = arith.constant 0 : index
    %get3A_524 = tpu.vector_load %arg6[%get3A_523] {strides = array<i32>} : memref<16xf32, #tpu.memory_space<vmem>>, vector<16xf32>,
    %get3A_525 = vector.shape_cast %get3A_524 : vector<16xf32> to vector<16xf32>
    %convert_element_type3A_526 = arith.sitofp %mul3A_522 : vector<16xi32> to vector<16xf32>
    %mul3A_527 = arith.mulf %get3A_525, %convert_element_type3A_526 : vector<16xf32>
    %add3A_528 = arith.addf %add3A_474, %mul3A_527 : vector<16xf32>
    %get3A_529 = arith.constant 0 : index
    %get3A_530 = tpu.vector_load %arg5[%get3A_529] {strides = array<i32>} : memref<32xi32, #tpu.memory_space<vmem>>, vector<16xi32>,
    %get3A_531 = vector.shape_cast %get3A_530 : vector<16xi32> to vector<16xi32>
    %slice3A_532 = vector.extract_strided_slice %get3A_531 {offsets = [10], sizes = [1], strides = [1]} : vector<16xi32> to vector<1xi32>
    %squeeze3A_533 = vector.extract %slice3A_532[0] : i32 from vector<1xi32>
    %jit3A_534 = arith.constant 16 : i32
    %div3A_535 = arith.divsi %squeeze3A_533, %jit3A_534 : i32
    %sign3A_536 = arith.constant 0 : i32
    %sign3A_537 = arith.cmpi sgt, %squeeze3A_533, %sign3A_536 : i32
    %sign3A_538 = arith.extui %sign3A_537 : i1 to i32
    %sign3A_539 = arith.constant 0 : i32
    %sign3A_540 = arith.cmpi slt, %squeeze3A_533, %sign3A_539 : i32
    %sign3A_541 = arith.extui %sign3A_540 : i1 to i32
    %sign3A_542 = arith.subi %sign3A_538, %sign3A_541 : i32
    %sign3A_543 = arith.constant 0 : i32
    %sign3A_544 = arith.cmpi sgt, %jit3A_534, %sign3A_543 : i32
    %sign3A_545 = arith.extui %sign3A_544 : i1 to i32
    %sign3A_546 = arith.constant 0 : i32
    %sign3A_547 = arith.cmpi slt, %jit3A_534, %sign3A_546 : i32
    %sign3A_548 = arith.extui %sign3A_547 : i1 to i32
    %sign3A_549 = arith.subi %sign3A_545, %sign3A_548 : i32
    %ne3A_550 = arith.cmpi ne, %sign3A_542, %sign3A_549 : i32
    %rem3A_551 = arith.remsi %squeeze3A_533, %jit3A_534 : i32
    %ne3A_552 = arith.constant 0 : i32
    %ne3A_553 = arith.cmpi ne, %rem3A_551, %ne3A_552 : i32
    %and3A_554 = arith.andi %ne3A_550, %ne3A_553 : i1
    %sub3A_555 = arith.constant 1 : i32
    %sub3A_556 = arith.subi %div3A_535, %sub3A_555 : i32
    %select_n3A_557 = arith.select %and3A_554, %sub3A_556, %div3A_535 : i32
    %mul3A_558 = arith.constant 16 : i32
    %mul3A_559 = arith.muli %select_n3A_557, %mul3A_558 : i32
    %add3A_560 = arith.constant 10 : i32
    %add3A_561 = arith.addi %mul3A_2, %add3A_560 : i32
    "tpu.region"() ({
      %run_scoped3A = tpu.sem_alloc : memref<!tpu.dma_semaphore, #tpu.memory_space<semaphore_mem>>
      %dma_start3A = tpu.memref_slice %arg2[%add3A_561, %mul3A_559] : memref<1024x100000xf32, #tpu.memory_space<hbm>> -> memref<1x16xf32, #tpu.memory_space<hbm>>
      %dma_start3A_1725 = tpu.memref_squeeze %dma_start3A : memref<1x16xf32, #tpu.memory_space<hbm>> -> memref<16xf32, #tpu.memory_space<hbm>>
      %dma_start3A_1726 = tpu.memref_slice %arg2[%add3A_561, %mul3A_559] : memref<1024x100000xf32, #tpu.memory_space<hbm>> -> memref<1x16xf32, #tpu.memory_space<hbm>>
      %dma_start3A_1727 = tpu.memref_squeeze %dma_start3A_1726 : memref<1x16xf32, #tpu.memory_space<hbm>> -> memref<16xf32, #tpu.memory_space<hbm>>
      tpu.enqueue_dma source(%dma_start3A_1727 : memref<16xf32, #tpu.memory_space<hbm>>) target(%arg6 : memref<16xf32, #tpu.memory_space<vmem>>) target_semaphore(%run_scoped3A : memref<!tpu.dma_semaphore, #tpu.memory_space<semaphore_mem>>)
      %dma_wait3A = tpu.memref_slice %arg2[%add3A_561, %mul3A_559] : memref<1024x100000xf32, #tpu.memory_space<hbm>> -> memref<1x16xf32, #tpu.memory_space<hbm>>
      %dma_wait3A_1728 = tpu.memref_squeeze %dma_wait3A : memref<1x16xf32, #tpu.memory_space<hbm>> -> memref<16xf32, #tpu.memory_space<hbm>>
      %dma_wait3A_1729 = tpu.memref_slice %arg2[%add3A_561, %mul3A_559] : memref<1024x100000xf32, #tpu.memory_space<hbm>> -> memref<1x16xf32, #tpu.memory_space<hbm>>
      %dma_wait3A_1730 = tpu.memref_squeeze %dma_wait3A_1729 : memref<1x16xf32, #tpu.memory_space<hbm>> -> memref<16xf32, #tpu.memory_space<hbm>>
      tpu.wait_dma2 semaphore(%run_scoped3A : memref<!tpu.dma_semaphore, #tpu.memory_space<semaphore_mem>>) src(%dma_wait3A_1730 : memref<16xf32, #tpu.memory_space<hbm>>) dst(%arg6 : memref<16xf32, #tpu.memory_space<vmem>>)
      tpu.yield
    }) : () -> ()
    %abs3A_562 = math.absi %squeeze3A_533 : i32
    %min3A_563 = arith.constant 1 : i32
    %min3A_564 = arith.minsi %abs3A_562, %min3A_563 : i32
    %sub3A_565 = arith.subi %squeeze3A_533, %mul3A_559 : i32
    %sub3A_566 = vector.broadcast %sub3A_565 : i32 to vector<16xi32>
    %sub3A_567 = arith.subi %iota3A, %sub3A_566 : vector<16xi32>
    %abs3A_568 = math.absi %sub3A_567 : vector<16xi32>
    %sub3A_569 = arith.constant 1 : i32
    %sub3A_570 = vector.broadcast %sub3A_569 : i32 to vector<16xi32>
    %sub3A_571 = arith.subi %sub3A_570, %abs3A_568 : vector<16xi32>
    %max3A_572 = arith.constant 0 : i32
    %max3A_573 = vector.broadcast %max3A_572 : i32 to vector<16xi32>
    %max3A_574 = arith.maxsi %sub3A_571, %max3A_573 : vector<16xi32>
    %mul3A_575 = vector.broadcast %min3A_564 : i32 to vector<16xi32>
    %mul3A_576 = arith.muli %max3A_574, %mul3A_575 : vector<16xi32>
    %get3A_577 = arith.constant 0 : index
    %get3A_578 = tpu.vector_load %arg6[%get3A_577] {strides = array<i32>} : memref<16xf32, #tpu.memory_space<vmem>>, vector<16xf32>,
    %get3A_579 = vector.shape_cast %get3A_578 : vector<16xf32> to vector<16xf32>
    %convert_element_type3A_580 = arith.sitofp %mul3A_576 : vector<16xi32> to vector<16xf32>
    %mul3A_581 = arith.mulf %get3A_579, %convert_element_type3A_580 : vector<16xf32>
    %add3A_582 = arith.addf %add3A_528, %mul3A_581 : vector<16xf32>
    %get3A_583 = arith.constant 0 : index
    %get3A_584 = tpu.vector_load %arg5[%get3A_583] {strides = array<i32>} : memref<32xi32, #tpu.memory_space<vmem>>, vector<16xi32>,
    %get3A_585 = vector.shape_cast %get3A_584 : vector<16xi32> to vector<16xi32>
    %slice3A_586 = vector.extract_strided_slice %get3A_585 {offsets = [11], sizes = [1], strides = [1]} : vector<16xi32> to vector<1xi32>
    %squeeze3A_587 = vector.extract %slice3A_586[0] : i32 from vector<1xi32>
    %jit3A_588 = arith.constant 16 : i32
    %div3A_589 = arith.divsi %squeeze3A_587, %jit3A_588 : i32
    %sign3A_590 = arith.constant 0 : i32
    %sign3A_591 = arith.cmpi sgt, %squeeze3A_587, %sign3A_590 : i32
    %sign3A_592 = arith.extui %sign3A_591 : i1 to i32
    %sign3A_593 = arith.constant 0 : i32
    %sign3A_594 = arith.cmpi slt, %squeeze3A_587, %sign3A_593 : i32
    %sign3A_595 = arith.extui %sign3A_594 : i1 to i32
    %sign3A_596 = arith.subi %sign3A_592, %sign3A_595 : i32
    %sign3A_597 = arith.constant 0 : i32
    %sign3A_598 = arith.cmpi sgt, %jit3A_588, %sign3A_597 : i32
    %sign3A_599 = arith.extui %sign3A_598 : i1 to i32
    %sign3A_600 = arith.constant 0 : i32
    %sign3A_601 = arith.cmpi slt, %jit3A_588, %sign3A_600 : i32
    %sign3A_602 = arith.extui %sign3A_601 : i1 to i32
    %sign3A_603 = arith.subi %sign3A_599, %sign3A_602 : i32
    %ne3A_604 = arith.cmpi ne, %sign3A_596, %sign3A_603 : i32
    %rem3A_605 = arith.remsi %squeeze3A_587, %jit3A_588 : i32
    %ne3A_606 = arith.constant 0 : i32
    %ne3A_607 = arith.cmpi ne, %rem3A_605, %ne3A_606 : i32
    %and3A_608 = arith.andi %ne3A_604, %ne3A_607 : i1
    %sub3A_609 = arith.constant 1 : i32
    %sub3A_610 = arith.subi %div3A_589, %sub3A_609 : i32
    %select_n3A_611 = arith.select %and3A_608, %sub3A_610, %div3A_589 : i32
    %mul3A_612 = arith.constant 16 : i32
    %mul3A_613 = arith.muli %select_n3A_611, %mul3A_612 : i32
    %add3A_614 = arith.constant 11 : i32
    %add3A_615 = arith.addi %mul3A_2, %add3A_614 : i32
    "tpu.region"() ({
      %run_scoped3A = tpu.sem_alloc : memref<!tpu.dma_semaphore, #tpu.memory_space<semaphore_mem>>
      %dma_start3A = tpu.memref_slice %arg2[%add3A_615, %mul3A_613] : memref<1024x100000xf32, #tpu.memory_space<hbm>> -> memref<1x16xf32, #tpu.memory_space<hbm>>
      %dma_start3A_1725 = tpu.memref_squeeze %dma_start3A : memref<1x16xf32, #tpu.memory_space<hbm>> -> memref<16xf32, #tpu.memory_space<hbm>>
      %dma_start3A_1726 = tpu.memref_slice %arg2[%add3A_615, %mul3A_613] : memref<1024x100000xf32, #tpu.memory_space<hbm>> -> memref<1x16xf32, #tpu.memory_space<hbm>>
      %dma_start3A_1727 = tpu.memref_squeeze %dma_start3A_1726 : memref<1x16xf32, #tpu.memory_space<hbm>> -> memref<16xf32, #tpu.memory_space<hbm>>
      tpu.enqueue_dma source(%dma_start3A_1727 : memref<16xf32, #tpu.memory_space<hbm>>) target(%arg6 : memref<16xf32, #tpu.memory_space<vmem>>) target_semaphore(%run_scoped3A : memref<!tpu.dma_semaphore, #tpu.memory_space<semaphore_mem>>)
      %dma_wait3A = tpu.memref_slice %arg2[%add3A_615, %mul3A_613] : memref<1024x100000xf32, #tpu.memory_space<hbm>> -> memref<1x16xf32, #tpu.memory_space<hbm>>
      %dma_wait3A_1728 = tpu.memref_squeeze %dma_wait3A : memref<1x16xf32, #tpu.memory_space<hbm>> -> memref<16xf32, #tpu.memory_space<hbm>>
      %dma_wait3A_1729 = tpu.memref_slice %arg2[%add3A_615, %mul3A_613] : memref<1024x100000xf32, #tpu.memory_space<hbm>> -> memref<1x16xf32, #tpu.memory_space<hbm>>
      %dma_wait3A_1730 = tpu.memref_squeeze %dma_wait3A_1729 : memref<1x16xf32, #tpu.memory_space<hbm>> -> memref<16xf32, #tpu.memory_space<hbm>>
      tpu.wait_dma2 semaphore(%run_scoped3A : memref<!tpu.dma_semaphore, #tpu.memory_space<semaphore_mem>>) src(%dma_wait3A_1730 : memref<16xf32, #tpu.memory_space<hbm>>) dst(%arg6 : memref<16xf32, #tpu.memory_space<vmem>>)
      tpu.yield
    }) : () -> ()
    %abs3A_616 = math.absi %squeeze3A_587 : i32
    %min3A_617 = arith.constant 1 : i32
    %min3A_618 = arith.minsi %abs3A_616, %min3A_617 : i32
    %sub3A_619 = arith.subi %squeeze3A_587, %mul3A_613 : i32
    %sub3A_620 = vector.broadcast %sub3A_619 : i32 to vector<16xi32>
    %sub3A_621 = arith.subi %iota3A, %sub3A_620 : vector<16xi32>
    %abs3A_622 = math.absi %sub3A_621 : vector<16xi32>
    %sub3A_623 = arith.constant 1 : i32
    %sub3A_624 = vector.broadcast %sub3A_623 : i32 to vector<16xi32>
    %sub3A_625 = arith.subi %sub3A_624, %abs3A_622 : vector<16xi32>
    %max3A_626 = arith.constant 0 : i32
    %max3A_627 = vector.broadcast %max3A_626 : i32 to vector<16xi32>
    %max3A_628 = arith.maxsi %sub3A_625, %max3A_627 : vector<16xi32>
    %mul3A_629 = vector.broadcast %min3A_618 : i32 to vector<16xi32>
    %mul3A_630 = arith.muli %max3A_628, %mul3A_629 : vector<16xi32>
    %get3A_631 = arith.constant 0 : index
    %get3A_632 = tpu.vector_load %arg6[%get3A_631] {strides = array<i32>} : memref<16xf32, #tpu.memory_space<vmem>>, vector<16xf32>,
    %get3A_633 = vector.shape_cast %get3A_632 : vector<16xf32> to vector<16xf32>
    %convert_element_type3A_634 = arith.sitofp %mul3A_630 : vector<16xi32> to vector<16xf32>
    %mul3A_635 = arith.mulf %get3A_633, %convert_element_type3A_634 : vector<16xf32>
    %add3A_636 = arith.addf %add3A_582, %mul3A_635 : vector<16xf32>
    %get3A_637 = arith.constant 0 : index
    %get3A_638 = tpu.vector_load %arg5[%get3A_637] {strides = array<i32>} : memref<32xi32, #tpu.memory_space<vmem>>, vector<16xi32>,
    %get3A_639 = vector.shape_cast %get3A_638 : vector<16xi32> to vector<16xi32>
    %slice3A_640 = vector.extract_strided_slice %get3A_639 {offsets = [12], sizes = [1], strides = [1]} : vector<16xi32> to vector<1xi32>
    %squeeze3A_641 = vector.extract %slice3A_640[0] : i32 from vector<1xi32>
    %jit3A_642 = arith.constant 16 : i32
    %div3A_643 = arith.divsi %squeeze3A_641, %jit3A_642 : i32
    %sign3A_644 = arith.constant 0 : i32
    %sign3A_645 = arith.cmpi sgt, %squeeze3A_641, %sign3A_644 : i32
    %sign3A_646 = arith.extui %sign3A_645 : i1 to i32
    %sign3A_647 = arith.constant 0 : i32
    %sign3A_648 = arith.cmpi slt, %squeeze3A_641, %sign3A_647 : i32
    %sign3A_649 = arith.extui %sign3A_648 : i1 to i32
    %sign3A_650 = arith.subi %sign3A_646, %sign3A_649 : i32
    %sign3A_651 = arith.constant 0 : i32
    %sign3A_652 = arith.cmpi sgt, %jit3A_642, %sign3A_651 : i32
    %sign3A_653 = arith.extui %sign3A_652 : i1 to i32
    %sign3A_654 = arith.constant 0 : i32
    %sign3A_655 = arith.cmpi slt, %jit3A_642, %sign3A_654 : i32
    %sign3A_656 = arith.extui %sign3A_655 : i1 to i32
    %sign3A_657 = arith.subi %sign3A_653, %sign3A_656 : i32
    %ne3A_658 = arith.cmpi ne, %sign3A_650, %sign3A_657 : i32
    %rem3A_659 = arith.remsi %squeeze3A_641, %jit3A_642 : i32
    %ne3A_660 = arith.constant 0 : i32
    %ne3A_661 = arith.cmpi ne, %rem3A_659, %ne3A_660 : i32
    %and3A_662 = arith.andi %ne3A_658, %ne3A_661 : i1
    %sub3A_663 = arith.constant 1 : i32
    %sub3A_664 = arith.subi %div3A_643, %sub3A_663 : i32
    %select_n3A_665 = arith.select %and3A_662, %sub3A_664, %div3A_643 : i32
    %mul3A_666 = arith.constant 16 : i32
    %mul3A_667 = arith.muli %select_n3A_665, %mul3A_666 : i32
    %add3A_668 = arith.constant 12 : i32
    %add3A_669 = arith.addi %mul3A_2, %add3A_668 : i32
    "tpu.region"() ({
      %run_scoped3A = tpu.sem_alloc : memref<!tpu.dma_semaphore, #tpu.memory_space<semaphore_mem>>
      %dma_start3A = tpu.memref_slice %arg2[%add3A_669, %mul3A_667] : memref<1024x100000xf32, #tpu.memory_space<hbm>> -> memref<1x16xf32, #tpu.memory_space<hbm>>
      %dma_start3A_1725 = tpu.memref_squeeze %dma_start3A : memref<1x16xf32, #tpu.memory_space<hbm>> -> memref<16xf32, #tpu.memory_space<hbm>>
      %dma_start3A_1726 = tpu.memref_slice %arg2[%add3A_669, %mul3A_667] : memref<1024x100000xf32, #tpu.memory_space<hbm>> -> memref<1x16xf32, #tpu.memory_space<hbm>>
      %dma_start3A_1727 = tpu.memref_squeeze %dma_start3A_1726 : memref<1x16xf32, #tpu.memory_space<hbm>> -> memref<16xf32, #tpu.memory_space<hbm>>
      tpu.enqueue_dma source(%dma_start3A_1727 : memref<16xf32, #tpu.memory_space<hbm>>) target(%arg6 : memref<16xf32, #tpu.memory_space<vmem>>) target_semaphore(%run_scoped3A : memref<!tpu.dma_semaphore, #tpu.memory_space<semaphore_mem>>)
      %dma_wait3A = tpu.memref_slice %arg2[%add3A_669, %mul3A_667] : memref<1024x100000xf32, #tpu.memory_space<hbm>> -> memref<1x16xf32, #tpu.memory_space<hbm>>
      %dma_wait3A_1728 = tpu.memref_squeeze %dma_wait3A : memref<1x16xf32, #tpu.memory_space<hbm>> -> memref<16xf32, #tpu.memory_space<hbm>>
      %dma_wait3A_1729 = tpu.memref_slice %arg2[%add3A_669, %mul3A_667] : memref<1024x100000xf32, #tpu.memory_space<hbm>> -> memref<1x16xf32, #tpu.memory_space<hbm>>
      %dma_wait3A_1730 = tpu.memref_squeeze %dma_wait3A_1729 : memref<1x16xf32, #tpu.memory_space<hbm>> -> memref<16xf32, #tpu.memory_space<hbm>>
      tpu.wait_dma2 semaphore(%run_scoped3A : memref<!tpu.dma_semaphore, #tpu.memory_space<semaphore_mem>>) src(%dma_wait3A_1730 : memref<16xf32, #tpu.memory_space<hbm>>) dst(%arg6 : memref<16xf32, #tpu.memory_space<vmem>>)
      tpu.yield
    }) : () -> ()
    %abs3A_670 = math.absi %squeeze3A_641 : i32
    %min3A_671 = arith.constant 1 : i32
    %min3A_672 = arith.minsi %abs3A_670, %min3A_671 : i32
    %sub3A_673 = arith.subi %squeeze3A_641, %mul3A_667 : i32
    %sub3A_674 = vector.broadcast %sub3A_673 : i32 to vector<16xi32>
    %sub3A_675 = arith.subi %iota3A, %sub3A_674 : vector<16xi32>
    %abs3A_676 = math.absi %sub3A_675 : vector<16xi32>
    %sub3A_677 = arith.constant 1 : i32
    %sub3A_678 = vector.broadcast %sub3A_677 : i32 to vector<16xi32>
    %sub3A_679 = arith.subi %sub3A_678, %abs3A_676 : vector<16xi32>
    %max3A_680 = arith.constant 0 : i32
    %max3A_681 = vector.broadcast %max3A_680 : i32 to vector<16xi32>
    %max3A_682 = arith.maxsi %sub3A_679, %max3A_681 : vector<16xi32>
    %mul3A_683 = vector.broadcast %min3A_672 : i32 to vector<16xi32>
    %mul3A_684 = arith.muli %max3A_682, %mul3A_683 : vector<16xi32>
    %get3A_685 = arith.constant 0 : index
    %get3A_686 = tpu.vector_load %arg6[%get3A_685] {strides = array<i32>} : memref<16xf32, #tpu.memory_space<vmem>>, vector<16xf32>,
    %get3A_687 = vector.shape_cast %get3A_686 : vector<16xf32> to vector<16xf32>
    %convert_element_type3A_688 = arith.sitofp %mul3A_684 : vector<16xi32> to vector<16xf32>
    %mul3A_689 = arith.mulf %get3A_687, %convert_element_type3A_688 : vector<16xf32>
    %add3A_690 = arith.addf %add3A_636, %mul3A_689 : vector<16xf32>
    %get3A_691 = arith.constant 0 : index
    %get3A_692 = tpu.vector_load %arg5[%get3A_691] {strides = array<i32>} : memref<32xi32, #tpu.memory_space<vmem>>, vector<16xi32>,
    %get3A_693 = vector.shape_cast %get3A_692 : vector<16xi32> to vector<16xi32>
    %slice3A_694 = vector.extract_strided_slice %get3A_693 {offsets = [13], sizes = [1], strides = [1]} : vector<16xi32> to vector<1xi32>
    %squeeze3A_695 = vector.extract %slice3A_694[0] : i32 from vector<1xi32>
    %jit3A_696 = arith.constant 16 : i32
    %div3A_697 = arith.divsi %squeeze3A_695, %jit3A_696 : i32
    %sign3A_698 = arith.constant 0 : i32
    %sign3A_699 = arith.cmpi sgt, %squeeze3A_695, %sign3A_698 : i32
    %sign3A_700 = arith.extui %sign3A_699 : i1 to i32
    %sign3A_701 = arith.constant 0 : i32
    %sign3A_702 = arith.cmpi slt, %squeeze3A_695, %sign3A_701 : i32
    %sign3A_703 = arith.extui %sign3A_702 : i1 to i32
    %sign3A_704 = arith.subi %sign3A_700, %sign3A_703 : i32
    %sign3A_705 = arith.constant 0 : i32
    %sign3A_706 = arith.cmpi sgt, %jit3A_696, %sign3A_705 : i32
    %sign3A_707 = arith.extui %sign3A_706 : i1 to i32
    %sign3A_708 = arith.constant 0 : i32
    %sign3A_709 = arith.cmpi slt, %jit3A_696, %sign3A_708 : i32
    %sign3A_710 = arith.extui %sign3A_709 : i1 to i32
    %sign3A_711 = arith.subi %sign3A_707, %sign3A_710 : i32
    %ne3A_712 = arith.cmpi ne, %sign3A_704, %sign3A_711 : i32
    %rem3A_713 = arith.remsi %squeeze3A_695, %jit3A_696 : i32
    %ne3A_714 = arith.constant 0 : i32
    %ne3A_715 = arith.cmpi ne, %rem3A_713, %ne3A_714 : i32
    %and3A_716 = arith.andi %ne3A_712, %ne3A_715 : i1
    %sub3A_717 = arith.constant 1 : i32
    %sub3A_718 = arith.subi %div3A_697, %sub3A_717 : i32
    %select_n3A_719 = arith.select %and3A_716, %sub3A_718, %div3A_697 : i32
    %mul3A_720 = arith.constant 16 : i32
    %mul3A_721 = arith.muli %select_n3A_719, %mul3A_720 : i32
    %add3A_722 = arith.constant 13 : i32
    %add3A_723 = arith.addi %mul3A_2, %add3A_722 : i32
    "tpu.region"() ({
      %run_scoped3A = tpu.sem_alloc : memref<!tpu.dma_semaphore, #tpu.memory_space<semaphore_mem>>
      %dma_start3A = tpu.memref_slice %arg2[%add3A_723, %mul3A_721] : memref<1024x100000xf32, #tpu.memory_space<hbm>> -> memref<1x16xf32, #tpu.memory_space<hbm>>
      %dma_start3A_1725 = tpu.memref_squeeze %dma_start3A : memref<1x16xf32, #tpu.memory_space<hbm>> -> memref<16xf32, #tpu.memory_space<hbm>>
      %dma_start3A_1726 = tpu.memref_slice %arg2[%add3A_723, %mul3A_721] : memref<1024x100000xf32, #tpu.memory_space<hbm>> -> memref<1x16xf32, #tpu.memory_space<hbm>>
      %dma_start3A_1727 = tpu.memref_squeeze %dma_start3A_1726 : memref<1x16xf32, #tpu.memory_space<hbm>> -> memref<16xf32, #tpu.memory_space<hbm>>
      tpu.enqueue_dma source(%dma_start3A_1727 : memref<16xf32, #tpu.memory_space<hbm>>) target(%arg6 : memref<16xf32, #tpu.memory_space<vmem>>) target_semaphore(%run_scoped3A : memref<!tpu.dma_semaphore, #tpu.memory_space<semaphore_mem>>)
      %dma_wait3A = tpu.memref_slice %arg2[%add3A_723, %mul3A_721] : memref<1024x100000xf32, #tpu.memory_space<hbm>> -> memref<1x16xf32, #tpu.memory_space<hbm>>
      %dma_wait3A_1728 = tpu.memref_squeeze %dma_wait3A : memref<1x16xf32, #tpu.memory_space<hbm>> -> memref<16xf32, #tpu.memory_space<hbm>>
      %dma_wait3A_1729 = tpu.memref_slice %arg2[%add3A_723, %mul3A_721] : memref<1024x100000xf32, #tpu.memory_space<hbm>> -> memref<1x16xf32, #tpu.memory_space<hbm>>
      %dma_wait3A_1730 = tpu.memref_squeeze %dma_wait3A_1729 : memref<1x16xf32, #tpu.memory_space<hbm>> -> memref<16xf32, #tpu.memory_space<hbm>>
      tpu.wait_dma2 semaphore(%run_scoped3A : memref<!tpu.dma_semaphore, #tpu.memory_space<semaphore_mem>>) src(%dma_wait3A_1730 : memref<16xf32, #tpu.memory_space<hbm>>) dst(%arg6 : memref<16xf32, #tpu.memory_space<vmem>>)
      tpu.yield
    }) : () -> ()
    %abs3A_724 = math.absi %squeeze3A_695 : i32
    %min3A_725 = arith.constant 1 : i32
    %min3A_726 = arith.minsi %abs3A_724, %min3A_725 : i32
    %sub3A_727 = arith.subi %squeeze3A_695, %mul3A_721 : i32
    %sub3A_728 = vector.broadcast %sub3A_727 : i32 to vector<16xi32>
    %sub3A_729 = arith.subi %iota3A, %sub3A_728 : vector<16xi32>
    %abs3A_730 = math.absi %sub3A_729 : vector<16xi32>
    %sub3A_731 = arith.constant 1 : i32
    %sub3A_732 = vector.broadcast %sub3A_731 : i32 to vector<16xi32>
    %sub3A_733 = arith.subi %sub3A_732, %abs3A_730 : vector<16xi32>
    %max3A_734 = arith.constant 0 : i32
    %max3A_735 = vector.broadcast %max3A_734 : i32 to vector<16xi32>
    %max3A_736 = arith.maxsi %sub3A_733, %max3A_735 : vector<16xi32>
    %mul3A_737 = vector.broadcast %min3A_726 : i32 to vector<16xi32>
    %mul3A_738 = arith.muli %max3A_736, %mul3A_737 : vector<16xi32>
    %get3A_739 = arith.constant 0 : index
    %get3A_740 = tpu.vector_load %arg6[%get3A_739] {strides = array<i32>} : memref<16xf32, #tpu.memory_space<vmem>>, vector<16xf32>,
    %get3A_741 = vector.shape_cast %get3A_740 : vector<16xf32> to vector<16xf32>
    %convert_element_type3A_742 = arith.sitofp %mul3A_738 : vector<16xi32> to vector<16xf32>
    %mul3A_743 = arith.mulf %get3A_741, %convert_element_type3A_742 : vector<16xf32>
    %add3A_744 = arith.addf %add3A_690, %mul3A_743 : vector<16xf32>
    %get3A_745 = arith.constant 0 : index
    %get3A_746 = tpu.vector_load %arg5[%get3A_745] {strides = array<i32>} : memref<32xi32, #tpu.memory_space<vmem>>, vector<16xi32>,
    %get3A_747 = vector.shape_cast %get3A_746 : vector<16xi32> to vector<16xi32>
    %slice3A_748 = vector.extract_strided_slice %get3A_747 {offsets = [14], sizes = [1], strides = [1]} : vector<16xi32> to vector<1xi32>
    %squeeze3A_749 = vector.extract %slice3A_748[0] : i32 from vector<1xi32>
    %jit3A_750 = arith.constant 16 : i32
    %div3A_751 = arith.divsi %squeeze3A_749, %jit3A_750 : i32
    %sign3A_752 = arith.constant 0 : i32
    %sign3A_753 = arith.cmpi sgt, %squeeze3A_749, %sign3A_752 : i32
    %sign3A_754 = arith.extui %sign3A_753 : i1 to i32
    %sign3A_755 = arith.constant 0 : i32
    %sign3A_756 = arith.cmpi slt, %squeeze3A_749, %sign3A_755 : i32
    %sign3A_757 = arith.extui %sign3A_756 : i1 to i32
    %sign3A_758 = arith.subi %sign3A_754, %sign3A_757 : i32
    %sign3A_759 = arith.constant 0 : i32
    %sign3A_760 = arith.cmpi sgt, %jit3A_750, %sign3A_759 : i32
    %sign3A_761 = arith.extui %sign3A_760 : i1 to i32
    %sign3A_762 = arith.constant 0 : i32
    %sign3A_763 = arith.cmpi slt, %jit3A_750, %sign3A_762 : i32
    %sign3A_764 = arith.extui %sign3A_763 : i1 to i32
    %sign3A_765 = arith.subi %sign3A_761, %sign3A_764 : i32
    %ne3A_766 = arith.cmpi ne, %sign3A_758, %sign3A_765 : i32
    %rem3A_767 = arith.remsi %squeeze3A_749, %jit3A_750 : i32
    %ne3A_768 = arith.constant 0 : i32
    %ne3A_769 = arith.cmpi ne, %rem3A_767, %ne3A_768 : i32
    %and3A_770 = arith.andi %ne3A_766, %ne3A_769 : i1
    %sub3A_771 = arith.constant 1 : i32
    %sub3A_772 = arith.subi %div3A_751, %sub3A_771 : i32
    %select_n3A_773 = arith.select %and3A_770, %sub3A_772, %div3A_751 : i32
    %mul3A_774 = arith.constant 16 : i32
    %mul3A_775 = arith.muli %select_n3A_773, %mul3A_774 : i32
    %add3A_776 = arith.constant 14 : i32
    %add3A_777 = arith.addi %mul3A_2, %add3A_776 : i32
    "tpu.region"() ({
      %run_scoped3A = tpu.sem_alloc : memref<!tpu.dma_semaphore, #tpu.memory_space<semaphore_mem>>
      %dma_start3A = tpu.memref_slice %arg2[%add3A_777, %mul3A_775] : memref<1024x100000xf32, #tpu.memory_space<hbm>> -> memref<1x16xf32, #tpu.memory_space<hbm>>
      %dma_start3A_1725 = tpu.memref_squeeze %dma_start3A : memref<1x16xf32, #tpu.memory_space<hbm>> -> memref<16xf32, #tpu.memory_space<hbm>>
      %dma_start3A_1726 = tpu.memref_slice %arg2[%add3A_777, %mul3A_775] : memref<1024x100000xf32, #tpu.memory_space<hbm>> -> memref<1x16xf32, #tpu.memory_space<hbm>>
      %dma_start3A_1727 = tpu.memref_squeeze %dma_start3A_1726 : memref<1x16xf32, #tpu.memory_space<hbm>> -> memref<16xf32, #tpu.memory_space<hbm>>
      tpu.enqueue_dma source(%dma_start3A_1727 : memref<16xf32, #tpu.memory_space<hbm>>) target(%arg6 : memref<16xf32, #tpu.memory_space<vmem>>) target_semaphore(%run_scoped3A : memref<!tpu.dma_semaphore, #tpu.memory_space<semaphore_mem>>)
      %dma_wait3A = tpu.memref_slice %arg2[%add3A_777, %mul3A_775] : memref<1024x100000xf32, #tpu.memory_space<hbm>> -> memref<1x16xf32, #tpu.memory_space<hbm>>
      %dma_wait3A_1728 = tpu.memref_squeeze %dma_wait3A : memref<1x16xf32, #tpu.memory_space<hbm>> -> memref<16xf32, #tpu.memory_space<hbm>>
      %dma_wait3A_1729 = tpu.memref_slice %arg2[%add3A_777, %mul3A_775] : memref<1024x100000xf32, #tpu.memory_space<hbm>> -> memref<1x16xf32, #tpu.memory_space<hbm>>
      %dma_wait3A_1730 = tpu.memref_squeeze %dma_wait3A_1729 : memref<1x16xf32, #tpu.memory_space<hbm>> -> memref<16xf32, #tpu.memory_space<hbm>>
      tpu.wait_dma2 semaphore(%run_scoped3A : memref<!tpu.dma_semaphore, #tpu.memory_space<semaphore_mem>>) src(%dma_wait3A_1730 : memref<16xf32, #tpu.memory_space<hbm>>) dst(%arg6 : memref<16xf32, #tpu.memory_space<vmem>>)
      tpu.yield
    }) : () -> ()
    %abs3A_778 = math.absi %squeeze3A_749 : i32
    %min3A_779 = arith.constant 1 : i32
    %min3A_780 = arith.minsi %abs3A_778, %min3A_779 : i32
    %sub3A_781 = arith.subi %squeeze3A_749, %mul3A_775 : i32
    %sub3A_782 = vector.broadcast %sub3A_781 : i32 to vector<16xi32>
    %sub3A_783 = arith.subi %iota3A, %sub3A_782 : vector<16xi32>
    %abs3A_784 = math.absi %sub3A_783 : vector<16xi32>
    %sub3A_785 = arith.constant 1 : i32
    %sub3A_786 = vector.broadcast %sub3A_785 : i32 to vector<16xi32>
    %sub3A_787 = arith.subi %sub3A_786, %abs3A_784 : vector<16xi32>
    %max3A_788 = arith.constant 0 : i32
    %max3A_789 = vector.broadcast %max3A_788 : i32 to vector<16xi32>
    %max3A_790 = arith.maxsi %sub3A_787, %max3A_789 : vector<16xi32>
    %mul3A_791 = vector.broadcast %min3A_780 : i32 to vector<16xi32>
    %mul3A_792 = arith.muli %max3A_790, %mul3A_791 : vector<16xi32>
    %get3A_793 = arith.constant 0 : index
    %get3A_794 = tpu.vector_load %arg6[%get3A_793] {strides = array<i32>} : memref<16xf32, #tpu.memory_space<vmem>>, vector<16xf32>,
    %get3A_795 = vector.shape_cast %get3A_794 : vector<16xf32> to vector<16xf32>
    %convert_element_type3A_796 = arith.sitofp %mul3A_792 : vector<16xi32> to vector<16xf32>
    %mul3A_797 = arith.mulf %get3A_795, %convert_element_type3A_796 : vector<16xf32>
    %add3A_798 = arith.addf %add3A_744, %mul3A_797 : vector<16xf32>
    %get3A_799 = arith.constant 0 : index
    %get3A_800 = tpu.vector_load %arg5[%get3A_799] {strides = array<i32>} : memref<32xi32, #tpu.memory_space<vmem>>, vector<16xi32>,
    %get3A_801 = vector.shape_cast %get3A_800 : vector<16xi32> to vector<16xi32>
    %slice3A_802 = vector.extract_strided_slice %get3A_801 {offsets = [15], sizes = [1], strides = [1]} : vector<16xi32> to vector<1xi32>
    %squeeze3A_803 = vector.extract %slice3A_802[0] : i32 from vector<1xi32>
    %jit3A_804 = arith.constant 16 : i32
    %div3A_805 = arith.divsi %squeeze3A_803, %jit3A_804 : i32
    %sign3A_806 = arith.constant 0 : i32
    %sign3A_807 = arith.cmpi sgt, %squeeze3A_803, %sign3A_806 : i32
    %sign3A_808 = arith.extui %sign3A_807 : i1 to i32
    %sign3A_809 = arith.constant 0 : i32
    %sign3A_810 = arith.cmpi slt, %squeeze3A_803, %sign3A_809 : i32
    %sign3A_811 = arith.extui %sign3A_810 : i1 to i32
    %sign3A_812 = arith.subi %sign3A_808, %sign3A_811 : i32
    %sign3A_813 = arith.constant 0 : i32
    %sign3A_814 = arith.cmpi sgt, %jit3A_804, %sign3A_813 : i32
    %sign3A_815 = arith.extui %sign3A_814 : i1 to i32
    %sign3A_816 = arith.constant 0 : i32
    %sign3A_817 = arith.cmpi slt, %jit3A_804, %sign3A_816 : i32
    %sign3A_818 = arith.extui %sign3A_817 : i1 to i32
    %sign3A_819 = arith.subi %sign3A_815, %sign3A_818 : i32
    %ne3A_820 = arith.cmpi ne, %sign3A_812, %sign3A_819 : i32
    %rem3A_821 = arith.remsi %squeeze3A_803, %jit3A_804 : i32
    %ne3A_822 = arith.constant 0 : i32
    %ne3A_823 = arith.cmpi ne, %rem3A_821, %ne3A_822 : i32
    %and3A_824 = arith.andi %ne3A_820, %ne3A_823 : i1
    %sub3A_825 = arith.constant 1 : i32
    %sub3A_826 = arith.subi %div3A_805, %sub3A_825 : i32
    %select_n3A_827 = arith.select %and3A_824, %sub3A_826, %div3A_805 : i32
    %mul3A_828 = arith.constant 16 : i32
    %mul3A_829 = arith.muli %select_n3A_827, %mul3A_828 : i32
    %add3A_830 = arith.constant 15 : i32
    %add3A_831 = arith.addi %mul3A_2, %add3A_830 : i32
    "tpu.region"() ({
      %run_scoped3A = tpu.sem_alloc : memref<!tpu.dma_semaphore, #tpu.memory_space<semaphore_mem>>
      %dma_start3A = tpu.memref_slice %arg2[%add3A_831, %mul3A_829] : memref<1024x100000xf32, #tpu.memory_space<hbm>> -> memref<1x16xf32, #tpu.memory_space<hbm>>
      %dma_start3A_1725 = tpu.memref_squeeze %dma_start3A : memref<1x16xf32, #tpu.memory_space<hbm>> -> memref<16xf32, #tpu.memory_space<hbm>>
      %dma_start3A_1726 = tpu.memref_slice %arg2[%add3A_831, %mul3A_829] : memref<1024x100000xf32, #tpu.memory_space<hbm>> -> memref<1x16xf32, #tpu.memory_space<hbm>>
      %dma_start3A_1727 = tpu.memref_squeeze %dma_start3A_1726 : memref<1x16xf32, #tpu.memory_space<hbm>> -> memref<16xf32, #tpu.memory_space<hbm>>
      tpu.enqueue_dma source(%dma_start3A_1727 : memref<16xf32, #tpu.memory_space<hbm>>) target(%arg6 : memref<16xf32, #tpu.memory_space<vmem>>) target_semaphore(%run_scoped3A : memref<!tpu.dma_semaphore, #tpu.memory_space<semaphore_mem>>)
      %dma_wait3A = tpu.memref_slice %arg2[%add3A_831, %mul3A_829] : memref<1024x100000xf32, #tpu.memory_space<hbm>> -> memref<1x16xf32, #tpu.memory_space<hbm>>
      %dma_wait3A_1728 = tpu.memref_squeeze %dma_wait3A : memref<1x16xf32, #tpu.memory_space<hbm>> -> memref<16xf32, #tpu.memory_space<hbm>>
      %dma_wait3A_1729 = tpu.memref_slice %arg2[%add3A_831, %mul3A_829] : memref<1024x100000xf32, #tpu.memory_space<hbm>> -> memref<1x16xf32, #tpu.memory_space<hbm>>
      %dma_wait3A_1730 = tpu.memref_squeeze %dma_wait3A_1729 : memref<1x16xf32, #tpu.memory_space<hbm>> -> memref<16xf32, #tpu.memory_space<hbm>>
      tpu.wait_dma2 semaphore(%run_scoped3A : memref<!tpu.dma_semaphore, #tpu.memory_space<semaphore_mem>>) src(%dma_wait3A_1730 : memref<16xf32, #tpu.memory_space<hbm>>) dst(%arg6 : memref<16xf32, #tpu.memory_space<vmem>>)
      tpu.yield
    }) : () -> ()
    %abs3A_832 = math.absi %squeeze3A_803 : i32
    %min3A_833 = arith.constant 1 : i32
    %min3A_834 = arith.minsi %abs3A_832, %min3A_833 : i32
    %sub3A_835 = arith.subi %squeeze3A_803, %mul3A_829 : i32
    %sub3A_836 = vector.broadcast %sub3A_835 : i32 to vector<16xi32>
    %sub3A_837 = arith.subi %iota3A, %sub3A_836 : vector<16xi32>
    %abs3A_838 = math.absi %sub3A_837 : vector<16xi32>
    %sub3A_839 = arith.constant 1 : i32
    %sub3A_840 = vector.broadcast %sub3A_839 : i32 to vector<16xi32>
    %sub3A_841 = arith.subi %sub3A_840, %abs3A_838 : vector<16xi32>
    %max3A_842 = arith.constant 0 : i32
    %max3A_843 = vector.broadcast %max3A_842 : i32 to vector<16xi32>
    %max3A_844 = arith.maxsi %sub3A_841, %max3A_843 : vector<16xi32>
    %mul3A_845 = vector.broadcast %min3A_834 : i32 to vector<16xi32>
    %mul3A_846 = arith.muli %max3A_844, %mul3A_845 : vector<16xi32>
    %get3A_847 = arith.constant 0 : index
    %get3A_848 = tpu.vector_load %arg6[%get3A_847] {strides = array<i32>} : memref<16xf32, #tpu.memory_space<vmem>>, vector<16xf32>,
    %get3A_849 = vector.shape_cast %get3A_848 : vector<16xf32> to vector<16xf32>
    %convert_element_type3A_850 = arith.sitofp %mul3A_846 : vector<16xi32> to vector<16xf32>
    %mul3A_851 = arith.mulf %get3A_849, %convert_element_type3A_850 : vector<16xf32>
    %add3A_852 = arith.addf %add3A_798, %mul3A_851 : vector<16xf32>
    %get3A_853 = arith.constant 16 : index
    %get3A_854 = tpu.vector_load %arg5[%get3A_853] {strides = array<i32>} : memref<32xi32, #tpu.memory_space<vmem>>, vector<16xi32>,
    %get3A_855 = vector.shape_cast %get3A_854 : vector<16xi32> to vector<16xi32>
    %slice3A_856 = vector.extract_strided_slice %get3A_855 {offsets = [0], sizes = [1], strides = [1]} : vector<16xi32> to vector<1xi32>
    %squeeze3A_857 = vector.extract %slice3A_856[0] : i32 from vector<1xi32>
    %jit3A_858 = arith.constant 16 : i32
    %div3A_859 = arith.divsi %squeeze3A_857, %jit3A_858 : i32
    %sign3A_860 = arith.constant 0 : i32
    %sign3A_861 = arith.cmpi sgt, %squeeze3A_857, %sign3A_860 : i32
    %sign3A_862 = arith.extui %sign3A_861 : i1 to i32
    %sign3A_863 = arith.constant 0 : i32
    %sign3A_864 = arith.cmpi slt, %squeeze3A_857, %sign3A_863 : i32
    %sign3A_865 = arith.extui %sign3A_864 : i1 to i32
    %sign3A_866 = arith.subi %sign3A_862, %sign3A_865 : i32
    %sign3A_867 = arith.constant 0 : i32
    %sign3A_868 = arith.cmpi sgt, %jit3A_858, %sign3A_867 : i32
    %sign3A_869 = arith.extui %sign3A_868 : i1 to i32
    %sign3A_870 = arith.constant 0 : i32
    %sign3A_871 = arith.cmpi slt, %jit3A_858, %sign3A_870 : i32
    %sign3A_872 = arith.extui %sign3A_871 : i1 to i32
    %sign3A_873 = arith.subi %sign3A_869, %sign3A_872 : i32
    %ne3A_874 = arith.cmpi ne, %sign3A_866, %sign3A_873 : i32
    %rem3A_875 = arith.remsi %squeeze3A_857, %jit3A_858 : i32
    %ne3A_876 = arith.constant 0 : i32
    %ne3A_877 = arith.cmpi ne, %rem3A_875, %ne3A_876 : i32
    %and3A_878 = arith.andi %ne3A_874, %ne3A_877 : i1
    %sub3A_879 = arith.constant 1 : i32
    %sub3A_880 = arith.subi %div3A_859, %sub3A_879 : i32
    %select_n3A_881 = arith.select %and3A_878, %sub3A_880, %div3A_859 : i32
    %mul3A_882 = arith.constant 16 : i32
    %mul3A_883 = arith.muli %select_n3A_881, %mul3A_882 : i32
    %add3A_884 = arith.constant 16 : i32
    %add3A_885 = arith.addi %mul3A_2, %add3A_884 : i32
    "tpu.region"() ({
      %run_scoped3A = tpu.sem_alloc : memref<!tpu.dma_semaphore, #tpu.memory_space<semaphore_mem>>
      %dma_start3A = tpu.memref_slice %arg2[%add3A_885, %mul3A_883] : memref<1024x100000xf32, #tpu.memory_space<hbm>> -> memref<1x16xf32, #tpu.memory_space<hbm>>
      %dma_start3A_1725 = tpu.memref_squeeze %dma_start3A : memref<1x16xf32, #tpu.memory_space<hbm>> -> memref<16xf32, #tpu.memory_space<hbm>>
      %dma_start3A_1726 = tpu.memref_slice %arg2[%add3A_885, %mul3A_883] : memref<1024x100000xf32, #tpu.memory_space<hbm>> -> memref<1x16xf32, #tpu.memory_space<hbm>>
      %dma_start3A_1727 = tpu.memref_squeeze %dma_start3A_1726 : memref<1x16xf32, #tpu.memory_space<hbm>> -> memref<16xf32, #tpu.memory_space<hbm>>
      tpu.enqueue_dma source(%dma_start3A_1727 : memref<16xf32, #tpu.memory_space<hbm>>) target(%arg6 : memref<16xf32, #tpu.memory_space<vmem>>) target_semaphore(%run_scoped3A : memref<!tpu.dma_semaphore, #tpu.memory_space<semaphore_mem>>)
      %dma_wait3A = tpu.memref_slice %arg2[%add3A_885, %mul3A_883] : memref<1024x100000xf32, #tpu.memory_space<hbm>> -> memref<1x16xf32, #tpu.memory_space<hbm>>
      %dma_wait3A_1728 = tpu.memref_squeeze %dma_wait3A : memref<1x16xf32, #tpu.memory_space<hbm>> -> memref<16xf32, #tpu.memory_space<hbm>>
      %dma_wait3A_1729 = tpu.memref_slice %arg2[%add3A_885, %mul3A_883] : memref<1024x100000xf32, #tpu.memory_space<hbm>> -> memref<1x16xf32, #tpu.memory_space<hbm>>
      %dma_wait3A_1730 = tpu.memref_squeeze %dma_wait3A_1729 : memref<1x16xf32, #tpu.memory_space<hbm>> -> memref<16xf32, #tpu.memory_space<hbm>>
      tpu.wait_dma2 semaphore(%run_scoped3A : memref<!tpu.dma_semaphore, #tpu.memory_space<semaphore_mem>>) src(%dma_wait3A_1730 : memref<16xf32, #tpu.memory_space<hbm>>) dst(%arg6 : memref<16xf32, #tpu.memory_space<vmem>>)
      tpu.yield
    }) : () -> ()
    %abs3A_886 = math.absi %squeeze3A_857 : i32
    %min3A_887 = arith.constant 1 : i32
    %min3A_888 = arith.minsi %abs3A_886, %min3A_887 : i32
    %sub3A_889 = arith.subi %squeeze3A_857, %mul3A_883 : i32
    %sub3A_890 = vector.broadcast %sub3A_889 : i32 to vector<16xi32>
    %sub3A_891 = arith.subi %iota3A, %sub3A_890 : vector<16xi32>
    %abs3A_892 = math.absi %sub3A_891 : vector<16xi32>
    %sub3A_893 = arith.constant 1 : i32
    %sub3A_894 = vector.broadcast %sub3A_893 : i32 to vector<16xi32>
    %sub3A_895 = arith.subi %sub3A_894, %abs3A_892 : vector<16xi32>
    %max3A_896 = arith.constant 0 : i32
    %max3A_897 = vector.broadcast %max3A_896 : i32 to vector<16xi32>
    %max3A_898 = arith.maxsi %sub3A_895, %max3A_897 : vector<16xi32>
    %mul3A_899 = vector.broadcast %min3A_888 : i32 to vector<16xi32>
    %mul3A_900 = arith.muli %max3A_898, %mul3A_899 : vector<16xi32>
    %get3A_901 = arith.constant 0 : index
    %get3A_902 = tpu.vector_load %arg6[%get3A_901] {strides = array<i32>} : memref<16xf32, #tpu.memory_space<vmem>>, vector<16xf32>,
    %get3A_903 = vector.shape_cast %get3A_902 : vector<16xf32> to vector<16xf32>
    %convert_element_type3A_904 = arith.sitofp %mul3A_900 : vector<16xi32> to vector<16xf32>
    %mul3A_905 = arith.mulf %get3A_903, %convert_element_type3A_904 : vector<16xf32>
    %add3A_906 = arith.addf %add3A_852, %mul3A_905 : vector<16xf32>
    %get3A_907 = arith.constant 16 : index
    %get3A_908 = tpu.vector_load %arg5[%get3A_907] {strides = array<i32>} : memref<32xi32, #tpu.memory_space<vmem>>, vector<16xi32>,
    %get3A_909 = vector.shape_cast %get3A_908 : vector<16xi32> to vector<16xi32>
    %slice3A_910 = vector.extract_strided_slice %get3A_909 {offsets = [1], sizes = [1], strides = [1]} : vector<16xi32> to vector<1xi32>
    %squeeze3A_911 = vector.extract %slice3A_910[0] : i32 from vector<1xi32>
    %jit3A_912 = arith.constant 16 : i32
    %div3A_913 = arith.divsi %squeeze3A_911, %jit3A_912 : i32
    %sign3A_914 = arith.constant 0 : i32
    %sign3A_915 = arith.cmpi sgt, %squeeze3A_911, %sign3A_914 : i32
    %sign3A_916 = arith.extui %sign3A_915 : i1 to i32
    %sign3A_917 = arith.constant 0 : i32
    %sign3A_918 = arith.cmpi slt, %squeeze3A_911, %sign3A_917 : i32
    %sign3A_919 = arith.extui %sign3A_918 : i1 to i32
    %sign3A_920 = arith.subi %sign3A_916, %sign3A_919 : i32
    %sign3A_921 = arith.constant 0 : i32
    %sign3A_922 = arith.cmpi sgt, %jit3A_912, %sign3A_921 : i32
    %sign3A_923 = arith.extui %sign3A_922 : i1 to i32
    %sign3A_924 = arith.constant 0 : i32
    %sign3A_925 = arith.cmpi slt, %jit3A_912, %sign3A_924 : i32
    %sign3A_926 = arith.extui %sign3A_925 : i1 to i32
    %sign3A_927 = arith.subi %sign3A_923, %sign3A_926 : i32
    %ne3A_928 = arith.cmpi ne, %sign3A_920, %sign3A_927 : i32
    %rem3A_929 = arith.remsi %squeeze3A_911, %jit3A_912 : i32
    %ne3A_930 = arith.constant 0 : i32
    %ne3A_931 = arith.cmpi ne, %rem3A_929, %ne3A_930 : i32
    %and3A_932 = arith.andi %ne3A_928, %ne3A_931 : i1
    %sub3A_933 = arith.constant 1 : i32
    %sub3A_934 = arith.subi %div3A_913, %sub3A_933 : i32
    %select_n3A_935 = arith.select %and3A_932, %sub3A_934, %div3A_913 : i32
    %mul3A_936 = arith.constant 16 : i32
    %mul3A_937 = arith.muli %select_n3A_935, %mul3A_936 : i32
    %add3A_938 = arith.constant 17 : i32
    %add3A_939 = arith.addi %mul3A_2, %add3A_938 : i32
    "tpu.region"() ({
      %run_scoped3A = tpu.sem_alloc : memref<!tpu.dma_semaphore, #tpu.memory_space<semaphore_mem>>
      %dma_start3A = tpu.memref_slice %arg2[%add3A_939, %mul3A_937] : memref<1024x100000xf32, #tpu.memory_space<hbm>> -> memref<1x16xf32, #tpu.memory_space<hbm>>
      %dma_start3A_1725 = tpu.memref_squeeze %dma_start3A : memref<1x16xf32, #tpu.memory_space<hbm>> -> memref<16xf32, #tpu.memory_space<hbm>>
      %dma_start3A_1726 = tpu.memref_slice %arg2[%add3A_939, %mul3A_937] : memref<1024x100000xf32, #tpu.memory_space<hbm>> -> memref<1x16xf32, #tpu.memory_space<hbm>>
      %dma_start3A_1727 = tpu.memref_squeeze %dma_start3A_1726 : memref<1x16xf32, #tpu.memory_space<hbm>> -> memref<16xf32, #tpu.memory_space<hbm>>
      tpu.enqueue_dma source(%dma_start3A_1727 : memref<16xf32, #tpu.memory_space<hbm>>) target(%arg6 : memref<16xf32, #tpu.memory_space<vmem>>) target_semaphore(%run_scoped3A : memref<!tpu.dma_semaphore, #tpu.memory_space<semaphore_mem>>)
      %dma_wait3A = tpu.memref_slice %arg2[%add3A_939, %mul3A_937] : memref<1024x100000xf32, #tpu.memory_space<hbm>> -> memref<1x16xf32, #tpu.memory_space<hbm>>
      %dma_wait3A_1728 = tpu.memref_squeeze %dma_wait3A : memref<1x16xf32, #tpu.memory_space<hbm>> -> memref<16xf32, #tpu.memory_space<hbm>>
      %dma_wait3A_1729 = tpu.memref_slice %arg2[%add3A_939, %mul3A_937] : memref<1024x100000xf32, #tpu.memory_space<hbm>> -> memref<1x16xf32, #tpu.memory_space<hbm>>
      %dma_wait3A_1730 = tpu.memref_squeeze %dma_wait3A_1729 : memref<1x16xf32, #tpu.memory_space<hbm>> -> memref<16xf32, #tpu.memory_space<hbm>>
      tpu.wait_dma2 semaphore(%run_scoped3A : memref<!tpu.dma_semaphore, #tpu.memory_space<semaphore_mem>>) src(%dma_wait3A_1730 : memref<16xf32, #tpu.memory_space<hbm>>) dst(%arg6 : memref<16xf32, #tpu.memory_space<vmem>>)
      tpu.yield
    }) : () -> ()
    %abs3A_940 = math.absi %squeeze3A_911 : i32
    %min3A_941 = arith.constant 1 : i32
    %min3A_942 = arith.minsi %abs3A_940, %min3A_941 : i32
    %sub3A_943 = arith.subi %squeeze3A_911, %mul3A_937 : i32
    %sub3A_944 = vector.broadcast %sub3A_943 : i32 to vector<16xi32>
    %sub3A_945 = arith.subi %iota3A, %sub3A_944 : vector<16xi32>
    %abs3A_946 = math.absi %sub3A_945 : vector<16xi32>
    %sub3A_947 = arith.constant 1 : i32
    %sub3A_948 = vector.broadcast %sub3A_947 : i32 to vector<16xi32>
    %sub3A_949 = arith.subi %sub3A_948, %abs3A_946 : vector<16xi32>
    %max3A_950 = arith.constant 0 : i32
    %max3A_951 = vector.broadcast %max3A_950 : i32 to vector<16xi32>
    %max3A_952 = arith.maxsi %sub3A_949, %max3A_951 : vector<16xi32>
    %mul3A_953 = vector.broadcast %min3A_942 : i32 to vector<16xi32>
    %mul3A_954 = arith.muli %max3A_952, %mul3A_953 : vector<16xi32>
    %get3A_955 = arith.constant 0 : index
    %get3A_956 = tpu.vector_load %arg6[%get3A_955] {strides = array<i32>} : memref<16xf32, #tpu.memory_space<vmem>>, vector<16xf32>,
    %get3A_957 = vector.shape_cast %get3A_956 : vector<16xf32> to vector<16xf32>
    %convert_element_type3A_958 = arith.sitofp %mul3A_954 : vector<16xi32> to vector<16xf32>
    %mul3A_959 = arith.mulf %get3A_957, %convert_element_type3A_958 : vector<16xf32>
    %add3A_960 = arith.addf %add3A_906, %mul3A_959 : vector<16xf32>
    %get3A_961 = arith.constant 16 : index
    %get3A_962 = tpu.vector_load %arg5[%get3A_961] {strides = array<i32>} : memref<32xi32, #tpu.memory_space<vmem>>, vector<16xi32>,
    %get3A_963 = vector.shape_cast %get3A_962 : vector<16xi32> to vector<16xi32>
    %slice3A_964 = vector.extract_strided_slice %get3A_963 {offsets = [2], sizes = [1], strides = [1]} : vector<16xi32> to vector<1xi32>
    %squeeze3A_965 = vector.extract %slice3A_964[0] : i32 from vector<1xi32>
    %jit3A_966 = arith.constant 16 : i32
    %div3A_967 = arith.divsi %squeeze3A_965, %jit3A_966 : i32
    %sign3A_968 = arith.constant 0 : i32
    %sign3A_969 = arith.cmpi sgt, %squeeze3A_965, %sign3A_968 : i32
    %sign3A_970 = arith.extui %sign3A_969 : i1 to i32
    %sign3A_971 = arith.constant 0 : i32
    %sign3A_972 = arith.cmpi slt, %squeeze3A_965, %sign3A_971 : i32
    %sign3A_973 = arith.extui %sign3A_972 : i1 to i32
    %sign3A_974 = arith.subi %sign3A_970, %sign3A_973 : i32
    %sign3A_975 = arith.constant 0 : i32
    %sign3A_976 = arith.cmpi sgt, %jit3A_966, %sign3A_975 : i32
    %sign3A_977 = arith.extui %sign3A_976 : i1 to i32
    %sign3A_978 = arith.constant 0 : i32
    %sign3A_979 = arith.cmpi slt, %jit3A_966, %sign3A_978 : i32
    %sign3A_980 = arith.extui %sign3A_979 : i1 to i32
    %sign3A_981 = arith.subi %sign3A_977, %sign3A_980 : i32
    %ne3A_982 = arith.cmpi ne, %sign3A_974, %sign3A_981 : i32
    %rem3A_983 = arith.remsi %squeeze3A_965, %jit3A_966 : i32
    %ne3A_984 = arith.constant 0 : i32
    %ne3A_985 = arith.cmpi ne, %rem3A_983, %ne3A_984 : i32
    %and3A_986 = arith.andi %ne3A_982, %ne3A_985 : i1
    %sub3A_987 = arith.constant 1 : i32
    %sub3A_988 = arith.subi %div3A_967, %sub3A_987 : i32
    %select_n3A_989 = arith.select %and3A_986, %sub3A_988, %div3A_967 : i32
    %mul3A_990 = arith.constant 16 : i32
    %mul3A_991 = arith.muli %select_n3A_989, %mul3A_990 : i32
    %add3A_992 = arith.constant 18 : i32
    %add3A_993 = arith.addi %mul3A_2, %add3A_992 : i32
    "tpu.region"() ({
      %run_scoped3A = tpu.sem_alloc : memref<!tpu.dma_semaphore, #tpu.memory_space<semaphore_mem>>
      %dma_start3A = tpu.memref_slice %arg2[%add3A_993, %mul3A_991] : memref<1024x100000xf32, #tpu.memory_space<hbm>> -> memref<1x16xf32, #tpu.memory_space<hbm>>
      %dma_start3A_1725 = tpu.memref_squeeze %dma_start3A : memref<1x16xf32, #tpu.memory_space<hbm>> -> memref<16xf32, #tpu.memory_space<hbm>>
      %dma_start3A_1726 = tpu.memref_slice %arg2[%add3A_993, %mul3A_991] : memref<1024x100000xf32, #tpu.memory_space<hbm>> -> memref<1x16xf32, #tpu.memory_space<hbm>>
      %dma_start3A_1727 = tpu.memref_squeeze %dma_start3A_1726 : memref<1x16xf32, #tpu.memory_space<hbm>> -> memref<16xf32, #tpu.memory_space<hbm>>
      tpu.enqueue_dma source(%dma_start3A_1727 : memref<16xf32, #tpu.memory_space<hbm>>) target(%arg6 : memref<16xf32, #tpu.memory_space<vmem>>) target_semaphore(%run_scoped3A : memref<!tpu.dma_semaphore, #tpu.memory_space<semaphore_mem>>)
      %dma_wait3A = tpu.memref_slice %arg2[%add3A_993, %mul3A_991] : memref<1024x100000xf32, #tpu.memory_space<hbm>> -> memref<1x16xf32, #tpu.memory_space<hbm>>
      %dma_wait3A_1728 = tpu.memref_squeeze %dma_wait3A : memref<1x16xf32, #tpu.memory_space<hbm>> -> memref<16xf32, #tpu.memory_space<hbm>>
      %dma_wait3A_1729 = tpu.memref_slice %arg2[%add3A_993, %mul3A_991] : memref<1024x100000xf32, #tpu.memory_space<hbm>> -> memref<1x16xf32, #tpu.memory_space<hbm>>
      %dma_wait3A_1730 = tpu.memref_squeeze %dma_wait3A_1729 : memref<1x16xf32, #tpu.memory_space<hbm>> -> memref<16xf32, #tpu.memory_space<hbm>>
      tpu.wait_dma2 semaphore(%run_scoped3A : memref<!tpu.dma_semaphore, #tpu.memory_space<semaphore_mem>>) src(%dma_wait3A_1730 : memref<16xf32, #tpu.memory_space<hbm>>) dst(%arg6 : memref<16xf32, #tpu.memory_space<vmem>>)
      tpu.yield
    }) : () -> ()
    %abs3A_994 = math.absi %squeeze3A_965 : i32
    %min3A_995 = arith.constant 1 : i32
    %min3A_996 = arith.minsi %abs3A_994, %min3A_995 : i32
    %sub3A_997 = arith.subi %squeeze3A_965, %mul3A_991 : i32
    %sub3A_998 = vector.broadcast %sub3A_997 : i32 to vector<16xi32>
    %sub3A_999 = arith.subi %iota3A, %sub3A_998 : vector<16xi32>
    %abs3A_1000 = math.absi %sub3A_999 : vector<16xi32>
    %sub3A_1001 = arith.constant 1 : i32
    %sub3A_1002 = vector.broadcast %sub3A_1001 : i32 to vector<16xi32>
    %sub3A_1003 = arith.subi %sub3A_1002, %abs3A_1000 : vector<16xi32>
    %max3A_1004 = arith.constant 0 : i32
    %max3A_1005 = vector.broadcast %max3A_1004 : i32 to vector<16xi32>
    %max3A_1006 = arith.maxsi %sub3A_1003, %max3A_1005 : vector<16xi32>
    %mul3A_1007 = vector.broadcast %min3A_996 : i32 to vector<16xi32>
    %mul3A_1008 = arith.muli %max3A_1006, %mul3A_1007 : vector<16xi32>
    %get3A_1009 = arith.constant 0 : index
    %get3A_1010 = tpu.vector_load %arg6[%get3A_1009] {strides = array<i32>} : memref<16xf32, #tpu.memory_space<vmem>>, vector<16xf32>,
    %get3A_1011 = vector.shape_cast %get3A_1010 : vector<16xf32> to vector<16xf32>
    %convert_element_type3A_1012 = arith.sitofp %mul3A_1008 : vector<16xi32> to vector<16xf32>
    %mul3A_1013 = arith.mulf %get3A_1011, %convert_element_type3A_1012 : vector<16xf32>
    %add3A_1014 = arith.addf %add3A_960, %mul3A_1013 : vector<16xf32>
    %get3A_1015 = arith.constant 16 : index
    %get3A_1016 = tpu.vector_load %arg5[%get3A_1015] {strides = array<i32>} : memref<32xi32, #tpu.memory_space<vmem>>, vector<16xi32>,
    %get3A_1017 = vector.shape_cast %get3A_1016 : vector<16xi32> to vector<16xi32>
    %slice3A_1018 = vector.extract_strided_slice %get3A_1017 {offsets = [3], sizes = [1], strides = [1]} : vector<16xi32> to vector<1xi32>
    %squeeze3A_1019 = vector.extract %slice3A_1018[0] : i32 from vector<1xi32>
    %jit3A_1020 = arith.constant 16 : i32
    %div3A_1021 = arith.divsi %squeeze3A_1019, %jit3A_1020 : i32
    %sign3A_1022 = arith.constant 0 : i32
    %sign3A_1023 = arith.cmpi sgt, %squeeze3A_1019, %sign3A_1022 : i32
    %sign3A_1024 = arith.extui %sign3A_1023 : i1 to i32
    %sign3A_1025 = arith.constant 0 : i32
    %sign3A_1026 = arith.cmpi slt, %squeeze3A_1019, %sign3A_1025 : i32
    %sign3A_1027 = arith.extui %sign3A_1026 : i1 to i32
    %sign3A_1028 = arith.subi %sign3A_1024, %sign3A_1027 : i32
    %sign3A_1029 = arith.constant 0 : i32
    %sign3A_1030 = arith.cmpi sgt, %jit3A_1020, %sign3A_1029 : i32
    %sign3A_1031 = arith.extui %sign3A_1030 : i1 to i32
    %sign3A_1032 = arith.constant 0 : i32
    %sign3A_1033 = arith.cmpi slt, %jit3A_1020, %sign3A_1032 : i32
    %sign3A_1034 = arith.extui %sign3A_1033 : i1 to i32
    %sign3A_1035 = arith.subi %sign3A_1031, %sign3A_1034 : i32
    %ne3A_1036 = arith.cmpi ne, %sign3A_1028, %sign3A_1035 : i32
    %rem3A_1037 = arith.remsi %squeeze3A_1019, %jit3A_1020 : i32
    %ne3A_1038 = arith.constant 0 : i32
    %ne3A_1039 = arith.cmpi ne, %rem3A_1037, %ne3A_1038 : i32
    %and3A_1040 = arith.andi %ne3A_1036, %ne3A_1039 : i1
    %sub3A_1041 = arith.constant 1 : i32
    %sub3A_1042 = arith.subi %div3A_1021, %sub3A_1041 : i32
    %select_n3A_1043 = arith.select %and3A_1040, %sub3A_1042, %div3A_1021 : i32
    %mul3A_1044 = arith.constant 16 : i32
    %mul3A_1045 = arith.muli %select_n3A_1043, %mul3A_1044 : i32
    %add3A_1046 = arith.constant 19 : i32
    %add3A_1047 = arith.addi %mul3A_2, %add3A_1046 : i32
    "tpu.region"() ({
      %run_scoped3A = tpu.sem_alloc : memref<!tpu.dma_semaphore, #tpu.memory_space<semaphore_mem>>
      %dma_start3A = tpu.memref_slice %arg2[%add3A_1047, %mul3A_1045] : memref<1024x100000xf32, #tpu.memory_space<hbm>> -> memref<1x16xf32, #tpu.memory_space<hbm>>
      %dma_start3A_1725 = tpu.memref_squeeze %dma_start3A : memref<1x16xf32, #tpu.memory_space<hbm>> -> memref<16xf32, #tpu.memory_space<hbm>>
      %dma_start3A_1726 = tpu.memref_slice %arg2[%add3A_1047, %mul3A_1045] : memref<1024x100000xf32, #tpu.memory_space<hbm>> -> memref<1x16xf32, #tpu.memory_space<hbm>>
      %dma_start3A_1727 = tpu.memref_squeeze %dma_start3A_1726 : memref<1x16xf32, #tpu.memory_space<hbm>> -> memref<16xf32, #tpu.memory_space<hbm>>
      tpu.enqueue_dma source(%dma_start3A_1727 : memref<16xf32, #tpu.memory_space<hbm>>) target(%arg6 : memref<16xf32, #tpu.memory_space<vmem>>) target_semaphore(%run_scoped3A : memref<!tpu.dma_semaphore, #tpu.memory_space<semaphore_mem>>)
      %dma_wait3A = tpu.memref_slice %arg2[%add3A_1047, %mul3A_1045] : memref<1024x100000xf32, #tpu.memory_space<hbm>> -> memref<1x16xf32, #tpu.memory_space<hbm>>
      %dma_wait3A_1728 = tpu.memref_squeeze %dma_wait3A : memref<1x16xf32, #tpu.memory_space<hbm>> -> memref<16xf32, #tpu.memory_space<hbm>>
      %dma_wait3A_1729 = tpu.memref_slice %arg2[%add3A_1047, %mul3A_1045] : memref<1024x100000xf32, #tpu.memory_space<hbm>> -> memref<1x16xf32, #tpu.memory_space<hbm>>
      %dma_wait3A_1730 = tpu.memref_squeeze %dma_wait3A_1729 : memref<1x16xf32, #tpu.memory_space<hbm>> -> memref<16xf32, #tpu.memory_space<hbm>>
      tpu.wait_dma2 semaphore(%run_scoped3A : memref<!tpu.dma_semaphore, #tpu.memory_space<semaphore_mem>>) src(%dma_wait3A_1730 : memref<16xf32, #tpu.memory_space<hbm>>) dst(%arg6 : memref<16xf32, #tpu.memory_space<vmem>>)
      tpu.yield
    }) : () -> ()
    %abs3A_1048 = math.absi %squeeze3A_1019 : i32
    %min3A_1049 = arith.constant 1 : i32
    %min3A_1050 = arith.minsi %abs3A_1048, %min3A_1049 : i32
    %sub3A_1051 = arith.subi %squeeze3A_1019, %mul3A_1045 : i32
    %sub3A_1052 = vector.broadcast %sub3A_1051 : i32 to vector<16xi32>
    %sub3A_1053 = arith.subi %iota3A, %sub3A_1052 : vector<16xi32>
    %abs3A_1054 = math.absi %sub3A_1053 : vector<16xi32>
    %sub3A_1055 = arith.constant 1 : i32
    %sub3A_1056 = vector.broadcast %sub3A_1055 : i32 to vector<16xi32>
    %sub3A_1057 = arith.subi %sub3A_1056, %abs3A_1054 : vector<16xi32>
    %max3A_1058 = arith.constant 0 : i32
    %max3A_1059 = vector.broadcast %max3A_1058 : i32 to vector<16xi32>
    %max3A_1060 = arith.maxsi %sub3A_1057, %max3A_1059 : vector<16xi32>
    %mul3A_1061 = vector.broadcast %min3A_1050 : i32 to vector<16xi32>
    %mul3A_1062 = arith.muli %max3A_1060, %mul3A_1061 : vector<16xi32>
    %get3A_1063 = arith.constant 0 : index
    %get3A_1064 = tpu.vector_load %arg6[%get3A_1063] {strides = array<i32>} : memref<16xf32, #tpu.memory_space<vmem>>, vector<16xf32>,
    %get3A_1065 = vector.shape_cast %get3A_1064 : vector<16xf32> to vector<16xf32>
    %convert_element_type3A_1066 = arith.sitofp %mul3A_1062 : vector<16xi32> to vector<16xf32>
    %mul3A_1067 = arith.mulf %get3A_1065, %convert_element_type3A_1066 : vector<16xf32>
    %add3A_1068 = arith.addf %add3A_1014, %mul3A_1067 : vector<16xf32>
    %get3A_1069 = arith.constant 16 : index
    %get3A_1070 = tpu.vector_load %arg5[%get3A_1069] {strides = array<i32>} : memref<32xi32, #tpu.memory_space<vmem>>, vector<16xi32>,
    %get3A_1071 = vector.shape_cast %get3A_1070 : vector<16xi32> to vector<16xi32>
    %slice3A_1072 = vector.extract_strided_slice %get3A_1071 {offsets = [4], sizes = [1], strides = [1]} : vector<16xi32> to vector<1xi32>
    %squeeze3A_1073 = vector.extract %slice3A_1072[0] : i32 from vector<1xi32>
    %jit3A_1074 = arith.constant 16 : i32
    %div3A_1075 = arith.divsi %squeeze3A_1073, %jit3A_1074 : i32
    %sign3A_1076 = arith.constant 0 : i32
    %sign3A_1077 = arith.cmpi sgt, %squeeze3A_1073, %sign3A_1076 : i32
    %sign3A_1078 = arith.extui %sign3A_1077 : i1 to i32
    %sign3A_1079 = arith.constant 0 : i32
    %sign3A_1080 = arith.cmpi slt, %squeeze3A_1073, %sign3A_1079 : i32
    %sign3A_1081 = arith.extui %sign3A_1080 : i1 to i32
    %sign3A_1082 = arith.subi %sign3A_1078, %sign3A_1081 : i32
    %sign3A_1083 = arith.constant 0 : i32
    %sign3A_1084 = arith.cmpi sgt, %jit3A_1074, %sign3A_1083 : i32
    %sign3A_1085 = arith.extui %sign3A_1084 : i1 to i32
    %sign3A_1086 = arith.constant 0 : i32
    %sign3A_1087 = arith.cmpi slt, %jit3A_1074, %sign3A_1086 : i32
    %sign3A_1088 = arith.extui %sign3A_1087 : i1 to i32
    %sign3A_1089 = arith.subi %sign3A_1085, %sign3A_1088 : i32
    %ne3A_1090 = arith.cmpi ne, %sign3A_1082, %sign3A_1089 : i32
    %rem3A_1091 = arith.remsi %squeeze3A_1073, %jit3A_1074 : i32
    %ne3A_1092 = arith.constant 0 : i32
    %ne3A_1093 = arith.cmpi ne, %rem3A_1091, %ne3A_1092 : i32
    %and3A_1094 = arith.andi %ne3A_1090, %ne3A_1093 : i1
    %sub3A_1095 = arith.constant 1 : i32
    %sub3A_1096 = arith.subi %div3A_1075, %sub3A_1095 : i32
    %select_n3A_1097 = arith.select %and3A_1094, %sub3A_1096, %div3A_1075 : i32
    %mul3A_1098 = arith.constant 16 : i32
    %mul3A_1099 = arith.muli %select_n3A_1097, %mul3A_1098 : i32
    %add3A_1100 = arith.constant 20 : i32
    %add3A_1101 = arith.addi %mul3A_2, %add3A_1100 : i32
    "tpu.region"() ({
      %run_scoped3A = tpu.sem_alloc : memref<!tpu.dma_semaphore, #tpu.memory_space<semaphore_mem>>
      %dma_start3A = tpu.memref_slice %arg2[%add3A_1101, %mul3A_1099] : memref<1024x100000xf32, #tpu.memory_space<hbm>> -> memref<1x16xf32, #tpu.memory_space<hbm>>
      %dma_start3A_1725 = tpu.memref_squeeze %dma_start3A : memref<1x16xf32, #tpu.memory_space<hbm>> -> memref<16xf32, #tpu.memory_space<hbm>>
      %dma_start3A_1726 = tpu.memref_slice %arg2[%add3A_1101, %mul3A_1099] : memref<1024x100000xf32, #tpu.memory_space<hbm>> -> memref<1x16xf32, #tpu.memory_space<hbm>>
      %dma_start3A_1727 = tpu.memref_squeeze %dma_start3A_1726 : memref<1x16xf32, #tpu.memory_space<hbm>> -> memref<16xf32, #tpu.memory_space<hbm>>
      tpu.enqueue_dma source(%dma_start3A_1727 : memref<16xf32, #tpu.memory_space<hbm>>) target(%arg6 : memref<16xf32, #tpu.memory_space<vmem>>) target_semaphore(%run_scoped3A : memref<!tpu.dma_semaphore, #tpu.memory_space<semaphore_mem>>)
      %dma_wait3A = tpu.memref_slice %arg2[%add3A_1101, %mul3A_1099] : memref<1024x100000xf32, #tpu.memory_space<hbm>> -> memref<1x16xf32, #tpu.memory_space<hbm>>
      %dma_wait3A_1728 = tpu.memref_squeeze %dma_wait3A : memref<1x16xf32, #tpu.memory_space<hbm>> -> memref<16xf32, #tpu.memory_space<hbm>>
      %dma_wait3A_1729 = tpu.memref_slice %arg2[%add3A_1101, %mul3A_1099] : memref<1024x100000xf32, #tpu.memory_space<hbm>> -> memref<1x16xf32, #tpu.memory_space<hbm>>
      %dma_wait3A_1730 = tpu.memref_squeeze %dma_wait3A_1729 : memref<1x16xf32, #tpu.memory_space<hbm>> -> memref<16xf32, #tpu.memory_space<hbm>>
      tpu.wait_dma2 semaphore(%run_scoped3A : memref<!tpu.dma_semaphore, #tpu.memory_space<semaphore_mem>>) src(%dma_wait3A_1730 : memref<16xf32, #tpu.memory_space<hbm>>) dst(%arg6 : memref<16xf32, #tpu.memory_space<vmem>>)
      tpu.yield
    }) : () -> ()
    %abs3A_1102 = math.absi %squeeze3A_1073 : i32
    %min3A_1103 = arith.constant 1 : i32
    %min3A_1104 = arith.minsi %abs3A_1102, %min3A_1103 : i32
    %sub3A_1105 = arith.subi %squeeze3A_1073, %mul3A_1099 : i32
    %sub3A_1106 = vector.broadcast %sub3A_1105 : i32 to vector<16xi32>
    %sub3A_1107 = arith.subi %iota3A, %sub3A_1106 : vector<16xi32>
    %abs3A_1108 = math.absi %sub3A_1107 : vector<16xi32>
    %sub3A_1109 = arith.constant 1 : i32
    %sub3A_1110 = vector.broadcast %sub3A_1109 : i32 to vector<16xi32>
    %sub3A_1111 = arith.subi %sub3A_1110, %abs3A_1108 : vector<16xi32>
    %max3A_1112 = arith.constant 0 : i32
    %max3A_1113 = vector.broadcast %max3A_1112 : i32 to vector<16xi32>
    %max3A_1114 = arith.maxsi %sub3A_1111, %max3A_1113 : vector<16xi32>
    %mul3A_1115 = vector.broadcast %min3A_1104 : i32 to vector<16xi32>
    %mul3A_1116 = arith.muli %max3A_1114, %mul3A_1115 : vector<16xi32>
    %get3A_1117 = arith.constant 0 : index
    %get3A_1118 = tpu.vector_load %arg6[%get3A_1117] {strides = array<i32>} : memref<16xf32, #tpu.memory_space<vmem>>, vector<16xf32>,
    %get3A_1119 = vector.shape_cast %get3A_1118 : vector<16xf32> to vector<16xf32>
    %convert_element_type3A_1120 = arith.sitofp %mul3A_1116 : vector<16xi32> to vector<16xf32>
    %mul3A_1121 = arith.mulf %get3A_1119, %convert_element_type3A_1120 : vector<16xf32>
    %add3A_1122 = arith.addf %add3A_1068, %mul3A_1121 : vector<16xf32>
    %get3A_1123 = arith.constant 16 : index
    %get3A_1124 = tpu.vector_load %arg5[%get3A_1123] {strides = array<i32>} : memref<32xi32, #tpu.memory_space<vmem>>, vector<16xi32>,
    %get3A_1125 = vector.shape_cast %get3A_1124 : vector<16xi32> to vector<16xi32>
    %slice3A_1126 = vector.extract_strided_slice %get3A_1125 {offsets = [5], sizes = [1], strides = [1]} : vector<16xi32> to vector<1xi32>
    %squeeze3A_1127 = vector.extract %slice3A_1126[0] : i32 from vector<1xi32>
    %jit3A_1128 = arith.constant 16 : i32
    %div3A_1129 = arith.divsi %squeeze3A_1127, %jit3A_1128 : i32
    %sign3A_1130 = arith.constant 0 : i32
    %sign3A_1131 = arith.cmpi sgt, %squeeze3A_1127, %sign3A_1130 : i32
    %sign3A_1132 = arith.extui %sign3A_1131 : i1 to i32
    %sign3A_1133 = arith.constant 0 : i32
    %sign3A_1134 = arith.cmpi slt, %squeeze3A_1127, %sign3A_1133 : i32
    %sign3A_1135 = arith.extui %sign3A_1134 : i1 to i32
    %sign3A_1136 = arith.subi %sign3A_1132, %sign3A_1135 : i32
    %sign3A_1137 = arith.constant 0 : i32
    %sign3A_1138 = arith.cmpi sgt, %jit3A_1128, %sign3A_1137 : i32
    %sign3A_1139 = arith.extui %sign3A_1138 : i1 to i32
    %sign3A_1140 = arith.constant 0 : i32
    %sign3A_1141 = arith.cmpi slt, %jit3A_1128, %sign3A_1140 : i32
    %sign3A_1142 = arith.extui %sign3A_1141 : i1 to i32
    %sign3A_1143 = arith.subi %sign3A_1139, %sign3A_1142 : i32
    %ne3A_1144 = arith.cmpi ne, %sign3A_1136, %sign3A_1143 : i32
    %rem3A_1145 = arith.remsi %squeeze3A_1127, %jit3A_1128 : i32
    %ne3A_1146 = arith.constant 0 : i32
    %ne3A_1147 = arith.cmpi ne, %rem3A_1145, %ne3A_1146 : i32
    %and3A_1148 = arith.andi %ne3A_1144, %ne3A_1147 : i1
    %sub3A_1149 = arith.constant 1 : i32
    %sub3A_1150 = arith.subi %div3A_1129, %sub3A_1149 : i32
    %select_n3A_1151 = arith.select %and3A_1148, %sub3A_1150, %div3A_1129 : i32
    %mul3A_1152 = arith.constant 16 : i32
    %mul3A_1153 = arith.muli %select_n3A_1151, %mul3A_1152 : i32
    %add3A_1154 = arith.constant 21 : i32
    %add3A_1155 = arith.addi %mul3A_2, %add3A_1154 : i32
    "tpu.region"() ({
      %run_scoped3A = tpu.sem_alloc : memref<!tpu.dma_semaphore, #tpu.memory_space<semaphore_mem>>
      %dma_start3A = tpu.memref_slice %arg2[%add3A_1155, %mul3A_1153] : memref<1024x100000xf32, #tpu.memory_space<hbm>> -> memref<1x16xf32, #tpu.memory_space<hbm>>
      %dma_start3A_1725 = tpu.memref_squeeze %dma_start3A : memref<1x16xf32, #tpu.memory_space<hbm>> -> memref<16xf32, #tpu.memory_space<hbm>>
      %dma_start3A_1726 = tpu.memref_slice %arg2[%add3A_1155, %mul3A_1153] : memref<1024x100000xf32, #tpu.memory_space<hbm>> -> memref<1x16xf32, #tpu.memory_space<hbm>>
      %dma_start3A_1727 = tpu.memref_squeeze %dma_start3A_1726 : memref<1x16xf32, #tpu.memory_space<hbm>> -> memref<16xf32, #tpu.memory_space<hbm>>
      tpu.enqueue_dma source(%dma_start3A_1727 : memref<16xf32, #tpu.memory_space<hbm>>) target(%arg6 : memref<16xf32, #tpu.memory_space<vmem>>) target_semaphore(%run_scoped3A : memref<!tpu.dma_semaphore, #tpu.memory_space<semaphore_mem>>)
      %dma_wait3A = tpu.memref_slice %arg2[%add3A_1155, %mul3A_1153] : memref<1024x100000xf32, #tpu.memory_space<hbm>> -> memref<1x16xf32, #tpu.memory_space<hbm>>
      %dma_wait3A_1728 = tpu.memref_squeeze %dma_wait3A : memref<1x16xf32, #tpu.memory_space<hbm>> -> memref<16xf32, #tpu.memory_space<hbm>>
      %dma_wait3A_1729 = tpu.memref_slice %arg2[%add3A_1155, %mul3A_1153] : memref<1024x100000xf32, #tpu.memory_space<hbm>> -> memref<1x16xf32, #tpu.memory_space<hbm>>
      %dma_wait3A_1730 = tpu.memref_squeeze %dma_wait3A_1729 : memref<1x16xf32, #tpu.memory_space<hbm>> -> memref<16xf32, #tpu.memory_space<hbm>>
      tpu.wait_dma2 semaphore(%run_scoped3A : memref<!tpu.dma_semaphore, #tpu.memory_space<semaphore_mem>>) src(%dma_wait3A_1730 : memref<16xf32, #tpu.memory_space<hbm>>) dst(%arg6 : memref<16xf32, #tpu.memory_space<vmem>>)
      tpu.yield
    }) : () -> ()
    %abs3A_1156 = math.absi %squeeze3A_1127 : i32
    %min3A_1157 = arith.constant 1 : i32
    %min3A_1158 = arith.minsi %abs3A_1156, %min3A_1157 : i32
    %sub3A_1159 = arith.subi %squeeze3A_1127, %mul3A_1153 : i32
    %sub3A_1160 = vector.broadcast %sub3A_1159 : i32 to vector<16xi32>
    %sub3A_1161 = arith.subi %iota3A, %sub3A_1160 : vector<16xi32>
    %abs3A_1162 = math.absi %sub3A_1161 : vector<16xi32>
    %sub3A_1163 = arith.constant 1 : i32
    %sub3A_1164 = vector.broadcast %sub3A_1163 : i32 to vector<16xi32>
    %sub3A_1165 = arith.subi %sub3A_1164, %abs3A_1162 : vector<16xi32>
    %max3A_1166 = arith.constant 0 : i32
    %max3A_1167 = vector.broadcast %max3A_1166 : i32 to vector<16xi32>
    %max3A_1168 = arith.maxsi %sub3A_1165, %max3A_1167 : vector<16xi32>
    %mul3A_1169 = vector.broadcast %min3A_1158 : i32 to vector<16xi32>
    %mul3A_1170 = arith.muli %max3A_1168, %mul3A_1169 : vector<16xi32>
    %get3A_1171 = arith.constant 0 : index
    %get3A_1172 = tpu.vector_load %arg6[%get3A_1171] {strides = array<i32>} : memref<16xf32, #tpu.memory_space<vmem>>, vector<16xf32>,
    %get3A_1173 = vector.shape_cast %get3A_1172 : vector<16xf32> to vector<16xf32>
    %convert_element_type3A_1174 = arith.sitofp %mul3A_1170 : vector<16xi32> to vector<16xf32>
    %mul3A_1175 = arith.mulf %get3A_1173, %convert_element_type3A_1174 : vector<16xf32>
    %add3A_1176 = arith.addf %add3A_1122, %mul3A_1175 : vector<16xf32>
    %get3A_1177 = arith.constant 16 : index
    %get3A_1178 = tpu.vector_load %arg5[%get3A_1177] {strides = array<i32>} : memref<32xi32, #tpu.memory_space<vmem>>, vector<16xi32>,
    %get3A_1179 = vector.shape_cast %get3A_1178 : vector<16xi32> to vector<16xi32>
    %slice3A_1180 = vector.extract_strided_slice %get3A_1179 {offsets = [6], sizes = [1], strides = [1]} : vector<16xi32> to vector<1xi32>
    %squeeze3A_1181 = vector.extract %slice3A_1180[0] : i32 from vector<1xi32>
    %jit3A_1182 = arith.constant 16 : i32
    %div3A_1183 = arith.divsi %squeeze3A_1181, %jit3A_1182 : i32
    %sign3A_1184 = arith.constant 0 : i32
    %sign3A_1185 = arith.cmpi sgt, %squeeze3A_1181, %sign3A_1184 : i32
    %sign3A_1186 = arith.extui %sign3A_1185 : i1 to i32
    %sign3A_1187 = arith.constant 0 : i32
    %sign3A_1188 = arith.cmpi slt, %squeeze3A_1181, %sign3A_1187 : i32
    %sign3A_1189 = arith.extui %sign3A_1188 : i1 to i32
    %sign3A_1190 = arith.subi %sign3A_1186, %sign3A_1189 : i32
    %sign3A_1191 = arith.constant 0 : i32
    %sign3A_1192 = arith.cmpi sgt, %jit3A_1182, %sign3A_1191 : i32
    %sign3A_1193 = arith.extui %sign3A_1192 : i1 to i32
    %sign3A_1194 = arith.constant 0 : i32
    %sign3A_1195 = arith.cmpi slt, %jit3A_1182, %sign3A_1194 : i32
    %sign3A_1196 = arith.extui %sign3A_1195 : i1 to i32
    %sign3A_1197 = arith.subi %sign3A_1193, %sign3A_1196 : i32
    %ne3A_1198 = arith.cmpi ne, %sign3A_1190, %sign3A_1197 : i32
    %rem3A_1199 = arith.remsi %squeeze3A_1181, %jit3A_1182 : i32
    %ne3A_1200 = arith.constant 0 : i32
    %ne3A_1201 = arith.cmpi ne, %rem3A_1199, %ne3A_1200 : i32
    %and3A_1202 = arith.andi %ne3A_1198, %ne3A_1201 : i1
    %sub3A_1203 = arith.constant 1 : i32
    %sub3A_1204 = arith.subi %div3A_1183, %sub3A_1203 : i32
    %select_n3A_1205 = arith.select %and3A_1202, %sub3A_1204, %div3A_1183 : i32
    %mul3A_1206 = arith.constant 16 : i32
    %mul3A_1207 = arith.muli %select_n3A_1205, %mul3A_1206 : i32
    %add3A_1208 = arith.constant 22 : i32
    %add3A_1209 = arith.addi %mul3A_2, %add3A_1208 : i32
    "tpu.region"() ({
      %run_scoped3A = tpu.sem_alloc : memref<!tpu.dma_semaphore, #tpu.memory_space<semaphore_mem>>
      %dma_start3A = tpu.memref_slice %arg2[%add3A_1209, %mul3A_1207] : memref<1024x100000xf32, #tpu.memory_space<hbm>> -> memref<1x16xf32, #tpu.memory_space<hbm>>
      %dma_start3A_1725 = tpu.memref_squeeze %dma_start3A : memref<1x16xf32, #tpu.memory_space<hbm>> -> memref<16xf32, #tpu.memory_space<hbm>>
      %dma_start3A_1726 = tpu.memref_slice %arg2[%add3A_1209, %mul3A_1207] : memref<1024x100000xf32, #tpu.memory_space<hbm>> -> memref<1x16xf32, #tpu.memory_space<hbm>>
      %dma_start3A_1727 = tpu.memref_squeeze %dma_start3A_1726 : memref<1x16xf32, #tpu.memory_space<hbm>> -> memref<16xf32, #tpu.memory_space<hbm>>
      tpu.enqueue_dma source(%dma_start3A_1727 : memref<16xf32, #tpu.memory_space<hbm>>) target(%arg6 : memref<16xf32, #tpu.memory_space<vmem>>) target_semaphore(%run_scoped3A : memref<!tpu.dma_semaphore, #tpu.memory_space<semaphore_mem>>)
      %dma_wait3A = tpu.memref_slice %arg2[%add3A_1209, %mul3A_1207] : memref<1024x100000xf32, #tpu.memory_space<hbm>> -> memref<1x16xf32, #tpu.memory_space<hbm>>
      %dma_wait3A_1728 = tpu.memref_squeeze %dma_wait3A : memref<1x16xf32, #tpu.memory_space<hbm>> -> memref<16xf32, #tpu.memory_space<hbm>>
      %dma_wait3A_1729 = tpu.memref_slice %arg2[%add3A_1209, %mul3A_1207] : memref<1024x100000xf32, #tpu.memory_space<hbm>> -> memref<1x16xf32, #tpu.memory_space<hbm>>
      %dma_wait3A_1730 = tpu.memref_squeeze %dma_wait3A_1729 : memref<1x16xf32, #tpu.memory_space<hbm>> -> memref<16xf32, #tpu.memory_space<hbm>>
      tpu.wait_dma2 semaphore(%run_scoped3A : memref<!tpu.dma_semaphore, #tpu.memory_space<semaphore_mem>>) src(%dma_wait3A_1730 : memref<16xf32, #tpu.memory_space<hbm>>) dst(%arg6 : memref<16xf32, #tpu.memory_space<vmem>>)
      tpu.yield
    }) : () -> ()
    %abs3A_1210 = math.absi %squeeze3A_1181 : i32
    %min3A_1211 = arith.constant 1 : i32
    %min3A_1212 = arith.minsi %abs3A_1210, %min3A_1211 : i32
    %sub3A_1213 = arith.subi %squeeze3A_1181, %mul3A_1207 : i32
    %sub3A_1214 = vector.broadcast %sub3A_1213 : i32 to vector<16xi32>
    %sub3A_1215 = arith.subi %iota3A, %sub3A_1214 : vector<16xi32>
    %abs3A_1216 = math.absi %sub3A_1215 : vector<16xi32>
    %sub3A_1217 = arith.constant 1 : i32
    %sub3A_1218 = vector.broadcast %sub3A_1217 : i32 to vector<16xi32>
    %sub3A_1219 = arith.subi %sub3A_1218, %abs3A_1216 : vector<16xi32>
    %max3A_1220 = arith.constant 0 : i32
    %max3A_1221 = vector.broadcast %max3A_1220 : i32 to vector<16xi32>
    %max3A_1222 = arith.maxsi %sub3A_1219, %max3A_1221 : vector<16xi32>
    %mul3A_1223 = vector.broadcast %min3A_1212 : i32 to vector<16xi32>
    %mul3A_1224 = arith.muli %max3A_1222, %mul3A_1223 : vector<16xi32>
    %get3A_1225 = arith.constant 0 : index
    %get3A_1226 = tpu.vector_load %arg6[%get3A_1225] {strides = array<i32>} : memref<16xf32, #tpu.memory_space<vmem>>, vector<16xf32>,
    %get3A_1227 = vector.shape_cast %get3A_1226 : vector<16xf32> to vector<16xf32>
    %convert_element_type3A_1228 = arith.sitofp %mul3A_1224 : vector<16xi32> to vector<16xf32>
    %mul3A_1229 = arith.mulf %get3A_1227, %convert_element_type3A_1228 : vector<16xf32>
    %add3A_1230 = arith.addf %add3A_1176, %mul3A_1229 : vector<16xf32>
    %get3A_1231 = arith.constant 16 : index
    %get3A_1232 = tpu.vector_load %arg5[%get3A_1231] {strides = array<i32>} : memref<32xi32, #tpu.memory_space<vmem>>, vector<16xi32>,
    %get3A_1233 = vector.shape_cast %get3A_1232 : vector<16xi32> to vector<16xi32>
    %slice3A_1234 = vector.extract_strided_slice %get3A_1233 {offsets = [7], sizes = [1], strides = [1]} : vector<16xi32> to vector<1xi32>
    %squeeze3A_1235 = vector.extract %slice3A_1234[0] : i32 from vector<1xi32>
    %jit3A_1236 = arith.constant 16 : i32
    %div3A_1237 = arith.divsi %squeeze3A_1235, %jit3A_1236 : i32
    %sign3A_1238 = arith.constant 0 : i32
    %sign3A_1239 = arith.cmpi sgt, %squeeze3A_1235, %sign3A_1238 : i32
    %sign3A_1240 = arith.extui %sign3A_1239 : i1 to i32
    %sign3A_1241 = arith.constant 0 : i32
    %sign3A_1242 = arith.cmpi slt, %squeeze3A_1235, %sign3A_1241 : i32
    %sign3A_1243 = arith.extui %sign3A_1242 : i1 to i32
    %sign3A_1244 = arith.subi %sign3A_1240, %sign3A_1243 : i32
    %sign3A_1245 = arith.constant 0 : i32
    %sign3A_1246 = arith.cmpi sgt, %jit3A_1236, %sign3A_1245 : i32
    %sign3A_1247 = arith.extui %sign3A_1246 : i1 to i32
    %sign3A_1248 = arith.constant 0 : i32
    %sign3A_1249 = arith.cmpi slt, %jit3A_1236, %sign3A_1248 : i32
    %sign3A_1250 = arith.extui %sign3A_1249 : i1 to i32
    %sign3A_1251 = arith.subi %sign3A_1247, %sign3A_1250 : i32
    %ne3A_1252 = arith.cmpi ne, %sign3A_1244, %sign3A_1251 : i32
    %rem3A_1253 = arith.remsi %squeeze3A_1235, %jit3A_1236 : i32
    %ne3A_1254 = arith.constant 0 : i32
    %ne3A_1255 = arith.cmpi ne, %rem3A_1253, %ne3A_1254 : i32
    %and3A_1256 = arith.andi %ne3A_1252, %ne3A_1255 : i1
    %sub3A_1257 = arith.constant 1 : i32
    %sub3A_1258 = arith.subi %div3A_1237, %sub3A_1257 : i32
    %select_n3A_1259 = arith.select %and3A_1256, %sub3A_1258, %div3A_1237 : i32
    %mul3A_1260 = arith.constant 16 : i32
    %mul3A_1261 = arith.muli %select_n3A_1259, %mul3A_1260 : i32
    %add3A_1262 = arith.constant 23 : i32
    %add3A_1263 = arith.addi %mul3A_2, %add3A_1262 : i32
    "tpu.region"() ({
      %run_scoped3A = tpu.sem_alloc : memref<!tpu.dma_semaphore, #tpu.memory_space<semaphore_mem>>
      %dma_start3A = tpu.memref_slice %arg2[%add3A_1263, %mul3A_1261] : memref<1024x100000xf32, #tpu.memory_space<hbm>> -> memref<1x16xf32, #tpu.memory_space<hbm>>
      %dma_start3A_1725 = tpu.memref_squeeze %dma_start3A : memref<1x16xf32, #tpu.memory_space<hbm>> -> memref<16xf32, #tpu.memory_space<hbm>>
      %dma_start3A_1726 = tpu.memref_slice %arg2[%add3A_1263, %mul3A_1261] : memref<1024x100000xf32, #tpu.memory_space<hbm>> -> memref<1x16xf32, #tpu.memory_space<hbm>>
      %dma_start3A_1727 = tpu.memref_squeeze %dma_start3A_1726 : memref<1x16xf32, #tpu.memory_space<hbm>> -> memref<16xf32, #tpu.memory_space<hbm>>
      tpu.enqueue_dma source(%dma_start3A_1727 : memref<16xf32, #tpu.memory_space<hbm>>) target(%arg6 : memref<16xf32, #tpu.memory_space<vmem>>) target_semaphore(%run_scoped3A : memref<!tpu.dma_semaphore, #tpu.memory_space<semaphore_mem>>)
      %dma_wait3A = tpu.memref_slice %arg2[%add3A_1263, %mul3A_1261] : memref<1024x100000xf32, #tpu.memory_space<hbm>> -> memref<1x16xf32, #tpu.memory_space<hbm>>
      %dma_wait3A_1728 = tpu.memref_squeeze %dma_wait3A : memref<1x16xf32, #tpu.memory_space<hbm>> -> memref<16xf32, #tpu.memory_space<hbm>>
      %dma_wait3A_1729 = tpu.memref_slice %arg2[%add3A_1263, %mul3A_1261] : memref<1024x100000xf32, #tpu.memory_space<hbm>> -> memref<1x16xf32, #tpu.memory_space<hbm>>
      %dma_wait3A_1730 = tpu.memref_squeeze %dma_wait3A_1729 : memref<1x16xf32, #tpu.memory_space<hbm>> -> memref<16xf32, #tpu.memory_space<hbm>>
      tpu.wait_dma2 semaphore(%run_scoped3A : memref<!tpu.dma_semaphore, #tpu.memory_space<semaphore_mem>>) src(%dma_wait3A_1730 : memref<16xf32, #tpu.memory_space<hbm>>) dst(%arg6 : memref<16xf32, #tpu.memory_space<vmem>>)
      tpu.yield
    }) : () -> ()
    %abs3A_1264 = math.absi %squeeze3A_1235 : i32
    %min3A_1265 = arith.constant 1 : i32
    %min3A_1266 = arith.minsi %abs3A_1264, %min3A_1265 : i32
    %sub3A_1267 = arith.subi %squeeze3A_1235, %mul3A_1261 : i32
    %sub3A_1268 = vector.broadcast %sub3A_1267 : i32 to vector<16xi32>
    %sub3A_1269 = arith.subi %iota3A, %sub3A_1268 : vector<16xi32>
    %abs3A_1270 = math.absi %sub3A_1269 : vector<16xi32>
    %sub3A_1271 = arith.constant 1 : i32
    %sub3A_1272 = vector.broadcast %sub3A_1271 : i32 to vector<16xi32>
    %sub3A_1273 = arith.subi %sub3A_1272, %abs3A_1270 : vector<16xi32>
    %max3A_1274 = arith.constant 0 : i32
    %max3A_1275 = vector.broadcast %max3A_1274 : i32 to vector<16xi32>
    %max3A_1276 = arith.maxsi %sub3A_1273, %max3A_1275 : vector<16xi32>
    %mul3A_1277 = vector.broadcast %min3A_1266 : i32 to vector<16xi32>
    %mul3A_1278 = arith.muli %max3A_1276, %mul3A_1277 : vector<16xi32>
    %get3A_1279 = arith.constant 0 : index
    %get3A_1280 = tpu.vector_load %arg6[%get3A_1279] {strides = array<i32>} : memref<16xf32, #tpu.memory_space<vmem>>, vector<16xf32>,
    %get3A_1281 = vector.shape_cast %get3A_1280 : vector<16xf32> to vector<16xf32>
    %convert_element_type3A_1282 = arith.sitofp %mul3A_1278 : vector<16xi32> to vector<16xf32>
    %mul3A_1283 = arith.mulf %get3A_1281, %convert_element_type3A_1282 : vector<16xf32>
    %add3A_1284 = arith.addf %add3A_1230, %mul3A_1283 : vector<16xf32>
    %get3A_1285 = arith.constant 16 : index
    %get3A_1286 = tpu.vector_load %arg5[%get3A_1285] {strides = array<i32>} : memref<32xi32, #tpu.memory_space<vmem>>, vector<16xi32>,
    %get3A_1287 = vector.shape_cast %get3A_1286 : vector<16xi32> to vector<16xi32>
    %slice3A_1288 = vector.extract_strided_slice %get3A_1287 {offsets = [8], sizes = [1], strides = [1]} : vector<16xi32> to vector<1xi32>
    %squeeze3A_1289 = vector.extract %slice3A_1288[0] : i32 from vector<1xi32>
    %jit3A_1290 = arith.constant 16 : i32
    %div3A_1291 = arith.divsi %squeeze3A_1289, %jit3A_1290 : i32
    %sign3A_1292 = arith.constant 0 : i32
    %sign3A_1293 = arith.cmpi sgt, %squeeze3A_1289, %sign3A_1292 : i32
    %sign3A_1294 = arith.extui %sign3A_1293 : i1 to i32
    %sign3A_1295 = arith.constant 0 : i32
    %sign3A_1296 = arith.cmpi slt, %squeeze3A_1289, %sign3A_1295 : i32
    %sign3A_1297 = arith.extui %sign3A_1296 : i1 to i32
    %sign3A_1298 = arith.subi %sign3A_1294, %sign3A_1297 : i32
    %sign3A_1299 = arith.constant 0 : i32
    %sign3A_1300 = arith.cmpi sgt, %jit3A_1290, %sign3A_1299 : i32
    %sign3A_1301 = arith.extui %sign3A_1300 : i1 to i32
    %sign3A_1302 = arith.constant 0 : i32
    %sign3A_1303 = arith.cmpi slt, %jit3A_1290, %sign3A_1302 : i32
    %sign3A_1304 = arith.extui %sign3A_1303 : i1 to i32
    %sign3A_1305 = arith.subi %sign3A_1301, %sign3A_1304 : i32
    %ne3A_1306 = arith.cmpi ne, %sign3A_1298, %sign3A_1305 : i32
    %rem3A_1307 = arith.remsi %squeeze3A_1289, %jit3A_1290 : i32
    %ne3A_1308 = arith.constant 0 : i32
    %ne3A_1309 = arith.cmpi ne, %rem3A_1307, %ne3A_1308 : i32
    %and3A_1310 = arith.andi %ne3A_1306, %ne3A_1309 : i1
    %sub3A_1311 = arith.constant 1 : i32
    %sub3A_1312 = arith.subi %div3A_1291, %sub3A_1311 : i32
    %select_n3A_1313 = arith.select %and3A_1310, %sub3A_1312, %div3A_1291 : i32
    %mul3A_1314 = arith.constant 16 : i32
    %mul3A_1315 = arith.muli %select_n3A_1313, %mul3A_1314 : i32
    %add3A_1316 = arith.constant 24 : i32
    %add3A_1317 = arith.addi %mul3A_2, %add3A_1316 : i32
    "tpu.region"() ({
      %run_scoped3A = tpu.sem_alloc : memref<!tpu.dma_semaphore, #tpu.memory_space<semaphore_mem>>
      %dma_start3A = tpu.memref_slice %arg2[%add3A_1317, %mul3A_1315] : memref<1024x100000xf32, #tpu.memory_space<hbm>> -> memref<1x16xf32, #tpu.memory_space<hbm>>
      %dma_start3A_1725 = tpu.memref_squeeze %dma_start3A : memref<1x16xf32, #tpu.memory_space<hbm>> -> memref<16xf32, #tpu.memory_space<hbm>>
      %dma_start3A_1726 = tpu.memref_slice %arg2[%add3A_1317, %mul3A_1315] : memref<1024x100000xf32, #tpu.memory_space<hbm>> -> memref<1x16xf32, #tpu.memory_space<hbm>>
      %dma_start3A_1727 = tpu.memref_squeeze %dma_start3A_1726 : memref<1x16xf32, #tpu.memory_space<hbm>> -> memref<16xf32, #tpu.memory_space<hbm>>
      tpu.enqueue_dma source(%dma_start3A_1727 : memref<16xf32, #tpu.memory_space<hbm>>) target(%arg6 : memref<16xf32, #tpu.memory_space<vmem>>) target_semaphore(%run_scoped3A : memref<!tpu.dma_semaphore, #tpu.memory_space<semaphore_mem>>)
      %dma_wait3A = tpu.memref_slice %arg2[%add3A_1317, %mul3A_1315] : memref<1024x100000xf32, #tpu.memory_space<hbm>> -> memref<1x16xf32, #tpu.memory_space<hbm>>
      %dma_wait3A_1728 = tpu.memref_squeeze %dma_wait3A : memref<1x16xf32, #tpu.memory_space<hbm>> -> memref<16xf32, #tpu.memory_space<hbm>>
      %dma_wait3A_1729 = tpu.memref_slice %arg2[%add3A_1317, %mul3A_1315] : memref<1024x100000xf32, #tpu.memory_space<hbm>> -> memref<1x16xf32, #tpu.memory_space<hbm>>
      %dma_wait3A_1730 = tpu.memref_squeeze %dma_wait3A_1729 : memref<1x16xf32, #tpu.memory_space<hbm>> -> memref<16xf32, #tpu.memory_space<hbm>>
      tpu.wait_dma2 semaphore(%run_scoped3A : memref<!tpu.dma_semaphore, #tpu.memory_space<semaphore_mem>>) src(%dma_wait3A_1730 : memref<16xf32, #tpu.memory_space<hbm>>) dst(%arg6 : memref<16xf32, #tpu.memory_space<vmem>>)
      tpu.yield
    }) : () -> ()
    %abs3A_1318 = math.absi %squeeze3A_1289 : i32
    %min3A_1319 = arith.constant 1 : i32
    %min3A_1320 = arith.minsi %abs3A_1318, %min3A_1319 : i32
    %sub3A_1321 = arith.subi %squeeze3A_1289, %mul3A_1315 : i32
    %sub3A_1322 = vector.broadcast %sub3A_1321 : i32 to vector<16xi32>
    %sub3A_1323 = arith.subi %iota3A, %sub3A_1322 : vector<16xi32>
    %abs3A_1324 = math.absi %sub3A_1323 : vector<16xi32>
    %sub3A_1325 = arith.constant 1 : i32
    %sub3A_1326 = vector.broadcast %sub3A_1325 : i32 to vector<16xi32>
    %sub3A_1327 = arith.subi %sub3A_1326, %abs3A_1324 : vector<16xi32>
    %max3A_1328 = arith.constant 0 : i32
    %max3A_1329 = vector.broadcast %max3A_1328 : i32 to vector<16xi32>
    %max3A_1330 = arith.maxsi %sub3A_1327, %max3A_1329 : vector<16xi32>
    %mul3A_1331 = vector.broadcast %min3A_1320 : i32 to vector<16xi32>
    %mul3A_1332 = arith.muli %max3A_1330, %mul3A_1331 : vector<16xi32>
    %get3A_1333 = arith.constant 0 : index
    %get3A_1334 = tpu.vector_load %arg6[%get3A_1333] {strides = array<i32>} : memref<16xf32, #tpu.memory_space<vmem>>, vector<16xf32>,
    %get3A_1335 = vector.shape_cast %get3A_1334 : vector<16xf32> to vector<16xf32>
    %convert_element_type3A_1336 = arith.sitofp %mul3A_1332 : vector<16xi32> to vector<16xf32>
    %mul3A_1337 = arith.mulf %get3A_1335, %convert_element_type3A_1336 : vector<16xf32>
    %add3A_1338 = arith.addf %add3A_1284, %mul3A_1337 : vector<16xf32>
    %get3A_1339 = arith.constant 16 : index
    %get3A_1340 = tpu.vector_load %arg5[%get3A_1339] {strides = array<i32>} : memref<32xi32, #tpu.memory_space<vmem>>, vector<16xi32>,
    %get3A_1341 = vector.shape_cast %get3A_1340 : vector<16xi32> to vector<16xi32>
    %slice3A_1342 = vector.extract_strided_slice %get3A_1341 {offsets = [9], sizes = [1], strides = [1]} : vector<16xi32> to vector<1xi32>
    %squeeze3A_1343 = vector.extract %slice3A_1342[0] : i32 from vector<1xi32>
    %jit3A_1344 = arith.constant 16 : i32
    %div3A_1345 = arith.divsi %squeeze3A_1343, %jit3A_1344 : i32
    %sign3A_1346 = arith.constant 0 : i32
    %sign3A_1347 = arith.cmpi sgt, %squeeze3A_1343, %sign3A_1346 : i32
    %sign3A_1348 = arith.extui %sign3A_1347 : i1 to i32
    %sign3A_1349 = arith.constant 0 : i32
    %sign3A_1350 = arith.cmpi slt, %squeeze3A_1343, %sign3A_1349 : i32
    %sign3A_1351 = arith.extui %sign3A_1350 : i1 to i32
    %sign3A_1352 = arith.subi %sign3A_1348, %sign3A_1351 : i32
    %sign3A_1353 = arith.constant 0 : i32
    %sign3A_1354 = arith.cmpi sgt, %jit3A_1344, %sign3A_1353 : i32
    %sign3A_1355 = arith.extui %sign3A_1354 : i1 to i32
    %sign3A_1356 = arith.constant 0 : i32
    %sign3A_1357 = arith.cmpi slt, %jit3A_1344, %sign3A_1356 : i32
    %sign3A_1358 = arith.extui %sign3A_1357 : i1 to i32
    %sign3A_1359 = arith.subi %sign3A_1355, %sign3A_1358 : i32
    %ne3A_1360 = arith.cmpi ne, %sign3A_1352, %sign3A_1359 : i32
    %rem3A_1361 = arith.remsi %squeeze3A_1343, %jit3A_1344 : i32
    %ne3A_1362 = arith.constant 0 : i32
    %ne3A_1363 = arith.cmpi ne, %rem3A_1361, %ne3A_1362 : i32
    %and3A_1364 = arith.andi %ne3A_1360, %ne3A_1363 : i1
    %sub3A_1365 = arith.constant 1 : i32
    %sub3A_1366 = arith.subi %div3A_1345, %sub3A_1365 : i32
    %select_n3A_1367 = arith.select %and3A_1364, %sub3A_1366, %div3A_1345 : i32
    %mul3A_1368 = arith.constant 16 : i32
    %mul3A_1369 = arith.muli %select_n3A_1367, %mul3A_1368 : i32
    %add3A_1370 = arith.constant 25 : i32
    %add3A_1371 = arith.addi %mul3A_2, %add3A_1370 : i32
    "tpu.region"() ({
      %run_scoped3A = tpu.sem_alloc : memref<!tpu.dma_semaphore, #tpu.memory_space<semaphore_mem>>
      %dma_start3A = tpu.memref_slice %arg2[%add3A_1371, %mul3A_1369] : memref<1024x100000xf32, #tpu.memory_space<hbm>> -> memref<1x16xf32, #tpu.memory_space<hbm>>
      %dma_start3A_1725 = tpu.memref_squeeze %dma_start3A : memref<1x16xf32, #tpu.memory_space<hbm>> -> memref<16xf32, #tpu.memory_space<hbm>>
      %dma_start3A_1726 = tpu.memref_slice %arg2[%add3A_1371, %mul3A_1369] : memref<1024x100000xf32, #tpu.memory_space<hbm>> -> memref<1x16xf32, #tpu.memory_space<hbm>>
      %dma_start3A_1727 = tpu.memref_squeeze %dma_start3A_1726 : memref<1x16xf32, #tpu.memory_space<hbm>> -> memref<16xf32, #tpu.memory_space<hbm>>
      tpu.enqueue_dma source(%dma_start3A_1727 : memref<16xf32, #tpu.memory_space<hbm>>) target(%arg6 : memref<16xf32, #tpu.memory_space<vmem>>) target_semaphore(%run_scoped3A : memref<!tpu.dma_semaphore, #tpu.memory_space<semaphore_mem>>)
      %dma_wait3A = tpu.memref_slice %arg2[%add3A_1371, %mul3A_1369] : memref<1024x100000xf32, #tpu.memory_space<hbm>> -> memref<1x16xf32, #tpu.memory_space<hbm>>
      %dma_wait3A_1728 = tpu.memref_squeeze %dma_wait3A : memref<1x16xf32, #tpu.memory_space<hbm>> -> memref<16xf32, #tpu.memory_space<hbm>>
      %dma_wait3A_1729 = tpu.memref_slice %arg2[%add3A_1371, %mul3A_1369] : memref<1024x100000xf32, #tpu.memory_space<hbm>> -> memref<1x16xf32, #tpu.memory_space<hbm>>
      %dma_wait3A_1730 = tpu.memref_squeeze %dma_wait3A_1729 : memref<1x16xf32, #tpu.memory_space<hbm>> -> memref<16xf32, #tpu.memory_space<hbm>>
      tpu.wait_dma2 semaphore(%run_scoped3A : memref<!tpu.dma_semaphore, #tpu.memory_space<semaphore_mem>>) src(%dma_wait3A_1730 : memref<16xf32, #tpu.memory_space<hbm>>) dst(%arg6 : memref<16xf32, #tpu.memory_space<vmem>>)
      tpu.yield
    }) : () -> ()
    %abs3A_1372 = math.absi %squeeze3A_1343 : i32
    %min3A_1373 = arith.constant 1 : i32
    %min3A_1374 = arith.minsi %abs3A_1372, %min3A_1373 : i32
    %sub3A_1375 = arith.subi %squeeze3A_1343, %mul3A_1369 : i32
    %sub3A_1376 = vector.broadcast %sub3A_1375 : i32 to vector<16xi32>
    %sub3A_1377 = arith.subi %iota3A, %sub3A_1376 : vector<16xi32>
    %abs3A_1378 = math.absi %sub3A_1377 : vector<16xi32>
    %sub3A_1379 = arith.constant 1 : i32
    %sub3A_1380 = vector.broadcast %sub3A_1379 : i32 to vector<16xi32>
    %sub3A_1381 = arith.subi %sub3A_1380, %abs3A_1378 : vector<16xi32>
    %max3A_1382 = arith.constant 0 : i32
    %max3A_1383 = vector.broadcast %max3A_1382 : i32 to vector<16xi32>
    %max3A_1384 = arith.maxsi %sub3A_1381, %max3A_1383 : vector<16xi32>
    %mul3A_1385 = vector.broadcast %min3A_1374 : i32 to vector<16xi32>
    %mul3A_1386 = arith.muli %max3A_1384, %mul3A_1385 : vector<16xi32>
    %get3A_1387 = arith.constant 0 : index
    %get3A_1388 = tpu.vector_load %arg6[%get3A_1387] {strides = array<i32>} : memref<16xf32, #tpu.memory_space<vmem>>, vector<16xf32>,
    %get3A_1389 = vector.shape_cast %get3A_1388 : vector<16xf32> to vector<16xf32>
    %convert_element_type3A_1390 = arith.sitofp %mul3A_1386 : vector<16xi32> to vector<16xf32>
    %mul3A_1391 = arith.mulf %get3A_1389, %convert_element_type3A_1390 : vector<16xf32>
    %add3A_1392 = arith.addf %add3A_1338, %mul3A_1391 : vector<16xf32>
    %get3A_1393 = arith.constant 16 : index
    %get3A_1394 = tpu.vector_load %arg5[%get3A_1393] {strides = array<i32>} : memref<32xi32, #tpu.memory_space<vmem>>, vector<16xi32>,
    %get3A_1395 = vector.shape_cast %get3A_1394 : vector<16xi32> to vector<16xi32>
    %slice3A_1396 = vector.extract_strided_slice %get3A_1395 {offsets = [10], sizes = [1], strides = [1]} : vector<16xi32> to vector<1xi32>
    %squeeze3A_1397 = vector.extract %slice3A_1396[0] : i32 from vector<1xi32>
    %jit3A_1398 = arith.constant 16 : i32
    %div3A_1399 = arith.divsi %squeeze3A_1397, %jit3A_1398 : i32
    %sign3A_1400 = arith.constant 0 : i32
    %sign3A_1401 = arith.cmpi sgt, %squeeze3A_1397, %sign3A_1400 : i32
    %sign3A_1402 = arith.extui %sign3A_1401 : i1 to i32
    %sign3A_1403 = arith.constant 0 : i32
    %sign3A_1404 = arith.cmpi slt, %squeeze3A_1397, %sign3A_1403 : i32
    %sign3A_1405 = arith.extui %sign3A_1404 : i1 to i32
    %sign3A_1406 = arith.subi %sign3A_1402, %sign3A_1405 : i32
    %sign3A_1407 = arith.constant 0 : i32
    %sign3A_1408 = arith.cmpi sgt, %jit3A_1398, %sign3A_1407 : i32
    %sign3A_1409 = arith.extui %sign3A_1408 : i1 to i32
    %sign3A_1410 = arith.constant 0 : i32
    %sign3A_1411 = arith.cmpi slt, %jit3A_1398, %sign3A_1410 : i32
    %sign3A_1412 = arith.extui %sign3A_1411 : i1 to i32
    %sign3A_1413 = arith.subi %sign3A_1409, %sign3A_1412 : i32
    %ne3A_1414 = arith.cmpi ne, %sign3A_1406, %sign3A_1413 : i32
    %rem3A_1415 = arith.remsi %squeeze3A_1397, %jit3A_1398 : i32
    %ne3A_1416 = arith.constant 0 : i32
    %ne3A_1417 = arith.cmpi ne, %rem3A_1415, %ne3A_1416 : i32
    %and3A_1418 = arith.andi %ne3A_1414, %ne3A_1417 : i1
    %sub3A_1419 = arith.constant 1 : i32
    %sub3A_1420 = arith.subi %div3A_1399, %sub3A_1419 : i32
    %select_n3A_1421 = arith.select %and3A_1418, %sub3A_1420, %div3A_1399 : i32
    %mul3A_1422 = arith.constant 16 : i32
    %mul3A_1423 = arith.muli %select_n3A_1421, %mul3A_1422 : i32
    %add3A_1424 = arith.constant 26 : i32
    %add3A_1425 = arith.addi %mul3A_2, %add3A_1424 : i32
    "tpu.region"() ({
      %run_scoped3A = tpu.sem_alloc : memref<!tpu.dma_semaphore, #tpu.memory_space<semaphore_mem>>
      %dma_start3A = tpu.memref_slice %arg2[%add3A_1425, %mul3A_1423] : memref<1024x100000xf32, #tpu.memory_space<hbm>> -> memref<1x16xf32, #tpu.memory_space<hbm>>
      %dma_start3A_1725 = tpu.memref_squeeze %dma_start3A : memref<1x16xf32, #tpu.memory_space<hbm>> -> memref<16xf32, #tpu.memory_space<hbm>>
      %dma_start3A_1726 = tpu.memref_slice %arg2[%add3A_1425, %mul3A_1423] : memref<1024x100000xf32, #tpu.memory_space<hbm>> -> memref<1x16xf32, #tpu.memory_space<hbm>>
      %dma_start3A_1727 = tpu.memref_squeeze %dma_start3A_1726 : memref<1x16xf32, #tpu.memory_space<hbm>> -> memref<16xf32, #tpu.memory_space<hbm>>
      tpu.enqueue_dma source(%dma_start3A_1727 : memref<16xf32, #tpu.memory_space<hbm>>) target(%arg6 : memref<16xf32, #tpu.memory_space<vmem>>) target_semaphore(%run_scoped3A : memref<!tpu.dma_semaphore, #tpu.memory_space<semaphore_mem>>)
      %dma_wait3A = tpu.memref_slice %arg2[%add3A_1425, %mul3A_1423] : memref<1024x100000xf32, #tpu.memory_space<hbm>> -> memref<1x16xf32, #tpu.memory_space<hbm>>
      %dma_wait3A_1728 = tpu.memref_squeeze %dma_wait3A : memref<1x16xf32, #tpu.memory_space<hbm>> -> memref<16xf32, #tpu.memory_space<hbm>>
      %dma_wait3A_1729 = tpu.memref_slice %arg2[%add3A_1425, %mul3A_1423] : memref<1024x100000xf32, #tpu.memory_space<hbm>> -> memref<1x16xf32, #tpu.memory_space<hbm>>
      %dma_wait3A_1730 = tpu.memref_squeeze %dma_wait3A_1729 : memref<1x16xf32, #tpu.memory_space<hbm>> -> memref<16xf32, #tpu.memory_space<hbm>>
      tpu.wait_dma2 semaphore(%run_scoped3A : memref<!tpu.dma_semaphore, #tpu.memory_space<semaphore_mem>>) src(%dma_wait3A_1730 : memref<16xf32, #tpu.memory_space<hbm>>) dst(%arg6 : memref<16xf32, #tpu.memory_space<vmem>>)
      tpu.yield
    }) : () -> ()
    %abs3A_1426 = math.absi %squeeze3A_1397 : i32
    %min3A_1427 = arith.constant 1 : i32
    %min3A_1428 = arith.minsi %abs3A_1426, %min3A_1427 : i32
    %sub3A_1429 = arith.subi %squeeze3A_1397, %mul3A_1423 : i32
    %sub3A_1430 = vector.broadcast %sub3A_1429 : i32 to vector<16xi32>
    %sub3A_1431 = arith.subi %iota3A, %sub3A_1430 : vector<16xi32>
    %abs3A_1432 = math.absi %sub3A_1431 : vector<16xi32>
    %sub3A_1433 = arith.constant 1 : i32
    %sub3A_1434 = vector.broadcast %sub3A_1433 : i32 to vector<16xi32>
    %sub3A_1435 = arith.subi %sub3A_1434, %abs3A_1432 : vector<16xi32>
    %max3A_1436 = arith.constant 0 : i32
    %max3A_1437 = vector.broadcast %max3A_1436 : i32 to vector<16xi32>
    %max3A_1438 = arith.maxsi %sub3A_1435, %max3A_1437 : vector<16xi32>
    %mul3A_1439 = vector.broadcast %min3A_1428 : i32 to vector<16xi32>
    %mul3A_1440 = arith.muli %max3A_1438, %mul3A_1439 : vector<16xi32>
    %get3A_1441 = arith.constant 0 : index
    %get3A_1442 = tpu.vector_load %arg6[%get3A_1441] {strides = array<i32>} : memref<16xf32, #tpu.memory_space<vmem>>, vector<16xf32>,
    %get3A_1443 = vector.shape_cast %get3A_1442 : vector<16xf32> to vector<16xf32>
    %convert_element_type3A_1444 = arith.sitofp %mul3A_1440 : vector<16xi32> to vector<16xf32>
    %mul3A_1445 = arith.mulf %get3A_1443, %convert_element_type3A_1444 : vector<16xf32>
    %add3A_1446 = arith.addf %add3A_1392, %mul3A_1445 : vector<16xf32>
    %get3A_1447 = arith.constant 16 : index
    %get3A_1448 = tpu.vector_load %arg5[%get3A_1447] {strides = array<i32>} : memref<32xi32, #tpu.memory_space<vmem>>, vector<16xi32>,
    %get3A_1449 = vector.shape_cast %get3A_1448 : vector<16xi32> to vector<16xi32>
    %slice3A_1450 = vector.extract_strided_slice %get3A_1449 {offsets = [11], sizes = [1], strides = [1]} : vector<16xi32> to vector<1xi32>
    %squeeze3A_1451 = vector.extract %slice3A_1450[0] : i32 from vector<1xi32>
    %jit3A_1452 = arith.constant 16 : i32
    %div3A_1453 = arith.divsi %squeeze3A_1451, %jit3A_1452 : i32
    %sign3A_1454 = arith.constant 0 : i32
    %sign3A_1455 = arith.cmpi sgt, %squeeze3A_1451, %sign3A_1454 : i32
    %sign3A_1456 = arith.extui %sign3A_1455 : i1 to i32
    %sign3A_1457 = arith.constant 0 : i32
    %sign3A_1458 = arith.cmpi slt, %squeeze3A_1451, %sign3A_1457 : i32
    %sign3A_1459 = arith.extui %sign3A_1458 : i1 to i32
    %sign3A_1460 = arith.subi %sign3A_1456, %sign3A_1459 : i32
    %sign3A_1461 = arith.constant 0 : i32
    %sign3A_1462 = arith.cmpi sgt, %jit3A_1452, %sign3A_1461 : i32
    %sign3A_1463 = arith.extui %sign3A_1462 : i1 to i32
    %sign3A_1464 = arith.constant 0 : i32
    %sign3A_1465 = arith.cmpi slt, %jit3A_1452, %sign3A_1464 : i32
    %sign3A_1466 = arith.extui %sign3A_1465 : i1 to i32
    %sign3A_1467 = arith.subi %sign3A_1463, %sign3A_1466 : i32
    %ne3A_1468 = arith.cmpi ne, %sign3A_1460, %sign3A_1467 : i32
    %rem3A_1469 = arith.remsi %squeeze3A_1451, %jit3A_1452 : i32
    %ne3A_1470 = arith.constant 0 : i32
    %ne3A_1471 = arith.cmpi ne, %rem3A_1469, %ne3A_1470 : i32
    %and3A_1472 = arith.andi %ne3A_1468, %ne3A_1471 : i1
    %sub3A_1473 = arith.constant 1 : i32
    %sub3A_1474 = arith.subi %div3A_1453, %sub3A_1473 : i32
    %select_n3A_1475 = arith.select %and3A_1472, %sub3A_1474, %div3A_1453 : i32
    %mul3A_1476 = arith.constant 16 : i32
    %mul3A_1477 = arith.muli %select_n3A_1475, %mul3A_1476 : i32
    %add3A_1478 = arith.constant 27 : i32
    %add3A_1479 = arith.addi %mul3A_2, %add3A_1478 : i32
    "tpu.region"() ({
      %run_scoped3A = tpu.sem_alloc : memref<!tpu.dma_semaphore, #tpu.memory_space<semaphore_mem>>
      %dma_start3A = tpu.memref_slice %arg2[%add3A_1479, %mul3A_1477] : memref<1024x100000xf32, #tpu.memory_space<hbm>> -> memref<1x16xf32, #tpu.memory_space<hbm>>
      %dma_start3A_1725 = tpu.memref_squeeze %dma_start3A : memref<1x16xf32, #tpu.memory_space<hbm>> -> memref<16xf32, #tpu.memory_space<hbm>>
      %dma_start3A_1726 = tpu.memref_slice %arg2[%add3A_1479, %mul3A_1477] : memref<1024x100000xf32, #tpu.memory_space<hbm>> -> memref<1x16xf32, #tpu.memory_space<hbm>>
      %dma_start3A_1727 = tpu.memref_squeeze %dma_start3A_1726 : memref<1x16xf32, #tpu.memory_space<hbm>> -> memref<16xf32, #tpu.memory_space<hbm>>
      tpu.enqueue_dma source(%dma_start3A_1727 : memref<16xf32, #tpu.memory_space<hbm>>) target(%arg6 : memref<16xf32, #tpu.memory_space<vmem>>) target_semaphore(%run_scoped3A : memref<!tpu.dma_semaphore, #tpu.memory_space<semaphore_mem>>)
      %dma_wait3A = tpu.memref_slice %arg2[%add3A_1479, %mul3A_1477] : memref<1024x100000xf32, #tpu.memory_space<hbm>> -> memref<1x16xf32, #tpu.memory_space<hbm>>
      %dma_wait3A_1728 = tpu.memref_squeeze %dma_wait3A : memref<1x16xf32, #tpu.memory_space<hbm>> -> memref<16xf32, #tpu.memory_space<hbm>>
      %dma_wait3A_1729 = tpu.memref_slice %arg2[%add3A_1479, %mul3A_1477] : memref<1024x100000xf32, #tpu.memory_space<hbm>> -> memref<1x16xf32, #tpu.memory_space<hbm>>
      %dma_wait3A_1730 = tpu.memref_squeeze %dma_wait3A_1729 : memref<1x16xf32, #tpu.memory_space<hbm>> -> memref<16xf32, #tpu.memory_space<hbm>>
      tpu.wait_dma2 semaphore(%run_scoped3A : memref<!tpu.dma_semaphore, #tpu.memory_space<semaphore_mem>>) src(%dma_wait3A_1730 : memref<16xf32, #tpu.memory_space<hbm>>) dst(%arg6 : memref<16xf32, #tpu.memory_space<vmem>>)
      tpu.yield
    }) : () -> ()
    %abs3A_1480 = math.absi %squeeze3A_1451 : i32
    %min3A_1481 = arith.constant 1 : i32
    %min3A_1482 = arith.minsi %abs3A_1480, %min3A_1481 : i32
    %sub3A_1483 = arith.subi %squeeze3A_1451, %mul3A_1477 : i32
    %sub3A_1484 = vector.broadcast %sub3A_1483 : i32 to vector<16xi32>
    %sub3A_1485 = arith.subi %iota3A, %sub3A_1484 : vector<16xi32>
    %abs3A_1486 = math.absi %sub3A_1485 : vector<16xi32>
    %sub3A_1487 = arith.constant 1 : i32
    %sub3A_1488 = vector.broadcast %sub3A_1487 : i32 to vector<16xi32>
    %sub3A_1489 = arith.subi %sub3A_1488, %abs3A_1486 : vector<16xi32>
    %max3A_1490 = arith.constant 0 : i32
    %max3A_1491 = vector.broadcast %max3A_1490 : i32 to vector<16xi32>
    %max3A_1492 = arith.maxsi %sub3A_1489, %max3A_1491 : vector<16xi32>
    %mul3A_1493 = vector.broadcast %min3A_1482 : i32 to vector<16xi32>
    %mul3A_1494 = arith.muli %max3A_1492, %mul3A_1493 : vector<16xi32>
    %get3A_1495 = arith.constant 0 : index
    %get3A_1496 = tpu.vector_load %arg6[%get3A_1495] {strides = array<i32>} : memref<16xf32, #tpu.memory_space<vmem>>, vector<16xf32>,
    %get3A_1497 = vector.shape_cast %get3A_1496 : vector<16xf32> to vector<16xf32>
    %convert_element_type3A_1498 = arith.sitofp %mul3A_1494 : vector<16xi32> to vector<16xf32>
    %mul3A_1499 = arith.mulf %get3A_1497, %convert_element_type3A_1498 : vector<16xf32>
    %add3A_1500 = arith.addf %add3A_1446, %mul3A_1499 : vector<16xf32>
    %get3A_1501 = arith.constant 16 : index
    %get3A_1502 = tpu.vector_load %arg5[%get3A_1501] {strides = array<i32>} : memref<32xi32, #tpu.memory_space<vmem>>, vector<16xi32>,
    %get3A_1503 = vector.shape_cast %get3A_1502 : vector<16xi32> to vector<16xi32>
    %slice3A_1504 = vector.extract_strided_slice %get3A_1503 {offsets = [12], sizes = [1], strides = [1]} : vector<16xi32> to vector<1xi32>
    %squeeze3A_1505 = vector.extract %slice3A_1504[0] : i32 from vector<1xi32>
    %jit3A_1506 = arith.constant 16 : i32
    %div3A_1507 = arith.divsi %squeeze3A_1505, %jit3A_1506 : i32
    %sign3A_1508 = arith.constant 0 : i32
    %sign3A_1509 = arith.cmpi sgt, %squeeze3A_1505, %sign3A_1508 : i32
    %sign3A_1510 = arith.extui %sign3A_1509 : i1 to i32
    %sign3A_1511 = arith.constant 0 : i32
    %sign3A_1512 = arith.cmpi slt, %squeeze3A_1505, %sign3A_1511 : i32
    %sign3A_1513 = arith.extui %sign3A_1512 : i1 to i32
    %sign3A_1514 = arith.subi %sign3A_1510, %sign3A_1513 : i32
    %sign3A_1515 = arith.constant 0 : i32
    %sign3A_1516 = arith.cmpi sgt, %jit3A_1506, %sign3A_1515 : i32
    %sign3A_1517 = arith.extui %sign3A_1516 : i1 to i32
    %sign3A_1518 = arith.constant 0 : i32
    %sign3A_1519 = arith.cmpi slt, %jit3A_1506, %sign3A_1518 : i32
    %sign3A_1520 = arith.extui %sign3A_1519 : i1 to i32
    %sign3A_1521 = arith.subi %sign3A_1517, %sign3A_1520 : i32
    %ne3A_1522 = arith.cmpi ne, %sign3A_1514, %sign3A_1521 : i32
    %rem3A_1523 = arith.remsi %squeeze3A_1505, %jit3A_1506 : i32
    %ne3A_1524 = arith.constant 0 : i32
    %ne3A_1525 = arith.cmpi ne, %rem3A_1523, %ne3A_1524 : i32
    %and3A_1526 = arith.andi %ne3A_1522, %ne3A_1525 : i1
    %sub3A_1527 = arith.constant 1 : i32
    %sub3A_1528 = arith.subi %div3A_1507, %sub3A_1527 : i32
    %select_n3A_1529 = arith.select %and3A_1526, %sub3A_1528, %div3A_1507 : i32
    %mul3A_1530 = arith.constant 16 : i32
    %mul3A_1531 = arith.muli %select_n3A_1529, %mul3A_1530 : i32
    %add3A_1532 = arith.constant 28 : i32
    %add3A_1533 = arith.addi %mul3A_2, %add3A_1532 : i32
    "tpu.region"() ({
      %run_scoped3A = tpu.sem_alloc : memref<!tpu.dma_semaphore, #tpu.memory_space<semaphore_mem>>
      %dma_start3A = tpu.memref_slice %arg2[%add3A_1533, %mul3A_1531] : memref<1024x100000xf32, #tpu.memory_space<hbm>> -> memref<1x16xf32, #tpu.memory_space<hbm>>
      %dma_start3A_1725 = tpu.memref_squeeze %dma_start3A : memref<1x16xf32, #tpu.memory_space<hbm>> -> memref<16xf32, #tpu.memory_space<hbm>>
      %dma_start3A_1726 = tpu.memref_slice %arg2[%add3A_1533, %mul3A_1531] : memref<1024x100000xf32, #tpu.memory_space<hbm>> -> memref<1x16xf32, #tpu.memory_space<hbm>>
      %dma_start3A_1727 = tpu.memref_squeeze %dma_start3A_1726 : memref<1x16xf32, #tpu.memory_space<hbm>> -> memref<16xf32, #tpu.memory_space<hbm>>
      tpu.enqueue_dma source(%dma_start3A_1727 : memref<16xf32, #tpu.memory_space<hbm>>) target(%arg6 : memref<16xf32, #tpu.memory_space<vmem>>) target_semaphore(%run_scoped3A : memref<!tpu.dma_semaphore, #tpu.memory_space<semaphore_mem>>)
      %dma_wait3A = tpu.memref_slice %arg2[%add3A_1533, %mul3A_1531] : memref<1024x100000xf32, #tpu.memory_space<hbm>> -> memref<1x16xf32, #tpu.memory_space<hbm>>
      %dma_wait3A_1728 = tpu.memref_squeeze %dma_wait3A : memref<1x16xf32, #tpu.memory_space<hbm>> -> memref<16xf32, #tpu.memory_space<hbm>>
      %dma_wait3A_1729 = tpu.memref_slice %arg2[%add3A_1533, %mul3A_1531] : memref<1024x100000xf32, #tpu.memory_space<hbm>> -> memref<1x16xf32, #tpu.memory_space<hbm>>
      %dma_wait3A_1730 = tpu.memref_squeeze %dma_wait3A_1729 : memref<1x16xf32, #tpu.memory_space<hbm>> -> memref<16xf32, #tpu.memory_space<hbm>>
      tpu.wait_dma2 semaphore(%run_scoped3A : memref<!tpu.dma_semaphore, #tpu.memory_space<semaphore_mem>>) src(%dma_wait3A_1730 : memref<16xf32, #tpu.memory_space<hbm>>) dst(%arg6 : memref<16xf32, #tpu.memory_space<vmem>>)
      tpu.yield
    }) : () -> ()
    %abs3A_1534 = math.absi %squeeze3A_1505 : i32
    %min3A_1535 = arith.constant 1 : i32
    %min3A_1536 = arith.minsi %abs3A_1534, %min3A_1535 : i32
    %sub3A_1537 = arith.subi %squeeze3A_1505, %mul3A_1531 : i32
    %sub3A_1538 = vector.broadcast %sub3A_1537 : i32 to vector<16xi32>
    %sub3A_1539 = arith.subi %iota3A, %sub3A_1538 : vector<16xi32>
    %abs3A_1540 = math.absi %sub3A_1539 : vector<16xi32>
    %sub3A_1541 = arith.constant 1 : i32
    %sub3A_1542 = vector.broadcast %sub3A_1541 : i32 to vector<16xi32>
    %sub3A_1543 = arith.subi %sub3A_1542, %abs3A_1540 : vector<16xi32>
    %max3A_1544 = arith.constant 0 : i32
    %max3A_1545 = vector.broadcast %max3A_1544 : i32 to vector<16xi32>
    %max3A_1546 = arith.maxsi %sub3A_1543, %max3A_1545 : vector<16xi32>
    %mul3A_1547 = vector.broadcast %min3A_1536 : i32 to vector<16xi32>
    %mul3A_1548 = arith.muli %max3A_1546, %mul3A_1547 : vector<16xi32>
    %get3A_1549 = arith.constant 0 : index
    %get3A_1550 = tpu.vector_load %arg6[%get3A_1549] {strides = array<i32>} : memref<16xf32, #tpu.memory_space<vmem>>, vector<16xf32>,
    %get3A_1551 = vector.shape_cast %get3A_1550 : vector<16xf32> to vector<16xf32>
    %convert_element_type3A_1552 = arith.sitofp %mul3A_1548 : vector<16xi32> to vector<16xf32>
    %mul3A_1553 = arith.mulf %get3A_1551, %convert_element_type3A_1552 : vector<16xf32>
    %add3A_1554 = arith.addf %add3A_1500, %mul3A_1553 : vector<16xf32>
    %get3A_1555 = arith.constant 16 : index
    %get3A_1556 = tpu.vector_load %arg5[%get3A_1555] {strides = array<i32>} : memref<32xi32, #tpu.memory_space<vmem>>, vector<16xi32>,
    %get3A_1557 = vector.shape_cast %get3A_1556 : vector<16xi32> to vector<16xi32>
    %slice3A_1558 = vector.extract_strided_slice %get3A_1557 {offsets = [13], sizes = [1], strides = [1]} : vector<16xi32> to vector<1xi32>
    %squeeze3A_1559 = vector.extract %slice3A_1558[0] : i32 from vector<1xi32>
    %jit3A_1560 = arith.constant 16 : i32
    %div3A_1561 = arith.divsi %squeeze3A_1559, %jit3A_1560 : i32
    %sign3A_1562 = arith.constant 0 : i32
    %sign3A_1563 = arith.cmpi sgt, %squeeze3A_1559, %sign3A_1562 : i32
    %sign3A_1564 = arith.extui %sign3A_1563 : i1 to i32
    %sign3A_1565 = arith.constant 0 : i32
    %sign3A_1566 = arith.cmpi slt, %squeeze3A_1559, %sign3A_1565 : i32
    %sign3A_1567 = arith.extui %sign3A_1566 : i1 to i32
    %sign3A_1568 = arith.subi %sign3A_1564, %sign3A_1567 : i32
    %sign3A_1569 = arith.constant 0 : i32
    %sign3A_1570 = arith.cmpi sgt, %jit3A_1560, %sign3A_1569 : i32
    %sign3A_1571 = arith.extui %sign3A_1570 : i1 to i32
    %sign3A_1572 = arith.constant 0 : i32
    %sign3A_1573 = arith.cmpi slt, %jit3A_1560, %sign3A_1572 : i32
    %sign3A_1574 = arith.extui %sign3A_1573 : i1 to i32
    %sign3A_1575 = arith.subi %sign3A_1571, %sign3A_1574 : i32
    %ne3A_1576 = arith.cmpi ne, %sign3A_1568, %sign3A_1575 : i32
    %rem3A_1577 = arith.remsi %squeeze3A_1559, %jit3A_1560 : i32
    %ne3A_1578 = arith.constant 0 : i32
    %ne3A_1579 = arith.cmpi ne, %rem3A_1577, %ne3A_1578 : i32
    %and3A_1580 = arith.andi %ne3A_1576, %ne3A_1579 : i1
    %sub3A_1581 = arith.constant 1 : i32
    %sub3A_1582 = arith.subi %div3A_1561, %sub3A_1581 : i32
    %select_n3A_1583 = arith.select %and3A_1580, %sub3A_1582, %div3A_1561 : i32
    %mul3A_1584 = arith.constant 16 : i32
    %mul3A_1585 = arith.muli %select_n3A_1583, %mul3A_1584 : i32
    %add3A_1586 = arith.constant 29 : i32
    %add3A_1587 = arith.addi %mul3A_2, %add3A_1586 : i32
    "tpu.region"() ({
      %run_scoped3A = tpu.sem_alloc : memref<!tpu.dma_semaphore, #tpu.memory_space<semaphore_mem>>
      %dma_start3A = tpu.memref_slice %arg2[%add3A_1587, %mul3A_1585] : memref<1024x100000xf32, #tpu.memory_space<hbm>> -> memref<1x16xf32, #tpu.memory_space<hbm>>
      %dma_start3A_1725 = tpu.memref_squeeze %dma_start3A : memref<1x16xf32, #tpu.memory_space<hbm>> -> memref<16xf32, #tpu.memory_space<hbm>>
      %dma_start3A_1726 = tpu.memref_slice %arg2[%add3A_1587, %mul3A_1585] : memref<1024x100000xf32, #tpu.memory_space<hbm>> -> memref<1x16xf32, #tpu.memory_space<hbm>>
      %dma_start3A_1727 = tpu.memref_squeeze %dma_start3A_1726 : memref<1x16xf32, #tpu.memory_space<hbm>> -> memref<16xf32, #tpu.memory_space<hbm>>
      tpu.enqueue_dma source(%dma_start3A_1727 : memref<16xf32, #tpu.memory_space<hbm>>) target(%arg6 : memref<16xf32, #tpu.memory_space<vmem>>) target_semaphore(%run_scoped3A : memref<!tpu.dma_semaphore, #tpu.memory_space<semaphore_mem>>)
      %dma_wait3A = tpu.memref_slice %arg2[%add3A_1587, %mul3A_1585] : memref<1024x100000xf32, #tpu.memory_space<hbm>> -> memref<1x16xf32, #tpu.memory_space<hbm>>
      %dma_wait3A_1728 = tpu.memref_squeeze %dma_wait3A : memref<1x16xf32, #tpu.memory_space<hbm>> -> memref<16xf32, #tpu.memory_space<hbm>>
      %dma_wait3A_1729 = tpu.memref_slice %arg2[%add3A_1587, %mul3A_1585] : memref<1024x100000xf32, #tpu.memory_space<hbm>> -> memref<1x16xf32, #tpu.memory_space<hbm>>
      %dma_wait3A_1730 = tpu.memref_squeeze %dma_wait3A_1729 : memref<1x16xf32, #tpu.memory_space<hbm>> -> memref<16xf32, #tpu.memory_space<hbm>>
      tpu.wait_dma2 semaphore(%run_scoped3A : memref<!tpu.dma_semaphore, #tpu.memory_space<semaphore_mem>>) src(%dma_wait3A_1730 : memref<16xf32, #tpu.memory_space<hbm>>) dst(%arg6 : memref<16xf32, #tpu.memory_space<vmem>>)
      tpu.yield
    }) : () -> ()
    %abs3A_1588 = math.absi %squeeze3A_1559 : i32
    %min3A_1589 = arith.constant 1 : i32
    %min3A_1590 = arith.minsi %abs3A_1588, %min3A_1589 : i32
    %sub3A_1591 = arith.subi %squeeze3A_1559, %mul3A_1585 : i32
    %sub3A_1592 = vector.broadcast %sub3A_1591 : i32 to vector<16xi32>
    %sub3A_1593 = arith.subi %iota3A, %sub3A_1592 : vector<16xi32>
    %abs3A_1594 = math.absi %sub3A_1593 : vector<16xi32>
    %sub3A_1595 = arith.constant 1 : i32
    %sub3A_1596 = vector.broadcast %sub3A_1595 : i32 to vector<16xi32>
    %sub3A_1597 = arith.subi %sub3A_1596, %abs3A_1594 : vector<16xi32>
    %max3A_1598 = arith.constant 0 : i32
    %max3A_1599 = vector.broadcast %max3A_1598 : i32 to vector<16xi32>
    %max3A_1600 = arith.maxsi %sub3A_1597, %max3A_1599 : vector<16xi32>
    %mul3A_1601 = vector.broadcast %min3A_1590 : i32 to vector<16xi32>
    %mul3A_1602 = arith.muli %max3A_1600, %mul3A_1601 : vector<16xi32>
    %get3A_1603 = arith.constant 0 : index
    %get3A_1604 = tpu.vector_load %arg6[%get3A_1603] {strides = array<i32>} : memref<16xf32, #tpu.memory_space<vmem>>, vector<16xf32>,
    %get3A_1605 = vector.shape_cast %get3A_1604 : vector<16xf32> to vector<16xf32>
    %convert_element_type3A_1606 = arith.sitofp %mul3A_1602 : vector<16xi32> to vector<16xf32>
    %mul3A_1607 = arith.mulf %get3A_1605, %convert_element_type3A_1606 : vector<16xf32>
    %add3A_1608 = arith.addf %add3A_1554, %mul3A_1607 : vector<16xf32>
    %get3A_1609 = arith.constant 16 : index
    %get3A_1610 = tpu.vector_load %arg5[%get3A_1609] {strides = array<i32>} : memref<32xi32, #tpu.memory_space<vmem>>, vector<16xi32>,
    %get3A_1611 = vector.shape_cast %get3A_1610 : vector<16xi32> to vector<16xi32>
    %slice3A_1612 = vector.extract_strided_slice %get3A_1611 {offsets = [14], sizes = [1], strides = [1]} : vector<16xi32> to vector<1xi32>
    %squeeze3A_1613 = vector.extract %slice3A_1612[0] : i32 from vector<1xi32>
    %jit3A_1614 = arith.constant 16 : i32
    %div3A_1615 = arith.divsi %squeeze3A_1613, %jit3A_1614 : i32
    %sign3A_1616 = arith.constant 0 : i32
    %sign3A_1617 = arith.cmpi sgt, %squeeze3A_1613, %sign3A_1616 : i32
    %sign3A_1618 = arith.extui %sign3A_1617 : i1 to i32
    %sign3A_1619 = arith.constant 0 : i32
    %sign3A_1620 = arith.cmpi slt, %squeeze3A_1613, %sign3A_1619 : i32
    %sign3A_1621 = arith.extui %sign3A_1620 : i1 to i32
    %sign3A_1622 = arith.subi %sign3A_1618, %sign3A_1621 : i32
    %sign3A_1623 = arith.constant 0 : i32
    %sign3A_1624 = arith.cmpi sgt, %jit3A_1614, %sign3A_1623 : i32
    %sign3A_1625 = arith.extui %sign3A_1624 : i1 to i32
    %sign3A_1626 = arith.constant 0 : i32
    %sign3A_1627 = arith.cmpi slt, %jit3A_1614, %sign3A_1626 : i32
    %sign3A_1628 = arith.extui %sign3A_1627 : i1 to i32
    %sign3A_1629 = arith.subi %sign3A_1625, %sign3A_1628 : i32
    %ne3A_1630 = arith.cmpi ne, %sign3A_1622, %sign3A_1629 : i32
    %rem3A_1631 = arith.remsi %squeeze3A_1613, %jit3A_1614 : i32
    %ne3A_1632 = arith.constant 0 : i32
    %ne3A_1633 = arith.cmpi ne, %rem3A_1631, %ne3A_1632 : i32
    %and3A_1634 = arith.andi %ne3A_1630, %ne3A_1633 : i1
    %sub3A_1635 = arith.constant 1 : i32
    %sub3A_1636 = arith.subi %div3A_1615, %sub3A_1635 : i32
    %select_n3A_1637 = arith.select %and3A_1634, %sub3A_1636, %div3A_1615 : i32
    %mul3A_1638 = arith.constant 16 : i32
    %mul3A_1639 = arith.muli %select_n3A_1637, %mul3A_1638 : i32
    %add3A_1640 = arith.constant 30 : i32
    %add3A_1641 = arith.addi %mul3A_2, %add3A_1640 : i32
    "tpu.region"() ({
      %run_scoped3A = tpu.sem_alloc : memref<!tpu.dma_semaphore, #tpu.memory_space<semaphore_mem>>
      %dma_start3A = tpu.memref_slice %arg2[%add3A_1641, %mul3A_1639] : memref<1024x100000xf32, #tpu.memory_space<hbm>> -> memref<1x16xf32, #tpu.memory_space<hbm>>
      %dma_start3A_1725 = tpu.memref_squeeze %dma_start3A : memref<1x16xf32, #tpu.memory_space<hbm>> -> memref<16xf32, #tpu.memory_space<hbm>>
      %dma_start3A_1726 = tpu.memref_slice %arg2[%add3A_1641, %mul3A_1639] : memref<1024x100000xf32, #tpu.memory_space<hbm>> -> memref<1x16xf32, #tpu.memory_space<hbm>>
      %dma_start3A_1727 = tpu.memref_squeeze %dma_start3A_1726 : memref<1x16xf32, #tpu.memory_space<hbm>> -> memref<16xf32, #tpu.memory_space<hbm>>
      tpu.enqueue_dma source(%dma_start3A_1727 : memref<16xf32, #tpu.memory_space<hbm>>) target(%arg6 : memref<16xf32, #tpu.memory_space<vmem>>) target_semaphore(%run_scoped3A : memref<!tpu.dma_semaphore, #tpu.memory_space<semaphore_mem>>)
      %dma_wait3A = tpu.memref_slice %arg2[%add3A_1641, %mul3A_1639] : memref<1024x100000xf32, #tpu.memory_space<hbm>> -> memref<1x16xf32, #tpu.memory_space<hbm>>
      %dma_wait3A_1728 = tpu.memref_squeeze %dma_wait3A : memref<1x16xf32, #tpu.memory_space<hbm>> -> memref<16xf32, #tpu.memory_space<hbm>>
      %dma_wait3A_1729 = tpu.memref_slice %arg2[%add3A_1641, %mul3A_1639] : memref<1024x100000xf32, #tpu.memory_space<hbm>> -> memref<1x16xf32, #tpu.memory_space<hbm>>
      %dma_wait3A_1730 = tpu.memref_squeeze %dma_wait3A_1729 : memref<1x16xf32, #tpu.memory_space<hbm>> -> memref<16xf32, #tpu.memory_space<hbm>>
      tpu.wait_dma2 semaphore(%run_scoped3A : memref<!tpu.dma_semaphore, #tpu.memory_space<semaphore_mem>>) src(%dma_wait3A_1730 : memref<16xf32, #tpu.memory_space<hbm>>) dst(%arg6 : memref<16xf32, #tpu.memory_space<vmem>>)
      tpu.yield
    }) : () -> ()
    %abs3A_1642 = math.absi %squeeze3A_1613 : i32
    %min3A_1643 = arith.constant 1 : i32
    %min3A_1644 = arith.minsi %abs3A_1642, %min3A_1643 : i32
    %sub3A_1645 = arith.subi %squeeze3A_1613, %mul3A_1639 : i32
    %sub3A_1646 = vector.broadcast %sub3A_1645 : i32 to vector<16xi32>
    %sub3A_1647 = arith.subi %iota3A, %sub3A_1646 : vector<16xi32>
    %abs3A_1648 = math.absi %sub3A_1647 : vector<16xi32>
    %sub3A_1649 = arith.constant 1 : i32
    %sub3A_1650 = vector.broadcast %sub3A_1649 : i32 to vector<16xi32>
    %sub3A_1651 = arith.subi %sub3A_1650, %abs3A_1648 : vector<16xi32>
    %max3A_1652 = arith.constant 0 : i32
    %max3A_1653 = vector.broadcast %max3A_1652 : i32 to vector<16xi32>
    %max3A_1654 = arith.maxsi %sub3A_1651, %max3A_1653 : vector<16xi32>
    %mul3A_1655 = vector.broadcast %min3A_1644 : i32 to vector<16xi32>
    %mul3A_1656 = arith.muli %max3A_1654, %mul3A_1655 : vector<16xi32>
    %get3A_1657 = arith.constant 0 : index
    %get3A_1658 = tpu.vector_load %arg6[%get3A_1657] {strides = array<i32>} : memref<16xf32, #tpu.memory_space<vmem>>, vector<16xf32>,
    %get3A_1659 = vector.shape_cast %get3A_1658 : vector<16xf32> to vector<16xf32>
    %convert_element_type3A_1660 = arith.sitofp %mul3A_1656 : vector<16xi32> to vector<16xf32>
    %mul3A_1661 = arith.mulf %get3A_1659, %convert_element_type3A_1660 : vector<16xf32>
    %add3A_1662 = arith.addf %add3A_1608, %mul3A_1661 : vector<16xf32>
    %get3A_1663 = arith.constant 16 : index
    %get3A_1664 = tpu.vector_load %arg5[%get3A_1663] {strides = array<i32>} : memref<32xi32, #tpu.memory_space<vmem>>, vector<16xi32>,
    %get3A_1665 = vector.shape_cast %get3A_1664 : vector<16xi32> to vector<16xi32>
    %slice3A_1666 = vector.extract_strided_slice %get3A_1665 {offsets = [15], sizes = [1], strides = [1]} : vector<16xi32> to vector<1xi32>
    %squeeze3A_1667 = vector.extract %slice3A_1666[0] : i32 from vector<1xi32>
    %jit3A_1668 = arith.constant 16 : i32
    %div3A_1669 = arith.divsi %squeeze3A_1667, %jit3A_1668 : i32
    %sign3A_1670 = arith.constant 0 : i32
    %sign3A_1671 = arith.cmpi sgt, %squeeze3A_1667, %sign3A_1670 : i32
    %sign3A_1672 = arith.extui %sign3A_1671 : i1 to i32
    %sign3A_1673 = arith.constant 0 : i32
    %sign3A_1674 = arith.cmpi slt, %squeeze3A_1667, %sign3A_1673 : i32
    %sign3A_1675 = arith.extui %sign3A_1674 : i1 to i32
    %sign3A_1676 = arith.subi %sign3A_1672, %sign3A_1675 : i32
    %sign3A_1677 = arith.constant 0 : i32
    %sign3A_1678 = arith.cmpi sgt, %jit3A_1668, %sign3A_1677 : i32
    %sign3A_1679 = arith.extui %sign3A_1678 : i1 to i32
    %sign3A_1680 = arith.constant 0 : i32
    %sign3A_1681 = arith.cmpi slt, %jit3A_1668, %sign3A_1680 : i32
    %sign3A_1682 = arith.extui %sign3A_1681 : i1 to i32
    %sign3A_1683 = arith.subi %sign3A_1679, %sign3A_1682 : i32
    %ne3A_1684 = arith.cmpi ne, %sign3A_1676, %sign3A_1683 : i32
    %rem3A_1685 = arith.remsi %squeeze3A_1667, %jit3A_1668 : i32
    %ne3A_1686 = arith.constant 0 : i32
    %ne3A_1687 = arith.cmpi ne, %rem3A_1685, %ne3A_1686 : i32
    %and3A_1688 = arith.andi %ne3A_1684, %ne3A_1687 : i1
    %sub3A_1689 = arith.constant 1 : i32
    %sub3A_1690 = arith.subi %div3A_1669, %sub3A_1689 : i32
    %select_n3A_1691 = arith.select %and3A_1688, %sub3A_1690, %div3A_1669 : i32
    %mul3A_1692 = arith.constant 16 : i32
    %mul3A_1693 = arith.muli %select_n3A_1691, %mul3A_1692 : i32
    %add3A_1694 = arith.constant 31 : i32
    %add3A_1695 = arith.addi %mul3A_2, %add3A_1694 : i32
    "tpu.region"() ({
      %run_scoped3A = tpu.sem_alloc : memref<!tpu.dma_semaphore, #tpu.memory_space<semaphore_mem>>
      %dma_start3A = tpu.memref_slice %arg2[%add3A_1695, %mul3A_1693] : memref<1024x100000xf32, #tpu.memory_space<hbm>> -> memref<1x16xf32, #tpu.memory_space<hbm>>
      %dma_start3A_1725 = tpu.memref_squeeze %dma_start3A : memref<1x16xf32, #tpu.memory_space<hbm>> -> memref<16xf32, #tpu.memory_space<hbm>>
      %dma_start3A_1726 = tpu.memref_slice %arg2[%add3A_1695, %mul3A_1693] : memref<1024x100000xf32, #tpu.memory_space<hbm>> -> memref<1x16xf32, #tpu.memory_space<hbm>>
      %dma_start3A_1727 = tpu.memref_squeeze %dma_start3A_1726 : memref<1x16xf32, #tpu.memory_space<hbm>> -> memref<16xf32, #tpu.memory_space<hbm>>
      tpu.enqueue_dma source(%dma_start3A_1727 : memref<16xf32, #tpu.memory_space<hbm>>) target(%arg6 : memref<16xf32, #tpu.memory_space<vmem>>) target_semaphore(%run_scoped3A : memref<!tpu.dma_semaphore, #tpu.memory_space<semaphore_mem>>)
      %dma_wait3A = tpu.memref_slice %arg2[%add3A_1695, %mul3A_1693] : memref<1024x100000xf32, #tpu.memory_space<hbm>> -> memref<1x16xf32, #tpu.memory_space<hbm>>
      %dma_wait3A_1728 = tpu.memref_squeeze %dma_wait3A : memref<1x16xf32, #tpu.memory_space<hbm>> -> memref<16xf32, #tpu.memory_space<hbm>>
      %dma_wait3A_1729 = tpu.memref_slice %arg2[%add3A_1695, %mul3A_1693] : memref<1024x100000xf32, #tpu.memory_space<hbm>> -> memref<1x16xf32, #tpu.memory_space<hbm>>
      %dma_wait3A_1730 = tpu.memref_squeeze %dma_wait3A_1729 : memref<1x16xf32, #tpu.memory_space<hbm>> -> memref<16xf32, #tpu.memory_space<hbm>>
      tpu.wait_dma2 semaphore(%run_scoped3A : memref<!tpu.dma_semaphore, #tpu.memory_space<semaphore_mem>>) src(%dma_wait3A_1730 : memref<16xf32, #tpu.memory_space<hbm>>) dst(%arg6 : memref<16xf32, #tpu.memory_space<vmem>>)
      tpu.yield
    }) : () -> ()
    %abs3A_1696 = math.absi %squeeze3A_1667 : i32
    %min3A_1697 = arith.constant 1 : i32
    %min3A_1698 = arith.minsi %abs3A_1696, %min3A_1697 : i32
    %sub3A_1699 = arith.subi %squeeze3A_1667, %mul3A_1693 : i32
    %sub3A_1700 = vector.broadcast %sub3A_1699 : i32 to vector<16xi32>
    %sub3A_1701 = arith.subi %iota3A, %sub3A_1700 : vector<16xi32>
    %abs3A_1702 = math.absi %sub3A_1701 : vector<16xi32>
    %sub3A_1703 = arith.constant 1 : i32
    %sub3A_1704 = vector.broadcast %sub3A_1703 : i32 to vector<16xi32>
    %sub3A_1705 = arith.subi %sub3A_1704, %abs3A_1702 : vector<16xi32>
    %max3A_1706 = arith.constant 0 : i32
    %max3A_1707 = vector.broadcast %max3A_1706 : i32 to vector<16xi32>
    %max3A_1708 = arith.maxsi %sub3A_1705, %max3A_1707 : vector<16xi32>
    %mul3A_1709 = vector.broadcast %min3A_1698 : i32 to vector<16xi32>
    %mul3A_1710 = arith.muli %max3A_1708, %mul3A_1709 : vector<16xi32>
    %get3A_1711 = arith.constant 0 : index
    %get3A_1712 = tpu.vector_load %arg6[%get3A_1711] {strides = array<i32>} : memref<16xf32, #tpu.memory_space<vmem>>, vector<16xf32>,
    %get3A_1713 = vector.shape_cast %get3A_1712 : vector<16xf32> to vector<16xf32>
    %convert_element_type3A_1714 = arith.sitofp %mul3A_1710 : vector<16xi32> to vector<16xf32>
    %mul3A_1715 = arith.mulf %get3A_1713, %convert_element_type3A_1714 : vector<16xf32>
    %add3A_1716 = arith.addf %add3A_1662, %mul3A_1715 : vector<16xf32>
    %mul3A_1717 = arith.constant -8.999990e-01 : f32
    %mul3A_1718 = vector.broadcast %mul3A_1717 : f32 to vector<16xf32>
    %mul3A_1719 = arith.mulf %add3A_1716, %mul3A_1718 : vector<16xf32>
    %swap3A = arith.constant 0 : index
    %swap3A_1720 = tpu.vector_load %arg7[%swap3A] {strides = array<i32>} : memref<16xf32, #tpu.memory_space<vmem>>, vector<16xf32>,
    %swap3A_1721 = vector.shape_cast %swap3A_1720 : vector<16xf32> to vector<16xf32>
    %swap3A_1722 = vector.shape_cast %mul3A_1719 : vector<16xf32> to vector<16xf32>
    tpu.vector_store %arg7[%swap3A], %swap3A_1722 {strides = array<i32>} : memref<16xf32, #tpu.memory_space<vmem>>, vector<16xf32>,
    %mul3A_1723 = arith.constant 16 : i32
    %mul3A_1724 = arith.muli %add3A, %mul3A_1723 : i32
    "tpu.region"() ({
      %run_scoped3A = tpu.sem_alloc : memref<!tpu.dma_semaphore, #tpu.memory_space<semaphore_mem>>
      %dma_start3A = tpu.memref_slice %arg4[%mul3A_1724] : memref<512xf32, #tpu.memory_space<hbm>> -> memref<16xf32, #tpu.memory_space<hbm>>
      %dma_start3A_1725 = tpu.memref_slice %arg4[%mul3A_1724] : memref<512xf32, #tpu.memory_space<hbm>> -> memref<16xf32, #tpu.memory_space<hbm>>
      tpu.enqueue_dma source(%arg7 : memref<16xf32, #tpu.memory_space<vmem>>) target(%dma_start3A_1725 : memref<16xf32, #tpu.memory_space<hbm>>) target_semaphore(%run_scoped3A : memref<!tpu.dma_semaphore, #tpu.memory_space<semaphore_mem>>)
      %dma_wait3A = tpu.memref_slice %arg4[%mul3A_1724] : memref<512xf32, #tpu.memory_space<hbm>> -> memref<16xf32, #tpu.memory_space<hbm>>
      %dma_wait3A_1726 = tpu.memref_slice %arg4[%mul3A_1724] : memref<512xf32, #tpu.memory_space<hbm>> -> memref<16xf32, #tpu.memory_space<hbm>>
      tpu.wait_dma2 semaphore(%run_scoped3A : memref<!tpu.dma_semaphore, #tpu.memory_space<semaphore_mem>>) src(%arg7 : memref<16xf32, #tpu.memory_space<vmem>>) dst(%dma_wait3A_1726 : memref<16xf32, #tpu.memory_space<hbm>>)
      tpu.yield
    }) : () -> ()
    return
  }
}

module attributes {stable_mosaic.version = 14 : i64} {
  func.func @_tc_body(%arg0: i32, %arg1: memref<32x100000xf32, #tpu.memory_space<vmem>>, %arg2: memref<32x1xi32, #tpu.memory_space<vmem>>, %arg3: memref<1x1xf32, #tpu.memory_space<vmem>>) attributes {dimension_semantics = [#tpu.dimension_semantics<arbitrary>], iteration_bounds = array<i64: 32>, scalar_prefetch = 0 : i64, scratch_operands = 0 : i64, tpu.core_type = #tpu.core_type<tc>, window_params = [{transform_indices = @transform_0, window_bounds = array<i64: 32, 100000>}, {transform_indices = @transform_1, window_bounds = array<i64: 32, 1>}, {pipeline_mode = #tpu.pipeline_mode<synchronous>, transform_indices = @transform_2, window_bounds = array<i64: 1, 1>}]} {
    %get3A = arith.constant 0 : index
    %get3A_0 = arith.constant 0 : index
    %get3A_1 = vector.load %arg1[%get3A, %get3A_0] : memref<32x100000xf32, #tpu.memory_space<vmem>>, vector<32x100000xf32>
    %reduce_sum3A = arith.constant dense<0.000000e+00> : vector<32xf32>
    %reduce_sum3A_2 = vector.multi_reduction <add>, %get3A_1, %reduce_sum3A [1] : vector<32x100000xf32> to vector<32xf32>
    %broadcast_in_dim3A = vector.shape_cast %reduce_sum3A_2 : vector<32xf32> to vector<32x1xf32>
    %get3A_3 = arith.constant 0 : index
    %get3A_4 = arith.constant 0 : index
    %get3A_5 = vector.load %arg1[%get3A_3, %get3A_4] : memref<32x100000xf32, #tpu.memory_space<vmem>>, vector<32x1xf32>
    %sub3A = arith.subf %get3A_5, %broadcast_in_dim3A : vector<32x1xf32>
    %mul3A = arith.constant 1.000020e-06 : f32
    %mul3A_6 = vector.broadcast %mul3A : f32 to vector<32x1xf32>
    %mul3A_7 = arith.mulf %mul3A_6, %sub3A : vector<32x1xf32>
    %add3A = arith.constant -1.47637355 : f32
    %add3A_8 = vector.broadcast %add3A : f32 to vector<32x1xf32>
    %add3A_9 = arith.addf %add3A_8, %mul3A_7 : vector<32x1xf32>
    %get3A_10 = arith.constant 0 : index
    %get3A_11 = arith.constant 0 : index
    %get3A_12 = vector.load %arg2[%get3A_10, %get3A_11] : memref<32x1xi32, #tpu.memory_space<vmem>>, vector<32x1xi32>
    %ne3A = arith.constant 0 : i32
    %ne3A_13 = vector.broadcast %ne3A : i32 to vector<32x1xi32>
    %ne3A_14 = arith.cmpi ne, %get3A_12, %ne3A_13 : vector<32x1xi32>
    %jit3A = arith.constant 0.000000e+00 : f32
    %broadcast_in_dim3A_15 = vector.broadcast %jit3A : f32 to vector<32x1xf32>
    %select_n3A = arith.select %ne3A_14, %add3A_9, %broadcast_in_dim3A_15 : vector<32x1xi1>, vector<32x1xf32>
    %reduce_sum3A_16 = vector.shape_cast %select_n3A : vector<32x1xf32> to vector<1x32x1xf32>
    %reduce_sum3A_17 = arith.constant dense<0.000000e+00> : vector<1xf32>
    %reduce_sum3A_18 = vector.multi_reduction <add>, %reduce_sum3A_16, %reduce_sum3A_17 [1, 2] : vector<1x32x1xf32> to vector<1xf32>
    %reduce_sum3A_19 = vector.shape_cast %reduce_sum3A_18 : vector<1xf32> to vector<1x1x1xf32>
    %reduce_sum3A_20 = vector.extract %reduce_sum3A_19[0, 0, 0] : f32 from vector<1x1x1xf32>
    %eq3A = arith.constant 0 : i32
    %eq3A_21 = arith.cmpi eq, %arg0, %eq3A : i32
    %convert_element_type3A = arith.extui %eq3A_21 : i1 to i32
    %cond3A = arith.constant 0 : i32
    %cond3A_22 = arith.cmpi ne, %convert_element_type3A, %cond3A : i32
    scf.if %cond3A_22 {
      %broadcast_in_dim3A_27 = vector.broadcast %reduce_sum3A_20 : f32 to vector<1x1xf32>
      %swap3A = arith.constant 0 : index
      %swap3A_28 = arith.constant 0 : index
      %swap3A_29 = vector.load %arg3[%swap3A, %swap3A_28] : memref<1x1xf32, #tpu.memory_space<vmem>>, vector<1x1xf32>
      tpu.vector_store %arg3[%swap3A, %swap3A_28], %broadcast_in_dim3A_27 {strides = array<i32>} : memref<1x1xf32, #tpu.memory_space<vmem>>, vector<1x1xf32>,
    } else {
    }
    %gt3A = arith.constant 0 : i32
    %gt3A_23 = arith.cmpi sgt, %arg0, %gt3A : i32
    %convert_element_type3A_24 = arith.extui %gt3A_23 : i1 to i32
    %cond3A_25 = arith.constant 0 : i32
    %cond3A_26 = arith.cmpi ne, %convert_element_type3A_24, %cond3A_25 : i32
    scf.if %cond3A_26 {
      %get3A_27 = arith.constant 0 : index
      %get3A_28 = arith.constant 0 : index
      %get3A_29 = vector.load %arg3[%get3A_27, %get3A_28] : memref<1x1xf32, #tpu.memory_space<vmem>>, vector<1x1xf32>
      %add3A_30 = vector.broadcast %reduce_sum3A_20 : f32 to vector<1x1xf32>
      %add3A_31 = arith.addf %get3A_29, %add3A_30 : vector<1x1xf32>
      %swap3A = arith.constant 0 : index
      %swap3A_32 = arith.constant 0 : index
      %swap3A_33 = vector.load %arg3[%swap3A, %swap3A_32] : memref<1x1xf32, #tpu.memory_space<vmem>>, vector<1x1xf32>
      tpu.vector_store %arg3[%swap3A, %swap3A_32], %add3A_31 {strides = array<i32>} : memref<1x1xf32, #tpu.memory_space<vmem>>, vector<1x1xf32>,
    } else {
    }
    return
  }
  func.func @transform_0(%arg0: i32) -> (i32, i32) {
    %c0_i32 = arith.constant 0 : i32
    %c0_i32_0 = arith.constant 0 : i32
    return %arg0, %c0_i32 : i32, i32
  }
  func.func @transform_1(%arg0: i32) -> (i32, i32) {
    %c0_i32 = arith.constant 0 : i32
    %c0_i32_0 = arith.constant 0 : i32
    return %arg0, %c0_i32 : i32, i32
  }
  func.func @transform_2(%arg0: i32) -> (i32, i32) {
    %c0_i32 = arith.constant 0 : i32
    %c0_i32_0 = arith.constant 0 : i32
    %c0_i32_1 = arith.constant 0 : i32
    return %c0_i32, %c0_i32_0 : i32, i32
  }
}

</mosaic_0001>

<sc_bundles>
// kernel: kernel.4.cloned.1.call-start
scs
__scs_entry_jumppad:
0x0: {  	(pc) =	sbr.rel $0x88, $3  }
0x1: {  	(tag) =	ssettag $0x0;
	lr =	simm.s32 $0x1  }
0x2: {  	[smem:$0x3F9F] =	sst lr;
	_ =	strace $0xD0000000  }
0x3: {  	_ = 	snop  }
0x4: {  	_ = 	snop  }
0x5: {  	_ = 	snop  }
0x6: {  	_ = 	snop  }
0x7: {  	_ = 	snop  }
__scs_overlays_trampoline_lowered:
0x8: {  	[smem:$0x3FAE] =	sst s0  }
0x9: {  	[smem:$0x3FAF] =	sst s1  }
0xa: {  	[smem:$0x3FB0] =	sst s2  }
0xb: {  	[smem:$0x3FB1] =	sst s3  }
0xc: {  	[smem:$0x3FB2] =	sst s4  }
0xd: {  	[smem:$0x3FB3] =	sst s5  }
0xe: {  	[smem:$0x3FB4] =	sst s6  }
0xf: {  	[smem:$0x3FB5] =	sst s7  }
0x10: {  	[smem:$0x3FB6] =	sst s8  }
0x11: {  	[smem:$0x3FB7] =	sst s9;
	s0 =	simm.s32 @!p0 $0x0  }
0x12: {  	s1 =	sld [smem:$0x3F9D];
	s0 =	simm.s32 @p0 $0x1  }
0x13: {  	[smem:$0x3FB8] =	sst s0;
	s0 =	simm.s32 @!p1 $0x0  }
0x14: {  	s2 =	sld [smem:$0x3F9C];
	s0 =	simm.s32 @p1 $0x1  }
0x15: {  	[smem:$0x3FB9] =	sst s0;
	s0 =	simm.s32 @!p2 $0x0  }
0x16: {  	s3 =	sld [smem:$0x3FDB];
	s0 =	simm.s32 @p2 $0x1  }
0x17: {  	s4 =	simm.s32 $0x1BF5;
	[smem:$0x3FBB] =	sst s0  }
0x18: {  	s0 =	sld [smem:$0x3F9E];
	_ =	swait.ge [sflag:s4], $0x0  }
0x19: {  	s7 =	sld [smem:$0x3F9F]  }
0x1a: {  	s8 =	sadd.s32 $0xFFFFE003, lr  }
0x1b: {  	s9 =	sadd.s32 $0xFFFFFEF7, lr;
	s5 =	simm.s32 $0xFFFFFFFF;
	p2 =	slt.u32 s8, $0xFFFFF086  }
0x1c: {  	p1 =	slt.u32 s9, $0xF7A;
	s5 =	simm.s32 @!p2 $0x0  }
0x1d: {  	s5 =	simm.s32 @p1 $0x1;
	p0 =	seq.s32 s7, s2  }
0x1e: {  	s7 =	smul.u32 @!p0 $0xF7A, s2;
	p2 =	seq.s32 @!p0 s5, $0x0  }
0x1f: {  	s9 =	smul.u32 $0xF7A, s1;
	s8 =	simm.s32 @!p0 $0x1BF5;
	p2 =	por !p2, p0  }
0x20: {  	[sflag:s8] =	ssyncset.s32 @!p0 $0xFFFFF086;
	s6 =	sadd.s32 @!p0 s3, s7;
	s7 =	simm.s32 @!p0 $0x108  }
0x21: {  	s3 =	sadd.s32 s3, s9;
	s6 =	sadd.s32 @!p0 $0x88, s6;
	s7 =	simm.s32 @p2 $0x1082  }
0x22: {  	[simem:s7], [sflag:s8] =	dma.local @!p0 [hbm:s6], $0xF7A  }
0x23: {  	s9 =	sor.u32 $0xD0000000, s2;
	s6 =	simm.s32 $0x108;
	_ =	swait.ge @!p0 [sflag:s8], $0x0  }
0x24: {  	s3 =	sadd.s32 $0x88, s3;
	s6 =	simm.s32 @!p1 $0x1082;
	[sflag:s4] =	ssyncset.s32 $0xFFFFF086  }
0x25: {  	[simem:s6], [sflag:s4] =	dma.local [hbm:s3], $0xF7A  }
0x26: {  	[smem:$0x3F9F] =	sst s1;
	(tag) =	ssettag s2;
	_ =	strace s9  }
0x27: {  	s1 =	sld [smem:$0x3FAF]  }
0x28: {  	s2 =	sld [smem:$0x3FB0]  }
0x29: {  	s4 =	sld [smem:$0x3FB2]  }
0x2a: {  	p0 =	seq.s32 s5, $0x0;
	s5 =	sld [smem:$0x3FB3]  }
0x2b: {  	s6 =	sld [smem:$0x3FB4]  }
0x2c: {  	s7 =	sld [smem:$0x3FB5]  }
0x2d: {  	s3 =	simm.s32 $0x108;
	s8 =	sld [smem:$0x3FB6]  }
0x2e: {  	s3 =	simm.s32 @!p0 $0x1082;
	s9 =	sld [smem:$0x3FB7]  }
0x2f: {  	lr =	sadd.s32 s0, s3;
	s0 =	sld [smem:$0x3FAE]  }
0x30: {  	s3 =	sld [smem:$0x3FB1]  }
0x31: {  	[smem:$0x3FBA] =	sst s10  }
0x32: {  	s10 =	sld [smem:$0x3FB8];
	_ =	sdelay $0x3  }
0x33: {  	p0 =	seq.s32 s10, $0x1;
	s10 =	sld [smem:$0x3FBA];
	_ =	sdelay $0x3  }
0x34: {  	[smem:$0x3FBA] =	sst s10  }
0x35: {  	s10 =	sld [smem:$0x3FB9];
	_ =	sdelay $0x3  }
0x36: {  	p1 =	seq.s32 s10, $0x1;
	s10 =	sld [smem:$0x3FBA];
	_ =	sdelay $0x3  }
0x37: {  	[smem:$0x3FBA] =	sst s10  }
0x38: {  	s10 =	sld [smem:$0x3FBB]  }
0x39: {  	_ = 	snop;
	(pc) =	sbr.ind lr, $3  }
0x3a: {  	_ = 	snop  }
0x3b: {  	_ = 	snop  }
0x3c: {  	p2 =	seq.s32 s10, $0x1;
	s10 =	sld [smem:$0x3FBA]  }
0x3d: {  	_ =	shalt  }
0x3e: {  	_ =	shalt  }
0x3f: {  	_ =	shalt  }
0x40: {  	_ =	shalt  }
0x41: {  	_ =	shalt  }
0x42: {  	_ =	shalt  }
0x43: {  	_ =	shalt  }
0x44: {  	_ =	shalt  }
0x45: {  	_ =	shalt  }
0x46: {  	_ =	shalt  }
0x47: {  	_ =	shalt  }
0x48: {  	_ =	shalt  }
0x49: {  	_ =	shalt  }
0x4a: {  	_ =	shalt  }
0x4b: {  	_ =	shalt  }
0x4c: {  	_ =	shalt  }
0x4d: {  	_ =	shalt  }
0x4e: {  	_ =	shalt  }
0x4f: {  	_ =	shalt  }
0x50: {  	_ =	shalt  }
0x51: {  	_ =	shalt  }
0x52: {  	_ =	shalt  }
0x53: {  	_ =	shalt  }
0x54: {  	_ =	shalt  }
0x55: {  	_ =	shalt  }
0x56: {  	_ =	shalt  }
0x57: {  	_ =	shalt  }
0x58: {  	_ =	shalt  }
0x59: {  	_ =	shalt  }
0x5a: {  	_ =	shalt  }
0x5b: {  	_ =	shalt  }
0x5c: {  	_ =	shalt  }
0x5d: {  	_ =	shalt  }
0x5e: {  	_ =	shalt  }
0x5f: {  	_ =	shalt  }
0x60: {  	_ =	shalt  }
0x61: {  	_ =	shalt  }
0x62: {  	_ =	shalt  }
0x63: {  	_ =	shalt  }
0x64: {  	_ =	shalt  }
0x65: {  	_ =	shalt  }
0x66: {  	_ =	shalt  }
0x67: {  	_ =	shalt  }
0x68: {  	_ =	shalt  }
0x69: {  	_ =	shalt  }
0x6a: {  	_ =	shalt  }
0x6b: {  	_ =	shalt  }
0x6c: {  	_ =	shalt  }
0x6d: {  	_ =	shalt  }
0x6e: {  	_ =	shalt  }
0x6f: {  	_ =	shalt  }
0x70: {  	_ =	shalt  }
0x71: {  	_ =	shalt  }
0x72: {  	_ =	shalt  }
0x73: {  	_ =	shalt  }
0x74: {  	_ =	shalt  }
0x75: {  	_ =	shalt  }
0x76: {  	_ =	shalt  }
0x77: {  	_ =	shalt  }
0x78: {  	_ =	shalt  }
0x79: {  	_ =	shalt  }
0x7a: {  	_ =	shalt  }
0x7b: {  	_ =	shalt  }
0x7c: {  	_ =	shalt  }
0x7d: {  	_ =	shalt  }
0x7e: {  	_ =	shalt  }
0x7f: {  	_ =	shalt  }
0x80: {  	_ =	shalt  }
0x81: {  	_ =	shalt  }
0x82: {  	_ =	shalt  }
0x83: {  	_ =	shalt  }
0x84: {  	_ =	shalt  }
0x85: {  	_ =	shalt  }
0x86: {  	_ =	shalt  }
0x87: {  	_ =	shalt  }
.Lfunc_end0:
.L_simem_size_0:
called_computation_lowered:
.L_overlay_start_0:
0x88: {  	s2 =	sld [smem:$0x3FD9]  }
0x89: {  	s3 =	sld [smem:$0x3FFE];
	_ =	sdelay $0x1  }
0x8a: {  	s1 =	srdreg.scid  }
0x8b: {  	s0 =	sand.u32 $0x1, s1  }
0x8c: {  	s17 =	sshll.u32 s0, $0xA;
	s2 =	sadd.s32 s3, s2  }
0x8d: {  	s2 =	sadd.s32 s2, s17  }
0x8e: {  	[smem:$0x3FC6] =	sst s2  }
0x8f: {  	_ = 	snop  }
0x90: {  	s2 =	sld [smem:$0x3FC8];
	(tm) =	ssettm $0x1  }
0x91: {  	s18 =	sld [smem:$0x3FFB];
	_ =	sdelay $0x3  }
0x92: {  	_ =	strace s18  }
0x93: {  	s3 =	sld [smem:$0x3FFC];
	_ =	sdelay $0x3  }
0x94: {  	_ =	strace s3  }
0x95: {  	s3 =	sld [smem:$0x3FFD];
	_ =	sdelay $0x3  }
0x96: {  	_ =	strace s3  }
0x97: {  	_ =	strace $0x8FFFFFFF  }
0x98: {  	s19 =	sld [smem:$0x3FDB];
	_ =	sdelay $0x1  }
0x99: {  	s4 =	simm.s32 $_scs_section_size  }
0x9a: {  	s5 =	simm.s32 $_size__tile_overlayer_lowered;
	s6 =	simm.s32 $_tile_overlayer_lowered  }
0x9b: {  	s22 =	simm.s32 $0x1BFF;
	s21 =	sshll.u32 s6, $0x1;
	s3 =	sadd.s32 s4, s19  }
0x9c: {  	s7 =	simm.s32 $0x0;
	s20 =	sshll.u32 s5, $0x1;
	s5 =	sadd.s32 s21, s3  }
0x9d: {  	[timem:s7], [sflag:s22] =	dma.local [hbm:s5], s20  }
0x9e: {  	_ =	swait.ge [sflag:s22], s20  }
0x9f: {  	s4 =	ssub.s32 $0x0, s20;
	[sflag:s22] =	ssyncset.done $0x0  }
0xa0: {  	[sflag:s22] =	ssyncadd.s32 s4;
	_ =	sdelay $0x1  }
0xa1: {  	s23 =	simm.s32 $0x1B8B  }
0xa2: {  	_ =	swait.ge [sflag:s23], $0x1  }
0xa3: {  	[sflag:s23] =	ssyncset.done $0x0  }
0xa4: {  	s25 =	simm.s32 $0x1B8E;
	s24 =	sld [smem:$0x3FFE];
	[sflag:s23] =	ssyncadd.s32 $0xFFFFFFFF  }
0xa5: {  	s26 =	simm.s32 $execute0_lowered;
	[smem:$0x3FD2] =	sst s25  }
0xa6: {  	s5 =	sshll.u32 s26, $0x1;
	_ =	strace $0x80000046;
	[dreg:$0x1] =	wrdreg $0xFFFFFFFF  }
0xa7: {  	s28 =	simm.s32 $_size_execute0_lowered;
	s3 =	sadd.s32 s3, s5;
	[dreg:$0x0] =	wrdreg $0x0  }
0xa8: {  	s5 =	sshll.u32 s28, $0x1;
	[dreg:$0x2] =	wrdreg s3  }
0xa9: {  	[dreg:$0x3] =	wrdreg s5  }
0xaa: {  	[dreg:$0x4] =	wrdreg $0xC0  }
0xab: {  	_ =	task [dreg:s7], $0x5FFFF  }
0xac: {  	[dreg:$0x1] =	wrdreg $0xFFFFFFFF  }
0xad: {  	[dreg:$0x0] =	wrdreg $0x60  }
0xae: {  	[dreg:$0x2] =	wrdreg s24  }
0xaf: {  	[dreg:$0x3] =	wrdreg s2  }
0xb0: {  	[dreg:$0x4] =	wrdreg $0x9  }
0xb1: {  	_ =	task.clear_ibuf [dreg:s7], $0x5FFFF;
	_ =	strace $0x90000046  }
0xb2: {  	s29 =	simm.s32 $0x9;
	_ =	strace $0x80000048  }
0xb3: {  	_ =	swait.ge [sflag:s29], $0x1  }
0xb4: {  	[sflag:s29] =	ssyncadd.s32 $0xFFFFFFFF  }
0xb5: {  	_ =	strace $0x90000048  }
0xb6: {  	_ =	sfence  }
0xb7: {  	s30 =	sld [smem:$0x0];
	_ =	sdelay $0x2  }
0xb8: {  	s31 =	sshll.u32 s1, $0xD;
	s1 =	sshrl.u32 s1, $0x2  }
0xb9: {  	s3 =	sand.u32 $0x4000, s31;
	s1 =	sadd.s32 s1, s30  }
0xba: {  	s0 =	sor.u32 s3, s0;
	s1 =	sshll.u32 s1, $0x11  }
0xbb: {  	s0 =	sor.u32 s1, s0  }
0xbc: {  	s0 =	sadd.s32 $0x8F2B, s0  }
0xbd: {  	[sflag:s0] =	ssyncadd.remote.s32 $0x1  }
0xbe: {  	_ =	sfence.sel $0xFFFF  }
0xbf: {  	[dreg:$0x0] =	wrdreg $0xFFFFFFFF;
	(pc) =	sbr.abs _section_cstart, $3  }
0xc0: {  	[dreg:$0x1] =	wrdreg $0xFFFFFFFF  }
0xc1: {  	_ =	task.clear_ibuf [dreg:s7], $0x2FFFF;
	_ =	strace $0x9FFFFFFF  }
0xc2: {  	(tm) =	ssettm $0x7FFFFFFF  }
0xc3: {  	_ =	shalt  }
tec
execute0_lowered:
.L_overlay_start_1:
0x0: {  	(tag) =	ssettag $0x1  }
0x1: {  	s0 =	rddreg [dreg:$0x0]  }
0x2: {  	s1 =	rddreg [dreg:$0x1];
	s2 =	simm.s32 $0x0  }
0x3: {  	[smem:$0x7FF] =	sst s2;
	s5 =	sadd.s32 $0x200, s0  }
0x4: {  	s20 =	sadd.s32 $0x210, s0;
	_ =	strace $0x80000047;
	[dreg:$0x6] =	wrdreg s5  }
0x5: {  	s21 =	sadd.s32 $0x220, s0;
	[dreg:$0x8] =	wrdreg s20  }
0x6: {  	s3 =	srdreg.scid;
	s22 =	sadd.s32 $0x230, s0;
	[dreg:$0x9] =	wrdreg s21  }
0x7: {  	s4 =	stileid.u32;
	s23 =	sadd.s32 $0x240, s0;
	[dreg:$0xa] =	wrdreg s22  }
0x8: {  	s3 =	sand.u32 $0x1, s3;
	s24 =	sadd.s32 $0x250, s0;
	[dreg:$0xb] =	wrdreg s23  }
0x9: {  	s4 =	sshll.u32 s4, $0x1;
	s25 =	sadd.s32 $0x260, s0;
	[dreg:$0xc] =	wrdreg s24  }
0xa: {  	s31 =	simm.s32 $0x100;
	s4 =	sor.u32 s3, s4;
	[dreg:$0xd] =	wrdreg s25  }
0xb: {  	[dreg:$0x5] =	wrdreg s31;
	s19 =	sshll.u32 s4, $0x1  }
0xc: {  	s7 =	sshll.u32 s4, $0x2;
	s5 =	sadd.s32 s19, s0;
	s0 =	sadd.s32 $0x270, s0  }
0xd: {  	s4 =	smul.u32 $0x30E000, s4;
	s1 =	sadd.s32 s1, s7;
	[dreg:$0xe] =	wrdreg s0  }
0xe: {  	[dreg:$0x3] =	wrdreg s1  }
0xf: {  	s16 =	simm.s32 $0x1;
	s26 =	sadd.s32 $0xC3800, s4;
	[dreg:$0x7] =	wrdreg s4  }
0x10: {  	s3 =	ssub.s32 $0x2, s3;
	s28 =	sadd.s32 $0x187000, s4;
	[dreg:$0xf] =	wrdreg s26  }
0x11: {  	s6 =	sshrl.u32 s3, $0x1;
	s29 =	sadd.s32 $0x24A800, s4;
	[dreg:$0x10] =	wrdreg s28  }
0x12: {  	s3 =	ssub.s32 s3, s6;
	s30 =	sadd.s32 $0xC38200, s5;
	[dreg:$0x11] =	wrdreg s29  }
0x13: {  	v0 =	vlaneseq.u32;
	s23 =	simm.s32 $0x0;
	s1 =	smax.u32 s3, $0x1;
	[dreg:$0x4] =	wrdreg s30  }
.LBB2_1:
0x14: {  	[dreg:$0x12] =	wrdreg s1  }
0x15: {  	s0 =	rddreg [dreg:$0x3]  }
0x16: {  	[tilespmem:s23], [sflag:$0x1] =	stream.linear.gather [hbm4b:s0+s23], $0x20, $0x38;
	[tilespmem:$0x180] =	vst v63  }
0x17: {  	_ =	swait.ge [sflag:s16], $0x20  }
0x18: {  	[sflag:s16] =	ssyncset.done $0x0  }
0x19: {  	[sflag:s16] =	ssyncadd.s32 $0xFFFFFFE0  }
0x1a: {  	v1 =	vld [tilespmem:$0x0];
	_ =	sdelay $0x4  }
0x1b: {  	(v2sf) =	vpush v1, $0x0;
	_ =	sdelay $0xe  }
0x1c: {  	s28 =	spop (v2sf)  }
0x1d: {  	s25 =	sand.u32 $0xF, s28  }
0x1e: {  	s26 =	sshra.s32 s28, $0x1F;
	p0 =	slt.s32 s28, $0x1;
	p1 =	sne.s32 s25, $0x0  }
0x1f: {  	s29 =	sshrl.u32 s26, $0x1C;
	p0 =	por !p0, !p1  }
0x20: {  	s1 =	simm.s32 $0x1;
	s0 =	sadd.s32 s29, s28;
	p0 =	por !p0, !p0  }
0x21: {  	s0 =	sshra.s32 s0, $0x4;
	s1 =	simm.s32 @!p0 $0x0  }
0x22: {  	s0 =	ssub.s32 s0, s1  }
0x23: {  	s1 =	sshll.u32 s0, $0x7  }
0x24: {  	s3 =	rddreg [dreg:$0x7];
	s29 =	sshll.u32 s0, $0x4;
	s1 =	sand.u32 $0xFFFFFC00, s1  }
0x25: {  	s31 =	sand.u32 $0x70, s29;
	s30 =	sadd.s32 s3, s1  }
0x26: {  	s0 =	sor.u32 s31, s30  }
0x27: {  	s14 =	rddreg [dreg:$0x6];
	s0 =	sshrl.u32 s0, $0x3  }
0x28: {  	s2 =	simm.s32 $0x80;
	s0 =	sadd.s32 s14, s0  }
0x29: {  	[tilespmem:s2], [sflag:$0x1] =	stream.linear.gather [hbm4b:s0+s23], $0x10, $0x38;
	[tilespmem:$0x180] =	vst v63  }
0x2a: {  	_ =	swait.ge [sflag:s16], $0x10  }
0x2b: {  	[sflag:s16] =	ssyncset.done $0x0  }
0x2c: {  	[sflag:s16] =	ssyncadd.s32 $0xFFFFFFF0  }
0x2d: {  	v1 =	vld [tilespmem:$0x0];
	_ =	sdelay $0x4  }
0x2e: {  	(v2sf) =	vpush v1, $0x1;
	_ =	sdelay $0xe  }
0x2f: {  	s4 =	spop (v2sf)  }
0x30: {  	s1 =	sand.u32 $0xF, s4  }
0x31: {  	s5 =	sshra.s32 s4, $0x1F;
	p5 =	slt.s32 s4, $0x1;
	p6 =	sne.s32 s1, $0x0  }
0x32: {  	s6 =	sshrl.u32 s5, $0x1C;
	p0 =	por !p5, !p6  }
0x33: {  	s1 =	simm.s32 $0x1;
	s0 =	sadd.s32 s6, s4;
	p0 =	por !p0, !p0  }
0x34: {  	s0 =	sshra.s32 s0, $0x4;
	s1 =	simm.s32 @!p0 $0x0  }
0x35: {  	s0 =	ssub.s32 s0, s1  }
0x36: {  	s1 =	sshll.u32 s0, $0x7  }
0x37: {  	s7 =	sshll.u32 s0, $0x4;
	s1 =	sand.u32 $0xFFFFFC00, s1  }
0x38: {  	s9 =	sand.u32 $0x70, s7;
	s8 =	sadd.s32 s3, s1  }
0x39: {  	s17 =	rddreg [dreg:$0x8];
	s0 =	sor.u32 s9, s8  }
0x3a: {  	[dreg:$0x13] =	wrdreg s4;
	s0 =	sshrl.u32 s0, $0x3  }
0x3b: {  	[dreg:$0x14] =	wrdreg s7;
	s0 =	sadd.s32 s0, s17  }
0x3c: {  	v1 =	vld [tilespmem:$0x80];
	[tilespmem:s2], [sflag:$0x1] =	stream.linear.gather [hbm4b:s0+s23], $0x10, $0x38  }
0x3d: {  	_ =	swait.ge [sflag:s16], $0x10  }
0x3e: {  	[sflag:s16] =	ssyncset.done $0x0  }
0x3f: {  	[sflag:s16] =	ssyncadd.s32 $0xFFFFFFF0  }
0x40: {  	v2 =	vld [tilespmem:$0x0];
	_ =	sdelay $0x4  }
0x41: {  	(v2sf) =	vpush v2, $0x2;
	_ =	sdelay $0xe  }
0x42: {  	s31 =	spop (v2sf)  }
0x43: {  	s10 =	sand.u32 $0xF, s31  }
0x44: {  	s11 =	sshra.s32 s31, $0x1F;
	p1 =	slt.s32 s31, $0x1;
	p2 =	sne.s32 s10, $0x0  }
0x45: {  	s12 =	sshrl.u32 s11, $0x1C;
	p0 =	por !p1, !p2  }
0x46: {  	s1 =	simm.s32 $0x1;
	s0 =	sadd.s32 s12, s31;
	p0 =	por !p0, !p0  }
0x47: {  	s0 =	sshra.s32 s0, $0x4;
	s1 =	simm.s32 @!p0 $0x0  }
0x48: {  	s0 =	ssub.s32 s0, s1  }
0x49: {  	s1 =	sshll.u32 s0, $0x7  }
0x4a: {  	s13 =	sshll.u32 s0, $0x4;
	s1 =	sand.u32 $0xFFFFFC00, s1  }
0x4b: {  	s18 =	sand.u32 $0x70, s13;
	s15 =	sadd.s32 s3, s1  }
0x4c: {  	s0 =	sor.u32 s18, s15  }
0x4d: {  	s18 =	rddreg [dreg:$0x9];
	s0 =	sshrl.u32 s0, $0x3  }
0x4e: {  	[dreg:$0x17] =	wrdreg s13;
	s0 =	sadd.s32 s0, s18  }
0x4f: {  	v2 =	vld [tilespmem:$0x80];
	[tilespmem:s2], [sflag:$0x1] =	stream.linear.gather [hbm4b:s0+s23], $0x10, $0x38  }
0x50: {  	_ =	swait.ge [sflag:s16], $0x10  }
0x51: {  	[sflag:s16] =	ssyncset.done $0x0  }
0x52: {  	[sflag:s16] =	ssyncadd.s32 $0xFFFFFFF0  }
0x53: {  	v3 =	vld [tilespmem:$0x0];
	_ =	sdelay $0x4  }
0x54: {  	(v2sf) =	vpush v3, $0x3;
	_ =	sdelay $0xe  }
0x55: {  	s19 =	spop (v2sf)  }
0x56: {  	s20 =	sand.u32 $0xF, s19  }
0x57: {  	s21 =	sshra.s32 s19, $0x1F;
	p3 =	slt.s32 s19, $0x1;
	p4 =	sne.s32 s20, $0x0  }
0x58: {  	s22 =	sshrl.u32 s21, $0x1C;
	p0 =	por !p3, !p4  }
0x59: {  	s1 =	simm.s32 $0x1;
	s0 =	sadd.s32 s22, s19;
	p0 =	por !p0, !p0  }
0x5a: {  	s0 =	sshra.s32 s0, $0x4;
	s1 =	simm.s32 @!p0 $0x0  }
0x5b: {  	s0 =	ssub.s32 s0, s1  }
0x5c: {  	s1 =	sshll.u32 s0, $0x7  }
0x5d: {  	s24 =	sshll.u32 s0, $0x4;
	s1 =	sand.u32 $0xFFFFFC00, s1  }
0x5e: {  	s26 =	sand.u32 $0x70, s24;
	s25 =	sadd.s32 s3, s1  }
0x5f: {  	[dreg:$0x15] =	wrdreg s19;
	s0 =	sor.u32 s26, s25  }
0x60: {  	s19 =	rddreg [dreg:$0xa];
	s0 =	sshrl.u32 s0, $0x3  }
0x61: {  	[dreg:$0x16] =	wrdreg s24;
	s0 =	sadd.s32 s0, s19  }
0x62: {  	v3 =	vld [tilespmem:$0x80];
	[tilespmem:s2], [sflag:$0x1] =	stream.linear.gather [hbm4b:s0+s23], $0x10, $0x38  }
0x63: {  	_ =	swait.ge [sflag:s16], $0x10  }
0x64: {  	[sflag:s16] =	ssyncset.done $0x0  }
0x65: {  	[sflag:s16] =	ssyncadd.s32 $0xFFFFFFF0  }
0x66: {  	v4 =	vld [tilespmem:$0x0];
	_ =	sdelay $0x4  }
0x67: {  	(v2sf) =	vpush v4, $0x4;
	_ =	sdelay $0xe  }
0x68: {  	s30 =	spop (v2sf)  }
0x69: {  	s5 =	sand.u32 $0xF, s30  }
0x6a: {  	s6 =	sshra.s32 s30, $0x1F;
	p5 =	slt.s32 s30, $0x1;
	p6 =	sne.s32 s5, $0x0  }
0x6b: {  	s7 =	sshrl.u32 s6, $0x1C;
	p0 =	por !p5, !p6  }
0x6c: {  	s1 =	simm.s32 $0x1;
	s0 =	sadd.s32 s7, s30;
	p0 =	por !p0, !p0  }
0x6d: {  	s0 =	sshra.s32 s0, $0x4;
	s1 =	simm.s32 @!p0 $0x0  }
0x6e: {  	s0 =	ssub.s32 s0, s1  }
0x6f: {  	s1 =	sshll.u32 s0, $0x7  }
0x70: {  	s8 =	sshll.u32 s0, $0x4;
	s1 =	sand.u32 $0xFFFFFC00, s1  }
0x71: {  	s10 =	sand.u32 $0x70, s8;
	s9 =	sadd.s32 s3, s1  }
0x72: {  	s21 =	rddreg [dreg:$0xb];
	s0 =	sor.u32 s10, s9  }
0x73: {  	[dreg:$0x18] =	wrdreg s30;
	s0 =	sshrl.u32 s0, $0x3  }
0x74: {  	[dreg:$0x19] =	wrdreg s8;
	s0 =	sadd.s32 s0, s21  }
0x75: {  	v47 =	vld [tilespmem:$0x80];
	[tilespmem:s2], [sflag:$0x1] =	stream.linear.gather [hbm4b:s0+s23], $0x10, $0x38  }
0x76: {  	_ =	swait.ge [sflag:s16], $0x10  }
0x77: {  	[sflag:s16] =	ssyncset.done $0x0  }
0x78: {  	[sflag:s16] =	ssyncadd.s32 $0xFFFFFFF0  }
0x79: {  	v5 =	vld [tilespmem:$0x0];
	_ =	sdelay $0x4  }
0x7a: {  	(v2sf) =	vpush v5, $0x5;
	_ =	sdelay $0xe  }
0x7b: {  	s11 =	spop (v2sf)  }
0x7c: {  	s12 =	sand.u32 $0xF, s11  }
0x7d: {  	s13 =	sshra.s32 s11, $0x1F;
	p1 =	slt.s32 s11, $0x1;
	p2 =	sne.s32 s12, $0x0  }
0x7e: {  	s15 =	sshrl.u32 s13, $0x1C;
	p0 =	por !p1, !p2  }
0x7f: {  	s1 =	simm.s32 $0x1;
	s0 =	sadd.s32 s15, s11;
	p0 =	por !p0, !p0  }
0x80: {  	s0 =	sshra.s32 s0, $0x4;
	s1 =	simm.s32 @!p0 $0x0  }
0x81: {  	s0 =	ssub.s32 s0, s1  }
0x82: {  	s1 =	sshll.u32 s0, $0x7  }
0x83: {  	s20 =	sshll.u32 s0, $0x4;
	s1 =	sand.u32 $0xFFFFFC00, s1  }
0x84: {  	s24 =	sand.u32 $0x70, s20;
	s22 =	sadd.s32 s3, s1  }
0x85: {  	[dreg:$0x1c] =	wrdreg s11;
	s0 =	sor.u32 s24, s22  }
0x86: {  	s22 =	rddreg [dreg:$0xc];
	s0 =	sshrl.u32 s0, $0x3  }
0x87: {  	[dreg:$0x1d] =	wrdreg s20;
	s0 =	sadd.s32 s0, s22  }
0x88: {  	v48 =	vld [tilespmem:$0x80];
	[tilespmem:s2], [sflag:$0x1] =	stream.linear.gather [hbm4b:s0+s23], $0x10, $0x38  }
0x89: {  	_ =	swait.ge [sflag:s16], $0x10  }
0x8a: {  	[sflag:s16] =	ssyncset.done $0x0  }
0x8b: {  	[sflag:s16] =	ssyncadd.s32 $0xFFFFFFF0  }
0x8c: {  	v6 =	vld [tilespmem:$0x0];
	_ =	sdelay $0x4  }
0x8d: {  	(v2sf) =	vpush v6, $0x6;
	_ =	sdelay $0xe  }
0x8e: {  	s25 =	spop (v2sf)  }
0x8f: {  	s26 =	sand.u32 $0xF, s25  }
0x90: {  	s30 =	sshra.s32 s25, $0x1F;
	p3 =	slt.s32 s25, $0x1;
	p4 =	sne.s32 s26, $0x0  }
0x91: {  	s1 =	sshrl.u32 s30, $0x1C;
	p0 =	por !p3, !p4  }
0x92: {  	s0 =	sadd.s32 s1, s25;
	s1 =	simm.s32 $0x1;
	p0 =	por !p0, !p0  }
0x93: {  	s0 =	sshra.s32 s0, $0x4;
	s1 =	simm.s32 @!p0 $0x0  }
0x94: {  	s0 =	ssub.s32 s0, s1  }
0x95: {  	s1 =	sshll.u32 s0, $0x7  }
0x96: {  	s5 =	sshll.u32 s0, $0x4;
	s1 =	sand.u32 $0xFFFFFC00, s1  }
0x97: {  	s7 =	sand.u32 $0x70, s5;
	s6 =	sadd.s32 s3, s1  }
0x98: {  	s8 =	rddreg [dreg:$0xd];
	s0 =	sor.u32 s7, s6  }
0x99: {  	[dreg:$0x1a] =	wrdreg s25;
	s0 =	sshrl.u32 s0, $0x3  }
0x9a: {  	[dreg:$0x1b] =	wrdreg s5;
	s0 =	sadd.s32 s0, s8  }
0x9b: {  	v49 =	vld [tilespmem:$0x80];
	[tilespmem:s2], [sflag:$0x1] =	stream.linear.gather [hbm4b:s0+s23], $0x10, $0x38  }
0x9c: {  	_ =	swait.ge [sflag:s16], $0x10  }
0x9d: {  	[sflag:s16] =	ssyncset.done $0x0  }
0x9e: {  	[sflag:s16] =	ssyncadd.s32 $0xFFFFFFF0  }
0x9f: {  	v7 =	vld [tilespmem:$0x0];
	_ =	sdelay $0x4  }
0xa0: {  	(v2sf) =	vpush v7, $0x7;
	_ =	sdelay $0xe  }
0xa1: {  	s9 =	spop (v2sf)  }
0xa2: {  	s11 =	sand.u32 $0xF, s9  }
0xa3: {  	s12 =	sshra.s32 s9, $0x1F;
	p5 =	slt.s32 s9, $0x1;
	p6 =	sne.s32 s11, $0x0  }
0xa4: {  	s13 =	sshrl.u32 s12, $0x1C;
	p0 =	por !p5, !p6  }
0xa5: {  	s1 =	simm.s32 $0x1;
	s0 =	sadd.s32 s13, s9;
	p0 =	por !p0, !p0  }
0xa6: {  	s0 =	sshra.s32 s0, $0x4;
	s1 =	simm.s32 @!p0 $0x0  }
0xa7: {  	s0 =	ssub.s32 s0, s1  }
0xa8: {  	s1 =	sshll.u32 s0, $0x7  }
0xa9: {  	s15 =	sshll.u32 s0, $0x4;
	s1 =	sand.u32 $0xFFFFFC00, s1  }
0xaa: {  	s24 =	sand.u32 $0x70, s15;
	s20 =	sadd.s32 s3, s1  }
0xab: {  	s25 =	rddreg [dreg:$0xe];
	s0 =	sor.u32 s24, s20  }
0xac: {  	[dreg:$0x1e] =	wrdreg s9;
	s0 =	sshrl.u32 s0, $0x3  }
0xad: {  	[dreg:$0x1f] =	wrdreg s15;
	s0 =	sadd.s32 s0, s25  }
0xae: {  	v7 =	vld [tilespmem:$0x80];
	[tilespmem:s2], [sflag:$0x1] =	stream.linear.gather [hbm4b:s0+s23], $0x10, $0x38  }
0xaf: {  	_ =	swait.ge [sflag:s16], $0x10  }
0xb0: {  	[sflag:s16] =	ssyncset.done $0x0  }
0xb1: {  	[sflag:s16] =	ssyncadd.s32 $0xFFFFFFF0  }
0xb2: {  	v8 =	vld [tilespmem:$0x0];
	_ =	sdelay $0x4  }
0xb3: {  	(v2sf) =	vpush v8, $0x8;
	_ =	sdelay $0xe  }
0xb4: {  	s5 =	spop (v2sf)  }
0xb5: {  	s26 =	sand.u32 $0xF, s5  }
0xb6: {  	s30 =	sshra.s32 s5, $0x1F;
	p1 =	slt.s32 s5, $0x1;
	p2 =	sne.s32 s26, $0x0  }
0xb7: {  	s3 =	sshrl.u32 s30, $0x1C;
	p0 =	por !p1, !p2  }
0xb8: {  	s1 =	simm.s32 $0x1;
	s0 =	sadd.s32 s3, s5;
	p0 =	por !p0, !p0  }
0xb9: {  	s0 =	sshra.s32 s0, $0x4;
	s1 =	simm.s32 @!p0 $0x0  }
0xba: {  	s0 =	ssub.s32 s0, s1  }
0xbb: {  	s1 =	sshll.u32 s0, $0x7  }
0xbc: {  	s6 =	rddreg [dreg:$0xf];
	s4 =	sshll.u32 s0, $0x4;
	s1 =	sand.u32 $0xFFFFFC00, s1  }
0xbd: {  	s9 =	sand.u32 $0x70, s4;
	s7 =	sadd.s32 s6, s1  }
0xbe: {  	s0 =	sor.u32 s9, s7  }
0xbf: {  	s0 =	sshrl.u32 s0, $0x3  }
0xc0: {  	[smem:$0x7E6] =	sst s4;
	s0 =	sadd.s32 s14, s0  }
0xc1: {  	v8 =	vld [tilespmem:$0x80];
	[tilespmem:s2], [sflag:$0x1] =	stream.linear.gather [hbm4b:s0+s23], $0x10, $0x38  }
0xc2: {  	_ =	swait.ge [sflag:s16], $0x10  }
0xc3: {  	[sflag:s16] =	ssyncset.done $0x0  }
0xc4: {  	[sflag:s16] =	ssyncadd.s32 $0xFFFFFFF0  }
0xc5: {  	v9 =	vld [tilespmem:$0x0];
	_ =	sdelay $0x4  }
0xc6: {  	(v2sf) =	vpush v9, $0x9;
	_ =	sdelay $0xe  }
0xc7: {  	s1 =	spop (v2sf)  }
0xc8: {  	s11 =	sand.u32 $0xF, s1  }
0xc9: {  	s12 =	sshra.s32 s1, $0x1F;
	p3 =	slt.s32 s1, $0x1;
	p4 =	sne.s32 s11, $0x0  }
0xca: {  	s13 =	sshrl.u32 s12, $0x1C;
	p0 =	por !p3, !p4  }
0xcb: {  	s3 =	simm.s32 $0x1;
	s0 =	sadd.s32 s13, s1;
	p0 =	por !p0, !p0  }
0xcc: {  	s0 =	sshra.s32 s0, $0x4;
	s3 =	simm.s32 @!p0 $0x0  }
0xcd: {  	s0 =	ssub.s32 s0, s3  }
0xce: {  	s3 =	sshll.u32 s0, $0x7  }
0xcf: {  	s15 =	sshll.u32 s0, $0x4;
	s3 =	sand.u32 $0xFFFFFC00, s3  }
0xd0: {  	s24 =	sand.u32 $0x70, s15;
	s20 =	sadd.s32 s6, s3  }
0xd1: {  	s0 =	sor.u32 s24, s20  }
0xd2: {  	s0 =	sshrl.u32 s0, $0x3  }
0xd3: {  	[smem:$0x7E7] =	sst s15;
	s0 =	sadd.s32 s0, s17  }
0xd4: {  	v9 =	vld [tilespmem:$0x80];
	[tilespmem:s2], [sflag:$0x1] =	stream.linear.gather [hbm4b:s0+s23], $0x10, $0x38  }
0xd5: {  	_ =	swait.ge [sflag:s16], $0x10  }
0xd6: {  	[sflag:s16] =	ssyncset.done $0x0  }
0xd7: {  	[sflag:s16] =	ssyncadd.s32 $0xFFFFFFF0  }
0xd8: {  	v10 =	vld [tilespmem:$0x0];
	_ =	sdelay $0x4  }
0xd9: {  	(v2sf) =	vpush v10, $0xA;
	_ =	sdelay $0xe  }
0xda: {  	s7 =	spop (v2sf)  }
0xdb: {  	s10 =	smov.u32 s8;
	s8 =	smov.u32 s25;
	s25 =	sand.u32 $0xF, s7  }
0xdc: {  	s26 =	sshra.s32 s7, $0x1F;
	p5 =	slt.s32 s7, $0x1;
	p6 =	sne.s32 s25, $0x0  }
0xdd: {  	s30 =	sshrl.u32 s26, $0x1C;
	p0 =	por !p5, !p6  }
0xde: {  	s3 =	simm.s32 $0x1;
	s0 =	sadd.s32 s30, s7;
	p0 =	por !p0, !p0  }
0xdf: {  	s0 =	sshra.s32 s0, $0x4;
	s3 =	simm.s32 @!p0 $0x0  }
0xe0: {  	s0 =	ssub.s32 s0, s3  }
0xe1: {  	s3 =	sshll.u32 s0, $0x7  }
0xe2: {  	s0 =	sshll.u32 s0, $0x4;
	s3 =	sand.u32 $0xFFFFFC00, s3  }
0xe3: {  	s4 =	sand.u32 $0x70, s0;
	s3 =	sadd.s32 s6, s3  }
0xe4: {  	[smem:$0x7E8] =	sst s0;
	s0 =	sor.u32 s4, s3  }
0xe5: {  	s0 =	sshrl.u32 s0, $0x3  }
0xe6: {  	s0 =	sadd.s32 s0, s18  }
0xe7: {  	v10 =	vld [tilespmem:$0x80];
	[tilespmem:s2], [sflag:$0x1] =	stream.linear.gather [hbm4b:s0+s23], $0x10, $0x38  }
0xe8: {  	_ =	swait.ge [sflag:s16], $0x10  }
0xe9: {  	[sflag:s16] =	ssyncset.done $0x0  }
0xea: {  	[sflag:s16] =	ssyncadd.s32 $0xFFFFFFF0  }
0xeb: {  	v11 =	vld [tilespmem:$0x0];
	_ =	sdelay $0x4  }
0xec: {  	(v2sf) =	vpush v11, $0xB;
	_ =	sdelay $0xe  }
0xed: {  	s11 =	spop (v2sf)  }
0xee: {  	s9 =	sand.u32 $0xF, s11  }
0xef: {  	s12 =	sshra.s32 s11, $0x1F;
	p1 =	slt.s32 s11, $0x1;
	p2 =	sne.s32 s9, $0x0  }
0xf0: {  	s13 =	sshrl.u32 s12, $0x1C;
	p0 =	por !p1, !p2  }
0xf1: {  	s3 =	simm.s32 $0x1;
	s0 =	sadd.s32 s13, s11;
	p0 =	por !p0, !p0  }
0xf2: {  	s0 =	sshra.s32 s0, $0x4;
	s3 =	simm.s32 @!p0 $0x0  }
0xf3: {  	s0 =	ssub.s32 s0, s3  }
0xf4: {  	s3 =	sshll.u32 s0, $0x7  }
0xf5: {  	s15 =	sshll.u32 s0, $0x4;
	s3 =	sand.u32 $0xFFFFFC00, s3  }
0xf6: {  	s24 =	sand.u32 $0x70, s15;
	s20 =	sadd.s32 s6, s3  }
0xf7: {  	s0 =	sor.u32 s24, s20  }
0xf8: {  	s0 =	sshrl.u32 s0, $0x3  }
0xf9: {  	[smem:$0x7E9] =	sst s15;
	s0 =	sadd.s32 s0, s19  }
0xfa: {  	v11 =	vld [tilespmem:$0x80];
	[tilespmem:s2], [sflag:$0x1] =	stream.linear.gather [hbm4b:s0+s23], $0x10, $0x38  }
0xfb: {  	_ =	swait.ge [sflag:s16], $0x10  }
0xfc: {  	[sflag:s16] =	ssyncset.done $0x0  }
0xfd: {  	[sflag:s16] =	ssyncadd.s32 $0xFFFFFFF0  }
0xfe: {  	v12 =	vld [tilespmem:$0x0];
	_ =	sdelay $0x4  }
0xff: {  	(v2sf) =	vpush v12, $0xC;
	_ =	sdelay $0xe  }
0x100: {  	s25 =	spop (v2sf)  }
0x101: {  	s26 =	sand.u32 $0xF, s25  }
0x102: {  	s30 =	sshra.s32 s25, $0x1F;
	p4 =	slt.s32 s25, $0x1;
	p3 =	sne.s32 s26, $0x0  }
0x103: {  	s3 =	sshrl.u32 s30, $0x1C;
	p0 =	por !p4, !p3  }
0x104: {  	s4 =	simm.s32 $0x1;
	s3 =	sadd.s32 s3, s25;
	p0 =	por !p0, !p0  }
0x105: {  	s3 =	sshra.s32 s3, $0x4;
	s4 =	simm.s32 @!p0 $0x0  }
0x106: {  	s3 =	ssub.s32 s3, s4  }
0x107: {  	s4 =	sshll.u32 s3, $0x7  }
0x108: {  	s9 =	sshll.u32 s3, $0x4;
	s4 =	sand.u32 $0xFFFFFC00, s4  }
0x109: {  	s12 =	sand.u32 $0x70, s9;
	s4 =	sadd.s32 s6, s4  }
0x10a: {  	s3 =	sor.u32 s12, s4  }
0x10b: {  	[smem:$0x7EB] =	sst s25;
	s3 =	sshrl.u32 s3, $0x3  }
0x10c: {  	[smem:$0x7EA] =	sst s9;
	s3 =	sadd.s32 s3, s21  }
0x10d: {  	v12 =	vld [tilespmem:$0x80];
	[tilespmem:s2], [sflag:$0x1] =	stream.linear.gather [hbm4b:s3+s23], $0x10, $0x38  }
0x10e: {  	_ =	swait.ge [sflag:s16], $0x10  }
0x10f: {  	[sflag:s16] =	ssyncset.done $0x0  }
0x110: {  	[sflag:s16] =	ssyncadd.s32 $0xFFFFFFF0  }
0x111: {  	v13 =	vld [tilespmem:$0x0];
	_ =	sdelay $0x4  }
0x112: {  	(v2sf) =	vpush v13, $0xD;
	_ =	sdelay $0xe  }
0x113: {  	s15 =	spop (v2sf)  }
0x114: {  	s13 =	sand.u32 $0xF, s15  }
0x115: {  	p6 =	slt.s32 s15, $0x1;
	s20 =	sshra.s32 s15, $0x1F;
	p5 =	sne.s32 s13, $0x0  }
0x116: {  	s3 =	sshrl.u32 s20, $0x1C;
	p0 =	por !p6, !p5  }
0x117: {  	s4 =	simm.s32 $0x1;
	s3 =	sadd.s32 s3, s15;
	p0 =	por !p0, !p0  }
0x118: {  	s3 =	sshra.s32 s3, $0x4;
	s4 =	simm.s32 @!p0 $0x0  }
0x119: {  	s3 =	ssub.s32 s3, s4  }
0x11a: {  	s4 =	sshll.u32 s3, $0x7  }
0x11b: {  	s24 =	sshll.u32 s3, $0x4;
	s4 =	sand.u32 $0xFFFFFC00, s4  }
0x11c: {  	s26 =	sand.u32 $0x70, s24;
	s25 =	sadd.s32 s6, s4  }
0x11d: {  	s3 =	sor.u32 s26, s25  }
0x11e: {  	s3 =	sshrl.u32 s3, $0x3  }
0x11f: {  	[smem:$0x7EC] =	sst s24;
	s3 =	sadd.s32 s3, s22  }
0x120: {  	v13 =	vld [tilespmem:$0x80];
	[tilespmem:s2], [sflag:$0x1] =	stream.linear.gather [hbm4b:s3+s23], $0x10, $0x38  }
0x121: {  	_ =	swait.ge [sflag:s16], $0x10  }
0x122: {  	[sflag:s16] =	ssyncset.done $0x0  }
0x123: {  	[sflag:s16] =	ssyncadd.s32 $0xFFFFFFF0  }
0x124: {  	v14 =	vld [tilespmem:$0x0];
	_ =	sdelay $0x4  }
0x125: {  	(v2sf) =	vpush v14, $0xE;
	_ =	sdelay $0xe  }
0x126: {  	s30 =	spop (v2sf)  }
0x127: {  	s0 =	sand.u32 $0xF, s30  }
0x128: {  	p2 =	slt.s32 s30, $0x1;
	s9 =	sshra.s32 s30, $0x1F;
	p1 =	sne.s32 s0, $0x0  }
0x129: {  	s3 =	sshrl.u32 s9, $0x1C;
	p0 =	por !p2, !p1  }
0x12a: {  	s4 =	simm.s32 $0x1;
	s3 =	sadd.s32 s3, s30;
	p0 =	por !p0, !p0  }
0x12b: {  	s3 =	sshra.s32 s3, $0x4;
	s4 =	simm.s32 @!p0 $0x0  }
0x12c: {  	s3 =	ssub.s32 s3, s4  }
0x12d: {  	s4 =	sshll.u32 s3, $0x7  }
0x12e: {  	s12 =	sshll.u32 s3, $0x4;
	s4 =	sand.u32 $0xFFFFFC00, s4  }
0x12f: {  	s20 =	sand.u32 $0x70, s12;
	s13 =	sadd.s32 s6, s4  }
0x130: {  	s3 =	sor.u32 s20, s13  }
0x131: {  	[smem:$0x7ED] =	sst s30;
	s3 =	sshrl.u32 s3, $0x3  }
0x132: {  	[smem:$0x7EE] =	sst s12;
	s3 =	sadd.s32 s3, s10  }
0x133: {  	v14 =	vld [tilespmem:$0x80];
	[tilespmem:s2], [sflag:$0x1] =	stream.linear.gather [hbm4b:s3+s23], $0x10, $0x38  }
0x134: {  	_ =	swait.ge [sflag:s16], $0x10  }
0x135: {  	[sflag:s16] =	ssyncset.done $0x0  }
0x136: {  	[sflag:s16] =	ssyncadd.s32 $0xFFFFFFF0  }
0x137: {  	v15 =	vld [tilespmem:$0x0];
	_ =	sdelay $0x4  }
0x138: {  	(v2sf) =	vpush v15, $0xF;
	_ =	sdelay $0xe  }
0x139: {  	s9 =	spop (v2sf)  }
0x13a: {  	s24 =	sand.u32 $0xF, s9  }
0x13b: {  	p4 =	slt.s32 s9, $0x1;
	s25 =	sshra.s32 s9, $0x1F;
	p3 =	sne.s32 s24, $0x0  }
0x13c: {  	s3 =	sshrl.u32 s25, $0x1C;
	p0 =	por !p4, !p3  }
0x13d: {  	s4 =	simm.s32 $0x1;
	s3 =	sadd.s32 s3, s9;
	p0 =	por !p0, !p0  }
0x13e: {  	s3 =	sshra.s32 s3, $0x4;
	s4 =	simm.s32 @!p0 $0x0  }
0x13f: {  	s3 =	ssub.s32 s3, s4  }
0x140: {  	s4 =	sshll.u32 s3, $0x7  }
0x141: {  	s26 =	sshll.u32 s3, $0x4;
	s4 =	sand.u32 $0xFFFFFC00, s4  }
0x142: {  	s0 =	sand.u32 $0x70, s26;
	s30 =	sadd.s32 s6, s4  }
0x143: {  	s3 =	sor.u32 s0, s30  }
0x144: {  	s3 =	sshrl.u32 s3, $0x3  }
0x145: {  	[smem:$0x7EF] =	sst s26;
	s3 =	sadd.s32 s3, s8  }
0x146: {  	v15 =	vld [tilespmem:$0x80];
	[tilespmem:s2], [sflag:$0x1] =	stream.linear.gather [hbm4b:s3+s23], $0x10, $0x38  }
0x147: {  	_ =	swait.ge [sflag:s16], $0x10  }
0x148: {  	[sflag:s16] =	ssyncset.done $0x0  }
0x149: {  	[sflag:s16] =	ssyncadd.s32 $0xFFFFFFF0  }
0x14a: {  	v16 =	vld [tilespmem:$0x10];
	_ =	sdelay $0x4  }
0x14b: {  	(v2sf) =	vpush v16, $0x0;
	_ =	sdelay $0xe  }
0x14c: {  	s26 =	spop (v2sf)  }
0x14d: {  	s4 =	sand.u32 $0xF, s26  }
0x14e: {  	p6 =	slt.s32 s26, $0x1;
	s6 =	sshra.s32 s26, $0x1F;
	p5 =	sne.s32 s4, $0x0  }
0x14f: {  	s3 =	sshrl.u32 s6, $0x1C;
	p0 =	por !p6, !p5  }
0x150: {  	s4 =	simm.s32 $0x1;
	s3 =	sadd.s32 s3, s26;
	p0 =	por !p0, !p0  }
0x151: {  	s3 =	sshra.s32 s3, $0x4;
	s4 =	simm.s32 @!p0 $0x0  }
0x152: {  	s3 =	ssub.s32 s3, s4  }
0x153: {  	s24 =	smov.u32 s8;
	s4 =	sshll.u32 s3, $0x7  }
0x154: {  	s13 =	rddreg [dreg:$0x10];
	s8 =	sshll.u32 s3, $0x4;
	s4 =	sand.u32 $0xFFFFFC00, s4  }
0x155: {  	s12 =	smov.u32 s10;
	s20 =	sand.u32 $0x70, s8;
	s10 =	sadd.s32 s13, s4  }
0x156: {  	s3 =	sor.u32 s20, s10  }
0x157: {  	s3 =	sshrl.u32 s3, $0x3  }
0x158: {  	[smem:$0x7F0] =	sst s8;
	s3 =	sadd.s32 s14, s3  }
0x159: {  	v16 =	vld [tilespmem:$0x80];
	[tilespmem:s2], [sflag:$0x1] =	stream.linear.gather [hbm4b:s3+s23], $0x10, $0x38  }
0x15a: {  	_ =	swait.ge [sflag:s16], $0x10  }
0x15b: {  	[sflag:s16] =	ssyncset.done $0x0  }
0x15c: {  	[sflag:s16] =	ssyncadd.s32 $0xFFFFFFF0  }
0x15d: {  	v17 =	vld [tilespmem:$0x10];
	_ =	sdelay $0x4  }
0x15e: {  	(v2sf) =	vpush v17, $0x1;
	_ =	sdelay $0xe  }
0x15f: {  	s30 =	spop (v2sf)  }
0x160: {  	s25 =	sand.u32 $0xF, s30  }
0x161: {  	p2 =	slt.s32 s30, $0x1;
	s0 =	sshra.s32 s30, $0x1F;
	p1 =	sne.s32 s25, $0x0  }
0x162: {  	s3 =	sshrl.u32 s0, $0x1C;
	p0 =	por !p2, !p1  }
0x163: {  	s4 =	simm.s32 $0x1;
	s3 =	sadd.s32 s3, s30;
	p0 =	por !p0, !p0  }
0x164: {  	s3 =	sshra.s32 s3, $0x4;
	s4 =	simm.s32 @!p0 $0x0  }
0x165: {  	s3 =	ssub.s32 s3, s4  }
0x166: {  	s4 =	sshll.u32 s3, $0x7  }
0x167: {  	s3 =	sshll.u32 s3, $0x4;
	s4 =	sand.u32 $0xFFFFFC00, s4  }
0x168: {  	s10 =	sand.u32 $0x70, s3;
	s8 =	sadd.s32 s13, s4  }
0x169: {  	[smem:$0x7F1] =	sst s3;
	s3 =	sor.u32 s10, s8  }
0x16a: {  	s3 =	sshrl.u32 s3, $0x3  }
0x16b: {  	s3 =	sadd.s32 s3, s17  }
0x16c: {  	v17 =	vld [tilespmem:$0x80];
	[tilespmem:s2], [sflag:$0x1] =	stream.linear.gather [hbm4b:s3+s23], $0x10, $0x38  }
0x16d: {  	_ =	swait.ge [sflag:s16], $0x10  }
0x16e: {  	[sflag:s16] =	ssyncset.done $0x0  }
0x16f: {  	[sflag:s16] =	ssyncadd.s32 $0xFFFFFFF0  }
0x170: {  	v18 =	vld [tilespmem:$0x10];
	_ =	sdelay $0x4  }
0x171: {  	(v2sf) =	vpush v18, $0x2;
	_ =	sdelay $0xe  }
0x172: {  	s25 =	spop (v2sf)  }
0x173: {  	s20 =	sand.u32 $0xF, s25  }
0x174: {  	p4 =	slt.s32 s25, $0x1;
	s0 =	sshra.s32 s25, $0x1F;
	p3 =	sne.s32 s20, $0x0  }
0x175: {  	s3 =	sshrl.u32 s0, $0x1C;
	p0 =	por !p4, !p3  }
0x176: {  	s4 =	simm.s32 $0x1;
	s3 =	sadd.s32 s3, s25;
	p0 =	por !p0, !p0  }
0x177: {  	s3 =	sshra.s32 s3, $0x4;
	s4 =	simm.s32 @!p0 $0x0  }
0x178: {  	s3 =	ssub.s32 s3, s4  }
0x179: {  	s4 =	sshll.u32 s3, $0x7  }
0x17a: {  	s3 =	sshll.u32 s3, $0x4;
	s4 =	sand.u32 $0xFFFFFC00, s4  }
0x17b: {  	s8 =	sand.u32 $0x70, s3;
	s4 =	sadd.s32 s13, s4  }
0x17c: {  	[smem:$0x7F2] =	sst s3;
	s3 =	sor.u32 s8, s4  }
0x17d: {  	s3 =	sshrl.u32 s3, $0x3  }
0x17e: {  	s3 =	sadd.s32 s3, s18  }
0x17f: {  	v18 =	vld [tilespmem:$0x80];
	[tilespmem:s2], [sflag:$0x1] =	stream.linear.gather [hbm4b:s3+s23], $0x10, $0x38  }
0x180: {  	_ =	swait.ge [sflag:s16], $0x10  }
0x181: {  	[sflag:s16] =	ssyncset.done $0x0  }
0x182: {  	[sflag:s16] =	ssyncadd.s32 $0xFFFFFFF0  }
0x183: {  	v19 =	vld [tilespmem:$0x10];
	_ =	sdelay $0x4  }
0x184: {  	(v2sf) =	vpush v19, $0x3;
	_ =	sdelay $0xe  }
0x185: {  	s20 =	spop (v2sf)  }
0x186: {  	s10 =	sand.u32 $0xF, s20  }
0x187: {  	p6 =	slt.s32 s20, $0x1;
	s0 =	sshra.s32 s20, $0x1F;
	p5 =	sne.s32 s10, $0x0  }
0x188: {  	s3 =	sshrl.u32 s0, $0x1C;
	p0 =	por !p6, !p5  }
0x189: {  	s4 =	simm.s32 $0x1;
	s3 =	sadd.s32 s3, s20;
	p0 =	por !p0, !p0  }
0x18a: {  	s3 =	sshra.s32 s3, $0x4;
	s4 =	simm.s32 @!p0 $0x0  }
0x18b: {  	s3 =	ssub.s32 s3, s4  }
0x18c: {  	s4 =	sshll.u32 s3, $0x7  }
0x18d: {  	s3 =	sshll.u32 s3, $0x4;
	s4 =	sand.u32 $0xFFFFFC00, s4  }
0x18e: {  	s6 =	sand.u32 $0x70, s3;
	s4 =	sadd.s32 s13, s4  }
0x18f: {  	[smem:$0x7F3] =	sst s3;
	s3 =	sor.u32 s6, s4  }
0x190: {  	s3 =	sshrl.u32 s3, $0x3  }
0x191: {  	s3 =	sadd.s32 s3, s19  }
0x192: {  	v19 =	vld [tilespmem:$0x80];
	[tilespmem:s2], [sflag:$0x1] =	stream.linear.gather [hbm4b:s3+s23], $0x10, $0x38  }
0x193: {  	_ =	swait.ge [sflag:s16], $0x10  }
0x194: {  	[sflag:s16] =	ssyncset.done $0x0  }
0x195: {  	[sflag:s16] =	ssyncadd.s32 $0xFFFFFFF0  }
0x196: {  	v20 =	vld [tilespmem:$0x10];
	_ =	sdelay $0x4  }
0x197: {  	(v2sf) =	vpush v20, $0x4;
	_ =	sdelay $0xe  }
0x198: {  	s10 =	spop (v2sf)  }
0x199: {  	s8 =	sand.u32 $0xF, s10  }
0x19a: {  	p2 =	slt.s32 s10, $0x1;
	s0 =	sshra.s32 s10, $0x1F;
	p1 =	sne.s32 s8, $0x0  }
0x19b: {  	s3 =	sshrl.u32 s0, $0x1C;
	p0 =	por !p2, !p1  }
0x19c: {  	s4 =	simm.s32 $0x1;
	s3 =	sadd.s32 s3, s10;
	p0 =	por !p0, !p0  }
0x19d: {  	s3 =	sshra.s32 s3, $0x4;
	s4 =	simm.s32 @!p0 $0x0  }
0x19e: {  	s3 =	ssub.s32 s3, s4  }
0x19f: {  	s4 =	sshll.u32 s3, $0x7  }
0x1a0: {  	s3 =	sshll.u32 s3, $0x4;
	s4 =	sand.u32 $0xFFFFFC00, s4  }
0x1a1: {  	s0 =	sand.u32 $0x70, s3;
	s8 =	sadd.s32 s13, s4  }
0x1a2: {  	[smem:$0x7F4] =	sst s3;
	s3 =	sor.u32 s0, s8  }
0x1a3: {  	s3 =	sshrl.u32 s3, $0x3  }
0x1a4: {  	s3 =	sadd.s32 s3, s21  }
0x1a5: {  	v21 =	vld [tilespmem:$0x80];
	[tilespmem:s2], [sflag:$0x1] =	stream.linear.gather [hbm4b:s3+s23], $0x10, $0x38  }
0x1a6: {  	_ =	swait.ge [sflag:s16], $0x10  }
0x1a7: {  	[sflag:s16] =	ssyncset.done $0x0  }
0x1a8: {  	[sflag:s16] =	ssyncadd.s32 $0xFFFFFFF0  }
0x1a9: {  	v50 =	vld [tilespmem:$0x10];
	_ =	sdelay $0x4  }
0x1aa: {  	(v2sf) =	vpush v50, $0x5;
	_ =	sdelay $0xe  }
0x1ab: {  	s8 =	spop (v2sf)  }
0x1ac: {  	s6 =	sand.u32 $0xF, s8  }
0x1ad: {  	p4 =	slt.s32 s8, $0x1;
	s0 =	sshra.s32 s8, $0x1F;
	p3 =	sne.s32 s6, $0x0  }
0x1ae: {  	s3 =	sshrl.u32 s0, $0x1C;
	p0 =	por !p4, !p3  }
0x1af: {  	s4 =	simm.s32 $0x1;
	s3 =	sadd.s32 s3, s8;
	p0 =	por !p0, !p0  }
0x1b0: {  	s3 =	sshra.s32 s3, $0x4;
	s4 =	simm.s32 @!p0 $0x0  }
0x1b1: {  	s3 =	ssub.s32 s3, s4  }
0x1b2: {  	s4 =	sshll.u32 s3, $0x7  }
0x1b3: {  	s3 =	sshll.u32 s3, $0x4;
	s4 =	sand.u32 $0xFFFFFC00, s4  }
0x1b4: {  	s0 =	sand.u32 $0x70, s3;
	s4 =	sadd.s32 s13, s4  }
0x1b5: {  	[smem:$0x7F5] =	sst s3;
	s3 =	sor.u32 s0, s4  }
0x1b6: {  	s3 =	sshrl.u32 s3, $0x3  }
0x1b7: {  	s3 =	sadd.s32 s3, s22  }
0x1b8: {  	v23 =	vld [tilespmem:$0x80];
	[tilespmem:s2], [sflag:$0x1] =	stream.linear.gather [hbm4b:s3+s23], $0x10, $0x38  }
0x1b9: {  	_ =	swait.ge [sflag:s16], $0x10  }
0x1ba: {  	[sflag:s16] =	ssyncset.done $0x0  }
0x1bb: {  	[sflag:s16] =	ssyncadd.s32 $0xFFFFFFF0  }
0x1bc: {  	v51 =	vld [tilespmem:$0x10];
	_ =	sdelay $0x4  }
0x1bd: {  	(v2sf) =	vpush v51, $0x6;
	_ =	sdelay $0xe  }
0x1be: {  	s6 =	spop (v2sf)  }
0x1bf: {  	s4 =	sand.u32 $0xF, s6  }
0x1c0: {  	p6 =	slt.s32 s6, $0x1;
	s0 =	sshra.s32 s6, $0x1F;
	p5 =	sne.s32 s4, $0x0  }
0x1c1: {  	s3 =	sshrl.u32 s0, $0x1C;
	p0 =	por !p6, !p5  }
0x1c2: {  	s4 =	simm.s32 $0x1;
	s3 =	sadd.s32 s3, s6;
	p0 =	por !p0, !p0  }
0x1c3: {  	s3 =	sshra.s32 s3, $0x4;
	s4 =	simm.s32 @!p0 $0x0  }
0x1c4: {  	s3 =	ssub.s32 s3, s4  }
0x1c5: {  	s4 =	sshll.u32 s3, $0x7  }
0x1c6: {  	s3 =	sshll.u32 s3, $0x4;
	s4 =	sand.u32 $0xFFFFFC00, s4  }
0x1c7: {  	s0 =	sand.u32 $0x70, s3;
	s4 =	sadd.s32 s13, s4  }
0x1c8: {  	[smem:$0x7F6] =	sst s3;
	s3 =	sor.u32 s0, s4  }
0x1c9: {  	s3 =	sshrl.u32 s3, $0x3  }
0x1ca: {  	s3 =	sadd.s32 s3, s12  }
0x1cb: {  	v20 =	vld [tilespmem:$0x80];
	[tilespmem:s2], [sflag:$0x1] =	stream.linear.gather [hbm4b:s3+s23], $0x10, $0x38  }
0x1cc: {  	_ =	swait.ge [sflag:s16], $0x10  }
0x1cd: {  	[sflag:s16] =	ssyncset.done $0x0  }
0x1ce: {  	[sflag:s16] =	ssyncadd.s32 $0xFFFFFFF0  }
0x1cf: {  	v22 =	vld [tilespmem:$0x10];
	_ =	sdelay $0x4  }
0x1d0: {  	(v2sf) =	vpush v22, $0x7;
	_ =	sdelay $0xe  }
0x1d1: {  	s12 =	spop (v2sf)  }
0x1d2: {  	s4 =	sand.u32 $0xF, s12  }
0x1d3: {  	p2 =	slt.s32 s12, $0x1;
	s0 =	sshra.s32 s12, $0x1F;
	p1 =	sne.s32 s4, $0x0  }
0x1d4: {  	s3 =	sshrl.u32 s0, $0x1C;
	p0 =	por !p2, !p1  }
0x1d5: {  	s4 =	simm.s32 $0x1;
	s3 =	sadd.s32 s3, s12;
	p0 =	por !p0, !p0  }
0x1d6: {  	s3 =	sshra.s32 s3, $0x4;
	s4 =	simm.s32 @!p0 $0x0  }
0x1d7: {  	s3 =	ssub.s32 s3, s4  }
0x1d8: {  	s4 =	sshll.u32 s3, $0x7  }
0x1d9: {  	s3 =	sshll.u32 s3, $0x4;
	s4 =	sand.u32 $0xFFFFFC00, s4  }
0x1da: {  	s4 =	sadd.s32 s13, s4;
	s13 =	sand.u32 $0x70, s3  }
0x1db: {  	[smem:$0x7F7] =	sst s3;
	s3 =	sor.u32 s13, s4  }
0x1dc: {  	s3 =	sshrl.u32 s3, $0x3  }
0x1dd: {  	s3 =	sadd.s32 s3, s24  }
0x1de: {  	v22 =	vld [tilespmem:$0x80];
	[tilespmem:s2], [sflag:$0x1] =	stream.linear.gather [hbm4b:s3+s23], $0x10, $0x38  }
0x1df: {  	_ =	swait.ge [sflag:s16], $0x10  }
0x1e0: {  	[sflag:s16] =	ssyncset.done $0x0  }
0x1e1: {  	[sflag:s16] =	ssyncadd.s32 $0xFFFFFFF0  }
0x1e2: {  	v24 =	vld [tilespmem:$0x10];
	_ =	sdelay $0x4  }
0x1e3: {  	(v2sf) =	vpush v24, $0x8;
	_ =	sdelay $0xe  }
0x1e4: {  	s3 =	spop (v2sf)  }
0x1e5: {  	s24 =	sand.u32 $0xF, s3  }
0x1e6: {  	p4 =	slt.s32 s3, $0x1;
	s0 =	sshra.s32 s3, $0x1F;
	p3 =	sne.s32 s24, $0x0  }
0x1e7: {  	s4 =	sshrl.u32 s0, $0x1C;
	p0 =	por !p4, !p3  }
0x1e8: {  	s13 =	simm.s32 $0x1;
	s4 =	sadd.s32 s4, s3;
	p0 =	por !p0, !p0  }
0x1e9: {  	s4 =	sshra.s32 s4, $0x4;
	s13 =	simm.s32 @!p0 $0x0  }
0x1ea: {  	s4 =	ssub.s32 s4, s13  }
0x1eb: {  	s13 =	sshll.u32 s4, $0x7  }
0x1ec: {  	s24 =	rddreg [dreg:$0x11];
	s4 =	sshll.u32 s4, $0x4;
	s13 =	sand.u32 $0xFFFFFC00, s13  }
0x1ed: {  	s0 =	sand.u32 $0x70, s4;
	s13 =	sadd.s32 s24, s13  }
0x1ee: {  	[smem:$0x7F8] =	sst s4;
	s4 =	sor.u32 s0, s13  }
0x1ef: {  	s4 =	sshrl.u32 s4, $0x3  }
0x1f0: {  	s4 =	sadd.s32 s14, s4  }
0x1f1: {  	v24 =	vld [tilespmem:$0x80];
	[tilespmem:s2], [sflag:$0x1] =	stream.linear.gather [hbm4b:s4+s23], $0x10, $0x38  }
0x1f2: {  	_ =	swait.ge [sflag:s16], $0x10  }
0x1f3: {  	[sflag:s16] =	ssyncset.done $0x0  }
0x1f4: {  	[sflag:s16] =	ssyncadd.s32 $0xFFFFFFF0  }
0x1f5: {  	v25 =	vld [tilespmem:$0x10];
	_ =	sdelay $0x4  }
0x1f6: {  	(v2sf) =	vpush v25, $0x9;
	_ =	sdelay $0xe  }
0x1f7: {  	s14 =	spop (v2sf)  }
0x1f8: {  	s13 =	sand.u32 $0xF, s14  }
0x1f9: {  	p6 =	slt.s32 s14, $0x1;
	s0 =	sshra.s32 s14, $0x1F;
	p5 =	sne.s32 s13, $0x0  }
0x1fa: {  	s4 =	sshrl.u32 s0, $0x1C;
	p0 =	por !p6, !p5  }
0x1fb: {  	s13 =	simm.s32 $0x1;
	s4 =	sadd.s32 s4, s14;
	p0 =	por !p0, !p0  }
0x1fc: {  	s4 =	sshra.s32 s4, $0x4;
	s13 =	simm.s32 @!p0 $0x0  }
0x1fd: {  	s4 =	ssub.s32 s4, s13  }
0x1fe: {  	s13 =	sshll.u32 s4, $0x7  }
0x1ff: {  	s4 =	sshll.u32 s4, $0x4;
	s13 =	sand.u32 $0xFFFFFC00, s13  }
0x200: {  	s0 =	sand.u32 $0x70, s4;
	s13 =	sadd.s32 s24, s13  }
0x201: {  	[smem:$0x7F9] =	sst s4;
	s4 =	sor.u32 s0, s13  }
0x202: {  	s4 =	sshrl.u32 s4, $0x3  }
0x203: {  	s4 =	sadd.s32 s4, s17  }
0x204: {  	v25 =	vld [tilespmem:$0x80];
	[tilespmem:s2], [sflag:$0x1] =	stream.linear.gather [hbm4b:s4+s23], $0x10, $0x38  }
0x205: {  	_ =	swait.ge [sflag:s16], $0x10  }
0x206: {  	[sflag:s16] =	ssyncset.done $0x0  }
0x207: {  	[sflag:s16] =	ssyncadd.s32 $0xFFFFFFF0  }
0x208: {  	v26 =	vld [tilespmem:$0x10];
	_ =	sdelay $0x4  }
0x209: {  	(v2sf) =	vpush v26, $0xA;
	_ =	sdelay $0xe  }
0x20a: {  	s13 =	spop (v2sf)  }
0x20b: {  	s17 =	sand.u32 $0xF, s13  }
0x20c: {  	p2 =	slt.s32 s13, $0x1;
	s0 =	sshra.s32 s13, $0x1F;
	p1 =	sne.s32 s17, $0x0  }
0x20d: {  	s4 =	sshrl.u32 s0, $0x1C;
	p0 =	por !p2, !p1  }
0x20e: {  	s17 =	simm.s32 $0x1;
	s4 =	sadd.s32 s4, s13;
	p0 =	por !p0, !p0  }
0x20f: {  	s4 =	sshra.s32 s4, $0x4;
	s17 =	simm.s32 @!p0 $0x0  }
0x210: {  	s4 =	ssub.s32 s4, s17  }
0x211: {  	s17 =	sshll.u32 s4, $0x7  }
0x212: {  	s4 =	sshll.u32 s4, $0x4;
	s17 =	sand.u32 $0xFFFFFC00, s17  }
0x213: {  	s0 =	sand.u32 $0x70, s4;
	s17 =	sadd.s32 s24, s17  }
0x214: {  	[smem:$0x7FA] =	sst s4;
	s4 =	sor.u32 s0, s17  }
0x215: {  	s4 =	sshrl.u32 s4, $0x3  }
0x216: {  	s4 =	sadd.s32 s4, s18  }
0x217: {  	v26 =	vld [tilespmem:$0x80];
	[tilespmem:s2], [sflag:$0x1] =	stream.linear.gather [hbm4b:s4+s23], $0x10, $0x38  }
0x218: {  	_ =	swait.ge [sflag:s16], $0x10  }
0x219: {  	[sflag:s16] =	ssyncset.done $0x0  }
0x21a: {  	[sflag:s16] =	ssyncadd.s32 $0xFFFFFFF0  }
0x21b: {  	v27 =	vld [tilespmem:$0x10];
	_ =	sdelay $0x4  }
0x21c: {  	(v2sf) =	vpush v27, $0xB;
	_ =	sdelay $0xe  }
0x21d: {  	s4 =	spop (v2sf)  }
0x21e: {  	s18 =	sand.u32 $0xF, s4  }
0x21f: {  	p4 =	slt.s32 s4, $0x1;
	s0 =	sshra.s32 s4, $0x1F;
	p3 =	sne.s32 s18, $0x0  }
0x220: {  	s17 =	sshrl.u32 s0, $0x1C;
	p0 =	por !p4, !p3  }
0x221: {  	s18 =	simm.s32 $0x1;
	s17 =	sadd.s32 s17, s4;
	p0 =	por !p0, !p0  }
0x222: {  	s17 =	sshra.s32 s17, $0x4;
	s18 =	simm.s32 @!p0 $0x0  }
0x223: {  	s17 =	ssub.s32 s17, s18  }
0x224: {  	s18 =	sshll.u32 s17, $0x7  }
0x225: {  	s17 =	sshll.u32 s17, $0x4;
	s18 =	sand.u32 $0xFFFFFC00, s18  }
0x226: {  	s0 =	sand.u32 $0x70, s17;
	s18 =	sadd.s32 s24, s18  }
0x227: {  	[smem:$0x7FB] =	sst s17;
	s17 =	sor.u32 s0, s18  }
0x228: {  	s17 =	sshrl.u32 s17, $0x3  }
0x229: {  	s17 =	sadd.s32 s17, s19  }
0x22a: {  	v27 =	vld [tilespmem:$0x80];
	[tilespmem:s2], [sflag:$0x1] =	stream.linear.gather [hbm4b:s17+s23], $0x10, $0x38  }
0x22b: {  	_ =	swait.ge [sflag:s16], $0x10  }
0x22c: {  	[sflag:s16] =	ssyncset.done $0x0  }
0x22d: {  	[sflag:s16] =	ssyncadd.s32 $0xFFFFFFF0  }
0x22e: {  	v28 =	vld [tilespmem:$0x10];
	_ =	sdelay $0x4  }
0x22f: {  	(v2sf) =	vpush v28, $0xC;
	_ =	sdelay $0xe  }
0x230: {  	s17 =	spop (v2sf)  }
0x231: {  	s19 =	sand.u32 $0xF, s17  }
0x232: {  	p6 =	slt.s32 s17, $0x1;
	s0 =	sshra.s32 s17, $0x1F;
	p5 =	sne.s32 s19, $0x0  }
0x233: {  	s18 =	sshrl.u32 s0, $0x1C;
	p0 =	por !p6, !p5  }
0x234: {  	s19 =	simm.s32 $0x1;
	s18 =	sadd.s32 s18, s17;
	p0 =	por !p0, !p0  }
0x235: {  	s18 =	sshra.s32 s18, $0x4;
	s19 =	simm.s32 @!p0 $0x0  }
0x236: {  	s18 =	ssub.s32 s18, s19  }
0x237: {  	s19 =	sshll.u32 s18, $0x7  }
0x238: {  	s18 =	sshll.u32 s18, $0x4;
	s19 =	sand.u32 $0xFFFFFC00, s19  }
0x239: {  	s0 =	sand.u32 $0x70, s18;
	s19 =	sadd.s32 s24, s19  }
0x23a: {  	[smem:$0x7FC] =	sst s18;
	s18 =	sor.u32 s0, s19  }
0x23b: {  	s18 =	sshrl.u32 s18, $0x3  }
0x23c: {  	s18 =	sadd.s32 s18, s21  }
0x23d: {  	v29 =	vld [tilespmem:$0x80];
	[tilespmem:s2], [sflag:$0x1] =	stream.linear.gather [hbm4b:s18+s23], $0x10, $0x38  }
0x23e: {  	_ =	swait.ge [sflag:s16], $0x10  }
0x23f: {  	[sflag:s16] =	ssyncset.done $0x0  }
0x240: {  	[sflag:s16] =	ssyncadd.s32 $0xFFFFFFF0  }
0x241: {  	v52 =	vld [tilespmem:$0x10];
	_ =	sdelay $0x4  }
0x242: {  	(v2sf) =	vpush v52, $0xD;
	_ =	sdelay $0xe  }
0x243: {  	s18 =	spop (v2sf)  }
0x244: {  	s21 =	sand.u32 $0xF, s18  }
0x245: {  	p2 =	slt.s32 s18, $0x1;
	s0 =	sshra.s32 s18, $0x1F;
	p1 =	sne.s32 s21, $0x0  }
0x246: {  	s19 =	sshrl.u32 s0, $0x1C;
	p0 =	por !p2, !p1  }
0x247: {  	s21 =	simm.s32 $0x1;
	s19 =	sadd.s32 s19, s18;
	p0 =	por !p0, !p0  }
0x248: {  	s19 =	sshra.s32 s19, $0x4;
	s21 =	simm.s32 @!p0 $0x0  }
0x249: {  	s19 =	ssub.s32 s19, s21  }
0x24a: {  	s21 =	sshll.u32 s19, $0x7  }
0x24b: {  	s19 =	sshll.u32 s19, $0x4;
	s21 =	sand.u32 $0xFFFFFC00, s21  }
0x24c: {  	s0 =	sand.u32 $0x70, s19;
	s21 =	sadd.s32 s24, s21  }
0x24d: {  	[smem:$0x7FD] =	sst s19;
	s19 =	sor.u32 s0, s21  }
0x24e: {  	s0 =	ssub.s32 s29, s28;
	s29 =	rddreg [dreg:$0x13];
	s19 =	sshrl.u32 s19, $0x3  }
0x24f: {  	s19 =	sadd.s32 s19, s22;
	s22 =	rddreg [dreg:$0x14]  }
0x250: {  	v30 =	vadd.s32 s0, v0;
	s0 =	rddreg [dreg:$0x17];
	s21 =	ssub.s32 s22, s29  }
0x251: {  	v28 =	vld [tilespmem:$0x80];
	[tilespmem:s2], [sflag:$0x1] =	stream.linear.gather [hbm4b:s19+s23], $0x10, $0x38  }
0x252: {  	s22 =	ssub.s32 s0, s31;
	v31 =	vadd.s32 s21, v0;
	s21 =	ssub.s32 $0x0, s28  }
0x253: {  	v33 =	vsub.s32 $0x0, v30;
	s0 =	rddreg [dreg:$0x1d];
	v32 =	vadd.s32 s22, v0;
	s22 =	ssub.s32 $0x0, s29;
	s19 =	smin.u32 s28, s21  }
0x254: {  	v30 =	vmin.u32 v30, v33;
	v34 =	vsub.s32 $0x0, v32;
	s28 =	ssub.s32 $0x0, s31;
	s21 =	smin.u32 s29, s22;
	s29 =	rddreg [dreg:$0x16]  }
0x255: {  	v30 =	vsub.s32 $0x1, v30;
	v53 =	vsub.s32 $0x0, v31;
	v32 =	vmin.u32 v32, v34;
	s22 =	smin.u32 s31, s28;
	s28 =	rddreg [dreg:$0x15]  }
0x256: {  	vm0 =	vgt.s32 v30, $0x0;
	v31 =	vmin.u32 v31, v53;
	p0 =	slt.s32 s19, $0x1;
	s31 =	rddreg [dreg:$0x19];
	v32 =	vsub.s32 $0x1, v32  }
0x257: {  	v30 =	vnsel vm0, $0x0, v30;
	v31 =	vsub.s32 $0x1, v31;
	s19 =	simm.s32 @!p0 $0x1;
	p0 =	slt.s32 s21, $0x1;
	p1 =	slt.s32 s22, $0x1;
	vm1 =	vgt.s32 v32, $0x0  }
0x258: {  	vm10 =	vgt.s32 v31, $0x0;
	v30 =	vmul.u32 s19, v30;
	s22 =	simm.s32 @!p1 $0x1;
	s19 =	ssub.s32 s29, s28;
	s29 =	rddreg [dreg:$0x1c];
	v32 =	vnsel vm1, $0x0, v32  }
0x259: {  	s21 =	simm.s32 @!p0 $0x1;
	v31 =	vnsel vm10, $0x0, v31;
	v54 =	vadd.s32 s19, v0;
	v32 =	vmul.u32 s22, v32;
	s22 =	rddreg [dreg:$0x18]  }
0x25a: {  	v31 =	vmul.u32 s21, v31;
	s21 =	ssub.s32 s0, s29;
	v36 =	vsub.s32 $0x0, v54;
	v30 =	vcvt.s32.f32 v30;
	s19 =	ssub.s32 s31, s22  }
0x25b: {  	v35 =	vadd.s32 s21, v0;
	v33 =	vmin.u32 v54, v36;
	v55 =	vadd.s32 s19, v0  }
0x25c: {  	_ =	swait.ge [sflag:s16], $0x10;
	s0 =	ssub.s32 $0x0, s29;
	s21 =	ssub.s32 $0x0, s28;
	v33 =	vsub.s32 $0x1, v33;
	v57 =	vsub.s32 $0x0, v35;
	v1 =	vmul.f32 v30, v1  }
0x25d: {  	[sflag:s16] =	ssyncset.done $0x0;
	s31 =	smov.u32 s22;
	s19 =	smin.u32 s28, s21;
	v59 =	vcvt.s32.f32 v31;
	v62 =	vcvt.s32.f32 v32;
	v56 =	vsub.s32 $0x0, v55  }
0x25e: {  	[sflag:s16] =	ssyncadd.s32 $0xFFFFFFF0;
	s21 =	ssub.s32 $0x0, s22;
	s28 =	rddreg [dreg:$0x1a];
	vm11 =	vgt.s32 v33, $0x0;
	v35 =	vmin.u32 v35, v57;
	v34 =	vmin.u32 v55, v56  }
0x25f: {  	s22 =	smin.u32 s29, s0;
	s29 =	rddreg [dreg:$0x1b];
	p0 =	slt.s32 s19, $0x1;
	v58 =	vld [tilespmem:$0x10];
	v33 =	vnsel vm11, $0x0, v33;
	v35 =	vsub.s32 $0x1, v35;
	v1 =	vadd.f32 $0.0e+00, v1  }
0x260: {  	s0 =	sld [smem:$0x7E6];
	s19 =	simm.s32 @!p0 $0x1;
	v2 =	vmul.f32 v59, v2;
	v34 =	vsub.s32 $0x1, v34;
	vm13 =	vgt.s32 v35, $0x0  }
0x261: {  	s21 =	smin.u32 s31, s21;
	p1 =	slt.s32 s22, $0x1;
	v33 =	vmul.u32 s19, v33;
	s19 =	ssub.s32 s29, s28;
	vm12 =	vgt.s32 v34, $0x0;
	v60 =	vnsel vm13, $0x0, v35  }
0x262: {  	s31 =	rddreg [dreg:$0x1f];
	p0 =	slt.s32 s21, $0x1;
	s22 =	simm.s32 @!p1 $0x1;
	v61 =	vadd.s32 s19, v0;
	v1 =	vadd.f32 v2, v1;
	v2 =	vmul.f32 v62, v3  }
0x263: {  	s21 =	simm.s32 @!p0 $0x1;
	v34 =	vnsel vm12, $0x0, v34;
	v31 =	vmul.u32 s22, v60;
	s22 =	rddreg [dreg:$0x1e];
	v3 =	vsub.s32 $0x0, v61  }
0x264: {  	v33 =	vcvt.s32.f32 v33;
	v34 =	vmul.u32 s21, v34;
	s19 =	ssub.s32 s31, s22;
	(v2sf) =	vpush v58, $0xE  }
0x265: {  	s21 =	ssub.s32 s0, s5;
	v3 =	vmin.u32 v61, v3;
	v1 =	vadd.f32 v2, v1;
	v63 =	vadd.s32 s19, v0  }
0x266: {  	v37 =	vadd.s32 s21, v0;
	v3 =	vsub.s32 $0x1, v3;
	v4 =	vmul.f32 v33, v47  }
0x267: {  	s29 =	ssub.s32 $0x0, s22;
	v42 =	vcvt.s32.f32 v31;
	v36 =	vsub.s32 $0x0, v63;
	v38 =	vsub.s32 $0x0, v37  }
0x268: {  	s31 =	smov.u32 s22;
	s0 =	ssub.s32 $0x0, s5;
	s21 =	ssub.s32 $0x0, s28;
	vm14 =	vgt.s32 v3, $0x0;
	v40 =	vcvt.s32.f32 v34;
	v30 =	vmin.u32 v63, v36  }
0x269: {  	s19 =	smin.u32 s28, s21;
	s21 =	smin.u32 s31, s29;
	s31 =	sld [smem:$0x7E8];
	v39 =	vmin.u32 v37, v38;
	v3 =	vnsel vm14, $0x0, v3;
	v1 =	vadd.f32 v4, v1  }
0x26a: {  	s5 =	smin.u32 s5, s0;
	s0 =	sld [smem:$0x7E9];
	p0 =	slt.s32 s19, $0x1;
	v46 =	vmul.f32 v42, v49;
	v30 =	vsub.s32 $0x1, v30;
	v32 =	vsub.s32 $0x1, v39  }
0x26b: {  	s29 =	sld [smem:$0x7E7];
	s19 =	simm.s32 @!p0 $0x1;
	p0 =	slt.s32 s21, $0x1;
	v41 =	vmul.f32 v40, v48;
	vm15 =	vgt.s32 v30, $0x0;
	vm4 =	vgt.s32 v32, $0x0  }
0x26c: {  	p1 =	slt.s32 s5, $0x1;
	s21 =	simm.s32 @!p0 $0x1;
	v3 =	vmul.u32 s19, v3;
	s19 =	ssub.s32 s31, s7;
	v2 =	vnsel vm15, $0x0, v30;
	v32 =	vnsel vm4, $0x0, v32  }
0x26d: {  	s5 =	simm.s32 @!p1 $0x1;
	v44 =	vadd.s32 s19, v0;
	v1 =	vadd.f32 v41, v1;
	v2 =	vmul.u32 s21, v2  }
0x26e: {  	v32 =	vmul.u32 s5, v32;
	s5 =	ssub.s32 s29, s1;
	s21 =	ssub.s32 s0, s11;
	v3 =	vcvt.s32.f32 v3;
	v48 =	vsub.s32 $0x0, v44  }
0x26f: {  	s31 =	sld [smem:$0x7EB];
	v43 =	vadd.s32 s5, v0;
	v45 =	vadd.s32 s21, v0;
	v6 =	vmin.u32 v44, v48  }
0x270: {  	s29 =	sld [smem:$0x7EA];
	v1 =	vadd.f32 v46, v1;
	v47 =	vsub.s32 $0x0, v43;
	v49 =	vsub.s32 $0x0, v45  }
0x271: {  	s22 =	ssub.s32 $0x0, s7;
	s28 =	ssub.s32 $0x0, s11;
	s19 =	sld [smem:$0x7EC];
	v6 =	vsub.s32 $0x1, v6;
	v3 =	vmul.f32 v3, v7;
	v2 =	vcvt.s32.f32 v2  }
0x272: {  	s21 =	ssub.s32 $0x0, s1;
	s5 =	smin.u32 s7, s22;
	s7 =	smin.u32 s11, s28;
	v53 =	vcvt.s32.f32 v32;
	v5 =	vmin.u32 v43, v47;
	v30 =	vmin.u32 v45, v49  }
0x273: {  	s22 =	ssub.s32 $0x0, s31;
	s1 =	smin.u32 s1, s21;
	vm6 =	vgt.s32 v6, $0x0;
	s11 =	ssub.s32 s29, s31;
	v5 =	vsub.s32 $0x1, v5;
	v30 =	vsub.s32 $0x1, v30  }
0x274: {  	p1 =	slt.s32 s7, $0x1;
	s0 =	smin.u32 s31, s22;
	p0 =	slt.s32 s1, $0x1;
	v50 =	vnsel vm6, $0x0, v6;
	v52 =	vadd.s32 s11, v0;
	vm5 =	vgt.s32 v5, $0x0  }
0x275: {  	s7 =	simm.s32 @!p1 $0x1;
	s1 =	simm.s32 @!p0 $0x1;
	p0 =	slt.s32 s5, $0x1;
	v1 =	vadd.f32 v3, v1;
	v2 =	vmul.f32 v2, v8;
	v5 =	vnsel vm5, $0x0, v5  }
0x276: {  	s29 =	ssub.s32 $0x0, s15;
	v8 =	vmul.f32 v53, v9;
	vm7 =	vgt.s32 v30, $0x0;
	s5 =	simm.s32 @!p0 $0x1;
	v5 =	vmul.u32 s1, v5;
	s1 =	spop (v2sf)  }
0x277: {  	s31 =	sld [smem:$0x7EE];
	v54 =	vsub.s32 $0x0, v52;
	v51 =	vnsel vm7, $0x0, v30;
	v4 =	vmul.u32 s5, v50;
	s5 =	ssub.s32 s19, s15;
	s21 =	sand.u32 $0xF, s1  }
0x278: {  	v1 =	vadd.f32 v2, v1;
	v2 =	vmin.u32 v52, v54;
	v3 =	vadd.s32 s5, v0;
	s28 =	sshra.s32 s1, $0x1F;
	p4 =	slt.s32 s1, $0x1;
	p3 =	sne.s32 s21, $0x0  }
0x279: {  	s19 =	sld [smem:$0x7ED];
	v6 =	vmul.u32 s7, v51;
	v2 =	vsub.s32 $0x1, v2;
	v55 =	vsub.s32 $0x0, v3;
	s5 =	sshrl.u32 s28, $0x1C;
	p0 =	por !p4, !p3  }
0x27a: {  	s11 =	simm.s32 $0x1;
	vm8 =	vgt.s32 v2, $0x0;
	v1 =	vadd.f32 v8, v1;
	v5 =	vcvt.s32.f32 v5;
	s5 =	sadd.s32 s5, s1;
	p0 =	por !p0, !p0  }
0x27b: {  	s7 =	smin.u32 s15, s29;
	v4 =	vcvt.s32.f32 v4;
	v3 =	vmin.u32 v3, v55;
	v2 =	vnsel vm8, $0x0, v2;
	s5 =	sshra.s32 s5, $0x4;
	s11 =	simm.s32 @!p0 $0x0  }
0x27c: {  	s15 =	ssub.s32 s31, s19;
	v6 =	vcvt.s32.f32 v6;
	v3 =	vsub.s32 $0x1, v3;
	v5 =	vmul.f32 v5, v10;
	s5 =	ssub.s32 s5, s11;
	s11 =	sld [smem:$0x7EF]  }
0x27d: {  	v56 =	vadd.s32 s15, v0;
	v4 =	vmul.f32 v4, v11;
	s15 =	sld [smem:$0x7F0];
	vm9 =	vgt.s32 v3, $0x0;
	p0 =	slt.s32 s0, $0x1  }
0x27e: {  	p1 =	slt.s32 s7, $0x1;
	v59 =	vsub.s32 $0x0, v56;
	v6 =	vmul.f32 v6, v12;
	v1 =	vadd.f32 v5, v1;
	s0 =	simm.s32 @!p0 $0x1  }
0x27f: {  	s29 =	ssub.s32 $0x0, s9;
	s7 =	simm.s32 @!p1 $0x1;
	v3 =	vnsel vm9, $0x0, v3;
	v60 =	vmin.u32 v56, v59;
	v2 =	vmul.u32 s0, v2;
	s0 =	ssub.s32 s11, s9  }
0x280: {  	s31 =	rddreg [dreg:$0xd];
	v3 =	vmul.u32 s7, v3;
	s21 =	sshll.u32 s5, $0x7;
	v1 =	vadd.f32 v4, v1;
	v57 =	vadd.s32 s0, v0;
	s0 =	ssub.s32 s15, s26  }
0x281: {  	s28 =	ssub.s32 $0x0, s19;
	v4 =	vsub.s32 $0x1, v60;
	s22 =	sand.u32 $0xFFFFFC00, s21;
	v2 =	vcvt.s32.f32 v2;
	v58 =	vadd.s32 s0, v0;
	s0 =	sshll.u32 s5, $0x4  }
0x282: {  	v3 =	vcvt.s32.f32 v3;
	vm10 =	vgt.s32 v4, $0x0;
	s7 =	sadd.s32 s24, s22;
	s9 =	smin.u32 s9, s29;
	s5 =	sand.u32 $0x70, s0  }
0x283: {  	v6 =	vadd.f32 v6, v1;
	p1 =	slt.s32 s9, $0x1;
	v61 =	vsub.s32 $0x0, v57;
	v2 =	vmul.f32 v2, v13;
	s5 =	sor.u32 s5, s7;
	s7 =	smin.u32 s19, s28  }
0x284: {  	v3 =	vmul.f32 v3, v14;
	s15 =	sld [smem:$0x7F1];
	v7 =	vmin.u32 v57, v61;
	v62 =	vsub.s32 $0x0, v58;
	s5 =	sshrl.u32 s5, $0x3;
	p0 =	slt.s32 s7, $0x1  }
0x285: {  	v7 =	vsub.s32 $0x1, v7;
	v2 =	vadd.f32 v2, v6;
	v5 =	vmin.u32 v58, v62;
	s19 =	ssub.s32 $0x0, s26;
	s5 =	sadd.s32 s5, s31;
	s7 =	simm.s32 @!p0 $0x1  }
0x286: {  	v4 =	vnsel vm10, $0x0, v4;
	v1 =	vld [tilespmem:$0x80];
	vm11 =	vgt.s32 v7, $0x0;
	v5 =	vsub.s32 $0x1, v5;
	[tilespmem:s2], [sflag:$0x1] =	stream.linear.gather [hbm4b:s5+s23], $0x10, $0x38  }
0x287: {  	s9 =	simm.s32 @!p1 $0x1;
	v7 =	vnsel vm11, $0x0, v7;
	v2 =	vadd.f32 v3, v2;
	v4 =	vmul.u32 s7, v4;
	s5 =	ssub.s32 s15, s30;
	s7 =	smin.u32 s26, s19  }
0x288: {  	vm12 =	vgt.s32 v5, $0x0;
	v7 =	vmul.u32 s9, v7;
	v63 =	vadd.s32 s5, v0;
	p0 =	slt.s32 s7, $0x1  }
0x289: {  	v5 =	vnsel vm12, $0x0, v5;
	_ =	swait.ge [sflag:s16], $0x10;
	v4 =	vcvt.s32.f32 v4;
	v3 =	vsub.s32 $0x0, v63;
	s7 =	simm.s32 @!p0 $0x1  }
0x28a: {  	s21 =	ssub.s32 $0x0, s30;
	[sflag:s16] =	ssyncset.done $0x0;
	s22 =	sld [smem:$0x7F2];
	v3 =	vmin.u32 v63, v3;
	v5 =	vmul.u32 s7, v5  }
0x28b: {  	s5 =	smin.u32 s30, s21;
	v7 =	vcvt.s32.f32 v7;
	s29 =	sld [smem:$0x7F4];
	[sflag:s16] =	ssyncadd.s32 $0xFFFFFFF0;
	v4 =	vmul.f32 v4, v15;
	v3 =	vsub.s32 $0x1, v3  }
0x28c: {  	p0 =	slt.s32 s5, $0x1;
	s26 =	sld [smem:$0x7F3];
	v9 =	vld [tilespmem:$0x10];
	vm13 =	vgt.s32 v3, $0x0;
	v5 =	vcvt.s32.f32 v5  }
0x28d: {  	s5 =	simm.s32 @!p0 $0x1;
	v10 =	vmul.f32 v7, v16;
	s7 =	ssub.s32 s22, s25;
	v2 =	vadd.f32 v4, v2;
	v3 =	vnsel vm13, $0x0, v3  }
0x28e: {  	v11 =	vadd.s32 s7, v0;
	s7 =	ssub.s32 s29, s10;
	v3 =	vmul.u32 s5, v3;
	v12 =	vmul.f32 v5, v17  }
0x28f: {  	v13 =	vsub.s32 $0x0, v11;
	s5 =	ssub.s32 s26, s20;
	v17 =	vadd.s32 s7, v0;
	v2 =	vadd.f32 v10, v2  }
0x290: {  	s28 =	ssub.s32 $0x0, s25;
	v5 =	vmin.u32 v11, v13;
	v14 =	vadd.s32 s5, v0;
	v30 =	vsub.s32 $0x0, v17  }
0x291: {  	s5 =	smin.u32 s25, s28;
	(v2sf) =	vpush v9, $0xF;
	v15 =	vsub.s32 $0x1, v5;
	v16 =	vsub.s32 $0x0, v14  }
0x292: {  	s30 =	ssub.s32 $0x0, s20;
	p0 =	slt.s32 s5, $0x1;
	v3 =	vcvt.s32.f32 v3;
	vm14 =	vgt.s32 v15, $0x0;
	v5 =	vmin.u32 v14, v16  }
0x293: {  	s9 =	sld [smem:$0x7F5];
	s7 =	smin.u32 s20, s30;
	v6 =	vmin.u32 v17, v30;
	s5 =	simm.s32 @!p0 $0x1;
	v4 =	vnsel vm14, $0x0, v15;
	v5 =	vsub.s32 $0x1, v5  }
0x294: {  	s31 =	ssub.s32 $0x0, s10;
	s19 =	sld [smem:$0x7F7];
	v2 =	vadd.f32 v12, v2;
	p0 =	slt.s32 s7, $0x1;
	v4 =	vmul.u32 s5, v4;
	vm15 =	vgt.s32 v5, $0x0  }
0x295: {  	s21 =	sld [smem:$0x7F8];
	v6 =	vsub.s32 $0x1, v6;
	v3 =	vmul.f32 v3, v18;
	s7 =	simm.s32 @!p0 $0x1;
	s5 =	smin.u32 s10, s31;
	v5 =	vnsel vm15, $0x0, v5  }
0x296: {  	s0 =	ssub.s32 s0, s1;
	s30 =	sld [smem:$0x7FA];
	vm4 =	vgt.s32 v6, $0x0;
	p0 =	slt.s32 s5, $0x1;
	v5 =	vmul.u32 s7, v5;
	v4 =	vcvt.s32.f32 v4  }
0x297: {  	v58 =	vadd.s32 s0, v0;
	s25 =	sld [smem:$0x7F9];
	v32 =	vnsel vm4, $0x0, v6;
	v2 =	vadd.f32 v3, v2;
	s5 =	simm.s32 @!p0 $0x1  }
0x298: {  	s11 =	ssub.s32 $0x0, s8;
	s10 =	sld [smem:$0x7F6];
	v3 =	vmul.f32 v4, v19;
	v31 =	vcvt.s32.f32 v5;
	v5 =	vmul.u32 s5, v32;
	s5 =	ssub.s32 s9, s8  }
0x299: {  	v59 =	vsub.s32 $0x0, v58;
	s7 =	smin.u32 s8, s11;
	s8 =	ssub.s32 s19, s12;
	s9 =	ssub.s32 s30, s13;
	v33 =	vadd.s32 s5, v0  }
0x29a: {  	v38 =	vadd.s32 s8, v0;
	v46 =	vadd.s32 s9, v0;
	v2 =	vadd.f32 v3, v2  }
0x29b: {  	s5 =	ssub.s32 s10, s6;
	s8 =	ssub.s32 s21, s3;
	v3 =	vmul.f32 v31, v21;
	v34 =	vcvt.s32.f32 v5;
	v35 =	vsub.s32 $0x0, v33  }
0x29c: {  	v36 =	vadd.s32 s5, v0;
	v39 =	vsub.s32 $0x0, v38;
	v40 =	vadd.s32 s8, v0;
	s8 =	ssub.s32 s25, s14  }
0x29d: {  	v37 =	vsub.s32 $0x0, v36;
	v6 =	vmin.u32 v38, v39;
	v41 =	vadd.s32 s8, v0  }
0x29e: {  	s15 =	ssub.s32 $0x0, s6;
	s29 =	ssub.s32 $0x0, s14;
	v2 =	vadd.f32 v3, v2;
	v3 =	vmin.u32 v33, v35;
	v5 =	vmin.u32 v36, v37  }
0x29f: {  	s20 =	ssub.s32 $0x0, s12;
	p0 =	slt.s32 s7, $0x1;
	s6 =	smin.u32 s6, s15;
	v43 =	vsub.s32 $0x0, v40;
	v3 =	vsub.s32 $0x1, v3;
	v5 =	vsub.s32 $0x1, v5  }
0x2a0: {  	s28 =	ssub.s32 $0x0, s3;
	s7 =	simm.s32 @!p0 $0x1;
	p0 =	slt.s32 s6, $0x1;
	v4 =	vmul.f32 v34, v23;
	vm5 =	vgt.s32 v3, $0x0;
	vm6 =	vgt.s32 v5, $0x0  }
0x2a1: {  	s3 =	smin.u32 s3, s28;
	s6 =	simm.s32 @!p0 $0x1;
	v6 =	vsub.s32 $0x1, v6;
	v3 =	vnsel vm5, $0x0, v3;
	v5 =	vnsel vm6, $0x0, v5;
	s5 =	spop (v2sf)  }
0x2a2: {  	s8 =	simm.s32 $0x1;
	v44 =	vsub.s32 $0x0, v41;
	v3 =	vmul.u32 s7, v3;
	v5 =	vmul.u32 s6, v5;
	s6 =	smin.u32 s12, s20;
	s22 =	sshra.s32 s5, $0x1F  }
0x2a3: {  	vm7 =	vgt.s32 v6, $0x0;
	v7 =	vmin.u32 v41, v44;
	v2 =	vadd.f32 v4, v2;
	s26 =	sand.u32 $0xF, s5;
	p0 =	slt.s32 s6, $0x1;
	p6 =	slt.s32 s5, $0x1  }
0x2a4: {  	v42 =	vnsel vm7, $0x0, v6;
	v6 =	vmin.u32 v40, v43;
	s7 =	sshrl.u32 s22, $0x1C;
	p5 =	sne.s32 s26, $0x0;
	v3 =	vcvt.s32.f32 v3;
	s6 =	simm.s32 @!p0 $0x1  }
0x2a5: {  	v7 =	vsub.s32 $0x1, v7;
	v5 =	vcvt.s32.f32 v5;
	s7 =	sadd.s32 s7, s5;
	v4 =	vmul.u32 s6, v42;
	p0 =	por !p6, !p5;
	s6 =	smin.u32 s14, s29  }
0x2a6: {  	v6 =	vsub.s32 $0x1, v6;
	vm9 =	vgt.s32 v7, $0x0;
	s7 =	sshra.s32 s7, $0x4;
	v3 =	vmul.f32 v3, v20;
	p0 =	por !p0, !p0;
	p1 =	slt.s32 s6, $0x1  }
0x2a7: {  	vm8 =	vgt.s32 v6, $0x0;
	v45 =	vnsel vm9, $0x0, v7;
	v5 =	vmul.f32 v5, v22;
	s8 =	simm.s32 @!p0 $0x0;
	p0 =	slt.s32 s3, $0x1;
	s6 =	simm.s32 @!p1 $0x1  }
0x2a8: {  	v4 =	vcvt.s32.f32 v4;
	v2 =	vadd.f32 v3, v2;
	v3 =	vnsel vm8, $0x0, v6;
	s3 =	simm.s32 @!p0 $0x1;
	s7 =	ssub.s32 s7, s8;
	s8 =	sld [smem:$0x7FB]  }
0x2a9: {  	s15 =	sld [smem:$0x7FC];
	v47 =	vsub.s32 $0x0, v46;
	v6 =	vmul.u32 s6, v45;
	v3 =	vmul.u32 s3, v3  }
0x2aa: {  	s11 =	ssub.s32 $0x0, s13;
	v4 =	vmul.f32 v4, v24;
	s10 =	sshll.u32 s7, $0x4;
	v2 =	vadd.f32 v5, v2;
	v5 =	vmin.u32 v46, v47  }
0x2ab: {  	s22 =	sld [smem:$0x7FD];
	v6 =	vcvt.s32.f32 v6;
	s3 =	ssub.s32 s10, s5;
	s6 =	ssub.s32 s8, s4;
	v3 =	vcvt.s32.f32 v3;
	v49 =	vsub.s32 $0x1, v5  }
0x2ac: {  	s31 =	sshll.u32 s7, $0x7;
	s8 =	ssub.s32 s15, s17;
	v60 =	vadd.s32 s3, v0;
	v48 =	vadd.s32 s6, v0;
	s6 =	smin.u32 s13, s11;
	v2 =	vadd.f32 v4, v2  }
0x2ad: {  	s9 =	sand.u32 $0xFFFFFC00, s31;
	vm10 =	vgt.s32 v49, $0x0;
	v51 =	vadd.s32 s8, v0;
	v50 =	vsub.s32 $0x0, v48;
	p0 =	slt.s32 s6, $0x1  }
0x2ae: {  	s12 =	sadd.s32 s24, s9;
	s24 =	ssub.s32 s22, s18;
	v3 =	vmul.f32 v3, v25;
	v4 =	vnsel vm10, $0x0, v49;
	v5 =	vmin.u32 v48, v50;
	s6 =	simm.s32 @!p0 $0x1  }
0x2af: {  	s14 =	ssub.s32 $0x0, s4;
	v54 =	vadd.s32 s24, v0;
	v5 =	vsub.s32 $0x1, v5;
	v4 =	vmul.u32 s6, v4  }
0x2b0: {  	s4 =	smin.u32 s4, s14;
	v2 =	vadd.f32 v3, v2;
	v3 =	vmul.f32 v6, v26;
	vm11 =	vgt.s32 v5, $0x0  }
0x2b1: {  	v61 =	vsub.s32 $0x0, v60;
	v53 =	vsub.s32 $0x0, v51;
	p0 =	slt.s32 s4, $0x1;
	v5 =	vnsel vm11, $0x0, v5  }
0x2b2: {  	s21 =	ssub.s32 $0x0, s17;
	s13 =	sand.u32 $0x70, s10;
	s4 =	simm.s32 @!p0 $0x1;
	v4 =	vcvt.s32.f32 v4;
	v2 =	vadd.f32 v3, v2;
	v3 =	vmin.u32 v51, v53  }
0x2b3: {  	s25 =	ssub.s32 $0x0, s18;
	s7 =	sor.u32 s13, s12;
	v56 =	vsub.s32 $0x0, v54;
	v5 =	vmul.u32 s4, v5;
	s4 =	smin.u32 s17, s21;
	v3 =	vsub.s32 $0x1, v3  }
0x2b4: {  	s20 =	rddreg [dreg:$0xe];
	v7 =	vmin.u32 v60, v61;
	s19 =	sshrl.u32 s7, $0x3;
	v4 =	vmul.f32 v4, v27;
	vm12 =	vgt.s32 v3, $0x0;
	p0 =	slt.s32 s4, $0x1  }
0x2b5: {  	s0 =	smin.u32 s18, s25;
	v57 =	vmin.u32 v54, v56;
	s6 =	sadd.s32 s19, s20;
	v5 =	vcvt.s32.f32 v5;
	v3 =	vnsel vm12, $0x0, v3;
	s4 =	simm.s32 @!p0 $0x1  }
0x2b6: {  	v52 =	vld [tilespmem:$0x80];
	[tilespmem:s2], [sflag:$0x1] =	stream.linear.gather [hbm4b:s6+s23], $0x10, $0x38;
	v2 =	vadd.f32 v4, v2;
	v3 =	vmul.u32 s4, v3;
	v4 =	vsub.s32 $0x1, v57  }
0x2b7: {  	s26 =	ssub.s32 $0x0, s1;
	p0 =	slt.s32 s0, $0x1;
	v55 =	vmul.f32 v5, v29;
	vm13 =	vgt.s32 v4, $0x0;
	v5 =	vmin.u32 v58, v59  }
0x2b8: {  	s1 =	smin.u32 s1, s26;
	s0 =	simm.s32 @!p0 $0x1;
	v3 =	vcvt.s32.f32 v3;
	v4 =	vnsel vm13, $0x0, v4;
	v5 =	vsub.s32 $0x1, v5  }
0x2b9: {  	s28 =	ssub.s32 $0x0, s5;
	v7 =	vsub.s32 $0x1, v7;
	_ =	swait.ge [sflag:s16], $0x10;
	p0 =	slt.s32 s1, $0x1;
	v4 =	vmul.u32 s0, v4;
	vm14 =	vgt.s32 v5, $0x0  }
0x2ba: {  	[sflag:s16] =	ssyncset.done $0x0;
	s1 =	simm.s32 @!p0 $0x1;
	v2 =	vadd.f32 v55, v2;
	s0 =	smin.u32 s5, s28;
	v3 =	vmul.f32 v3, v28;
	v5 =	vnsel vm14, $0x0, v5  }
0x2bb: {  	vm15 =	vgt.s32 v7, $0x0;
	[sflag:s16] =	ssyncadd.s32 $0xFFFFFFF0;
	p0 =	slt.s32 s0, $0x1;
	v4 =	vcvt.s32.f32 v4;
	v5 =	vmul.u32 s1, v5  }
0x2bc: {  	v62 =	vld [tilespmem:$0x80];
	s0 =	simm.s32 @!p0 $0x1;
	v2 =	vadd.f32 v3, v2;
	v3 =	vnsel vm15, $0x0, v7  }
0x2bd: {  	v1 =	vmul.f32 v4, v1;
	v63 =	vcvt.s32.f32 v5;
	v3 =	vmul.u32 s0, v3;
	_ =	sdelay $0x1  }
0x2be: {  	v1 =	vadd.f32 v1, v2;
	v2 =	vmul.f32 v63, v52;
	v3 =	vcvt.s32.f32 v3;
	_ =	sdelay $0x1  }
0x2bf: {  	v1 =	vadd.f32 v2, v1;
	v2 =	vmul.f32 v3, v62;
	_ =	sdelay $0x1  }
0x2c0: {  	v1 =	vadd.f32 v2, v1;
	_ =	sdelay $0x1  }
0x2c1: {  	s31 =	rddreg [dreg:$0x12];
	v1 =	vmul.f32 $-8.999990220e-01, v1  }
0x2c2: {  	s29 =	rddreg [dreg:$0x4];
	p0 =	sne.s32 s31, $0x1  }
.Ltmp0:
0x2c3: {  	s30 =	rddreg [dreg:$0x5];
	[tilespmem:$0x100] =	vst v1;
	(pc) =	sbr.rel @p0 .LBB2_1-.Ltmp0, $4  }
0x2c4: {  	[hbm4b:s29+s23] =	stream.linear.scatter [tilespmem:s30], [sflag:$0x1], $0x10, $0x38;
	[tilespmem:$0x180] =	vst v63  }
0x2c5: {  	_ =	swait.ge [sflag:s16], $0x10  }
0x2c6: {  	[sflag:s16] =	ssyncset.done $0x0  }
0x2c7: {  	s1 =	sadd.s32 $0xFFFFFFFF, s31;
	[sflag:s16] =	ssyncadd.s32 $0xFFFFFFF0  }
0x2c8: {  	_ =	sfence.sel $0x180000  }
0x2c9: {  	[bflag:$0x0] =	sbarrier.arrive $0xFFFF  }
0x2ca: {  	_ =	strace $0x90000047  }
0x2cb: {  	s0 =	stileid.u32;
	[bflag:$0x2] =	sbarrier.arrive $0xFFFF  }
0x2cc: {  	p0 =	sne.s32 s0, $0x0;
	s0 =	rddreg [dreg:$0x2]  }
0x2cd: {  	s0 =	sadd.s32 @!p0 $0x100000, s0  }
0x2ce: {  	[sflag:s0] =	ssyncadd.tile.s32 @!p0 $0x1;
	_ =	shalt  }
.Lfunc_end2:
_tile_overlayer_lowered:
.L_overlay_start_2:
0x2cf: {  	(tag) =	ssettag $0x2  }
0x2d0: {  	s0 =	rddreg [dreg:$0x0];
	s2 =	stileid.u32  }
0x2d1: {  	s1 =	rddreg [dreg:$0x1];
	p0 =	sne.s32 s2, $0x0  }
0x2d2: {  	s3 =	rddreg [dreg:$0x2];
	[bflag:$0x3] =	sbarrier.arrive $0xFFFF;
	s2 =	simm.s32 @!p0 $0x1C01  }
0x2d3: {  	[timem:s3], [sflag:s2] =	dma.local @!p0 [hbm:s0], s1  }
0x2d4: {  	s0 =	simm.s32 @!p0 $0x1  }
0x2d5: {  	_ =	swait.ge @!p0 [sflag:s0], s1  }
0x2d6: {  	s1 =	ssub.s32 @!p0 $0x0, s1;
	[sflag:s0] =	ssyncset.done @!p0 $0x0  }
0x2d7: {  	[sflag:s0] =	ssyncadd.s32 @!p0 s1  }
0x2d8: {  	[bflag:$0x3] =	sbarrier.arrive $0xFFFF  }
0x2d9: {  	_ =	shalt  }

</sc_bundles>
